<compile_context>
chip_gen: v7x
topology: tpu7x:2x2x1
jax: 0.10.2.dev20260603
libtpu: 0.0.44.dev20260713+nightly
codegen_flags: <defaults>
</compile_context>

<pallas_src>
import functools

import jax
import jax.numpy as jnp
from jax import lax
from jax.experimental import pallas as pl
from jax.experimental.pallas import tpu as pltpu, tpu_sc as plsc

N = 10000
E = 320000
D = 128
H = 128
HH = H // 2
C = 32
G = 128

NC = 2
NS = 16
NW = NC * NS
CHUNK = 128
CPT = 159
CPH = 81
PARTS = (81, 78)
EP = NS * CPT * CHUNK
CHUNK_DEG = 128
CPW_DEG = 80
EP_DEG = NW * CPW_DEG * CHUNK_DEG
NP = 10240
RPT = NP // NS

_mesh = plsc.VectorSubcoreMesh(core_axis_name="c", subcore_axis_name="s")



@functools.partial(
    pl.kernel,
    out_type=jax.ShapeDtypeStruct((NC, NP), jnp.float32),
    mesh=_mesh,
    scratch_types=[
        pltpu.VMEM((CPW_DEG, CHUNK_DEG), jnp.int32),
        pltpu.VMEM((CHUNK_DEG,), jnp.float32),
        pltpu.VMEM_SHARED((NP,), jnp.float32),
    ],
)
def _sc_degree(dst_hbm, zeros1_hbm, deg_out, dst_v, ones_v, acc):
    cid = lax.axis_index("c")
    sid = lax.axis_index("s")
    wid = sid * NC + cid
    pltpu.sync_copy(zeros1_hbm, acc.at[pl.ds(sid * RPT, RPT)])
    pltpu.sync_copy(dst_hbm.at[wid], dst_v)
    for i in range(CHUNK_DEG // 16):
        ones_v[pl.ds(i * 16, 16)] = jnp.full((16,), 1.0, dtype=jnp.float32)
    plsc.subcore_barrier()

    def body(j, carry):
        pltpu.sync_copy(ones_v, acc.at[dst_v.at[j]], add=True)
        return carry

    lax.fori_loop(0, CPW_DEG, body, 0)
    plsc.subcore_barrier()
    pltpu.sync_copy(acc.at[pl.ds(sid * RPT, RPT)],
                    deg_out.at[cid, pl.ds(sid * RPT, RPT)])


@functools.partial(
    pl.kernel,
    out_type=jax.ShapeDtypeStruct((NC, NP, HH), jnp.float32),
    mesh=_mesh,
    scratch_types=[
        pltpu.VMEM((CPH, CHUNK), jnp.int32),
        pltpu.VMEM((CPH, CHUNK), jnp.int32),
        pltpu.VMEM((CHUNK, HH), jnp.float32),
        pltpu.VMEM((CHUNK, HH), jnp.float32),
        pltpu.VMEM((CHUNK, HH), jnp.float32),
        pltpu.VMEM_SHARED((NP, HH), jnp.float32),
        pltpu.VMEM_SHARED((NP, HH), jnp.float32),
        pltpu.SemaphoreType.DMA((3,)),
        pltpu.SemaphoreType.DMA((3,)),
    ],
    compiler_params=pltpu.CompilerParams(use_tc_tiling_on_sc=False),
)
def _sc_spmm(src_hbm, dst_hbm, h_hbm, zeros2_hbm, out_hbm,
             src_v, dst_v, r0, r1, r2, table, acc, sem_g, sem_s):
    rows = (r0, r1, r2)
    cid = lax.axis_index("c")
    sid = lax.axis_index("s")
    rs = pl.ds(sid * RPT, RPT)
    pltpu.sync_copy(h_hbm.at[cid, rs], table.at[rs])
    pltpu.sync_copy(zeros2_hbm, acc.at[rs])
    plsc.subcore_barrier()

    def gwait(j, sl):
        pltpu.make_async_copy(table.at[src_v.at[j]], rows[sl],
                              sem_g.at[sl]).wait()

    def gfire(j, sl):
        pltpu.async_copy(table.at[src_v.at[j]], rows[sl], sem_g.at[sl])

    def swait(j, sl):
        pltpu.make_async_copy(rows[sl], acc.at[dst_v.at[j]],
                              sem_s.at[sl]).wait()

    def sfire(j, sl):
        pltpu.async_copy(rows[sl], acc.at[dst_v.at[j]], sem_s.at[sl],
                         add=True)

    def run_part(n):
        gfire(0, 0)
        gfire(1, 1)
        gwait(0, 0)
        sfire(0, 0)
        gfire(2, 2)
        gwait(1, 1)
        sfire(1, 1)

        def body(i, carry):
            for b in range(3):
                j = 3 * i + 2 + b
                sl = (2 + b) % 3
                sn = (sl + 1) % 3
                swait(j - 2, sn)
                gfire(j + 1, sn)
                gwait(j, sl)
                sfire(j, sl)
            return carry

        lax.fori_loop(0, (n - 3) // 3, body, 0)
        swait(n - 3, 0)
        gwait(n - 1, 2)
        sfire(n - 1, 2)
        swait(n - 2, 1)
        swait(n - 1, 2)

    base = 0
    for n in PARTS:
        pltpu.sync_copy(src_hbm.at[sid, pl.ds(base, n)],
                        src_v.at[pl.ds(0, n)])
        pltpu.sync_copy(dst_hbm.at[sid, pl.ds(base, n)],
                        dst_v.at[pl.ds(0, n)])
        run_part(n)
        base += n
    plsc.subcore_barrier()
    pltpu.sync_copy(acc.at[rs], out_hbm.at[cid, rs])



def _split_halves(h):
    return jnp.stack([h[:, :HH], h[:, HH:]])


def _tc0_body(xp_ref, w1_ref, g1_ref):
    g1_ref[...] = jnp.dot(xp_ref[...], w1_ref[...],
                          preferred_element_type=jnp.float32)


def _tc1_body(degp_ref, g1_ref, dis_ref, h1_ref):
    deg = (degp_ref[0] + degp_ref[1]) + 1.0
    dis = lax.rsqrt(deg)
    dis_ref[...] = dis
    h1_ref[...] = _split_halves(g1_ref[...] * dis[:, None])


def _tc2_body(acc_ref, h1p_ref, dis_ref, b1_ref, w2_ref, h2p_ref):
    agg = acc_ref[...] + h1p_ref[...]
    full = jnp.concatenate([agg[0], agg[1]], axis=-1)
    dis = dis_ref[...]
    h1 = jnp.maximum(full * dis[:, None] + b1_ref[...][None, :], 0.0)
    h = jnp.dot(h1, w2_ref[...], preferred_element_type=jnp.float32)
    h2p_ref[...] = _split_halves(h * dis[:, None])


def _tc3_body(acc_ref, h2p_ref, dis_ref, b2_ref, batchp_ref, wfc_ref,
              bfc_ref, out_ref):
    agg = acc_ref[...] + h2p_ref[...]
    full = jnp.concatenate([agg[0], agg[1]], axis=-1)
    dis = dis_ref[...]
    h2 = jnp.maximum(full * dis[:, None] + b2_ref[...][None, :], 0.0)
    gid = lax.broadcasted_iota(jnp.int32, (G, NP), 0)
    p = (batchp_ref[...][None, :] == gid).astype(jnp.float32)
    sums = jnp.dot(p, h2, preferred_element_type=jnp.float32)
    counts = jnp.sum(p, axis=1)
    pooled = sums / jnp.maximum(counts, 1.0)[:, None]
    out_ref[...] = (jnp.dot(pooled, wfc_ref[...],
                            preferred_element_type=jnp.float32)
                    + bfc_ref[...][None, :])



def kernel(x, edge_index, batch, W1, b1, W2, b2, Wfc, bfc):
    src = edge_index[0]
    dst = edge_index[1]
    srcp = jnp.concatenate([src, jnp.zeros((EP - E,), jnp.int32)])
    dstp = jnp.concatenate([dst, jnp.full((EP - E,), N, jnp.int32)])
    src16 = srcp.reshape(NS, CPT, CHUNK)
    dst16 = dstp.reshape(NS, CPT, CHUNK)
    dst32 = jnp.concatenate(
        [dst, jnp.full((EP_DEG - E,), N, jnp.int32)]).reshape(
            NW, CPW_DEG, CHUNK_DEG)
    xp = jnp.pad(x, ((0, NP - N), (0, 0)))
    batchp = jnp.pad(batch, (0, NP - N), constant_values=G)
    zeros1 = jnp.zeros((RPT,), jnp.float32)
    zeros2 = jnp.zeros((RPT, HH), jnp.float32)

    g1 = pl.pallas_call(
        _tc0_body,
        out_shape=jax.ShapeDtypeStruct((NP, H), jnp.float32),
    )(xp, W1)
    degp = _sc_degree(dst32, zeros1)

    dis, h1p = pl.pallas_call(
        _tc1_body,
        out_shape=(jax.ShapeDtypeStruct((NP,), jnp.float32),
                   jax.ShapeDtypeStruct((NC, NP, HH), jnp.float32)),
    )(degp, g1)

    acc1 = _sc_spmm(src16, dst16, h1p, zeros2)

    h2p = pl.pallas_call(
        _tc2_body,
        out_shape=jax.ShapeDtypeStruct((NC, NP, HH), jnp.float32),
    )(acc1, h1p, dis, b1, W2)

    acc2 = _sc_spmm(src16, dst16, h2p, zeros2)

    out = pl.pallas_call(
        _tc3_body,
        out_shape=jax.ShapeDtypeStruct((G, C), jnp.float32),
    )(acc2, h2p, dis, b2, batchp, Wfc, bfc)

    return out

# --- scband reference (transcript-rebuilt; emitter-appended) ---
"""Pipeline reference for scband-gcn-43585328120189 (READ-ONLY COPY).

The authoritative reference and input builder live on the scoring server;
editing this copy changes nothing except your own understanding.
"""

import jax, jax.numpy as jnp
import numpy as np

N = 10000   # nodes
E = 320000  # edges
D = 128     # input features
H = 128     # hidden dim
C = 32      # output classes
G = 128     # number of graphs in batch


def setup_inputs(seed: int = 0) -> dict:
    key = jax.random.key(seed)
    ks = jax.random.split(key, 10)
    x = jax.random.normal(ks[0], (N, D), dtype=jnp.float32)
    edge_index = jax.random.randint(ks[1], (2, E), 0, N, dtype=jnp.int32)
    batch = jnp.sort(jax.random.randint(ks[2], (N,), 0, G, dtype=jnp.int32))
    s1 = 1.0 / np.sqrt(D)
    s2 = 1.0 / np.sqrt(H)
    W1 = jax.random.normal(ks[3], (D, H), dtype=jnp.float32) * s1
    b1 = jnp.zeros((H,), dtype=jnp.float32)
    W2 = jax.random.normal(ks[4], (H, H), dtype=jnp.float32) * s2
    b2 = jnp.zeros((H,), dtype=jnp.float32)
    Wfc = jax.random.normal(ks[5], (H, C), dtype=jnp.float32) * s2
    bfc = jnp.zeros((C,), dtype=jnp.float32)
    return {"x": x, "edge_index": edge_index, "batch": batch,
            "W1": W1, "b1": b1, "W2": W2, "b2": b2, "Wfc": Wfc, "bfc": bfc}


def _gcn_conv(x, edge_index, W, b, num_nodes):
    # PyG GCNConv: add self-loops, symmetric normalization, linear transform, scatter-add, bias
    src = edge_index[0]
    dst = edge_index[1]
    loop = jnp.arange(num_nodes, dtype=src.dtype)
    s = jnp.concatenate([src, loop])
    d = jnp.concatenate([dst, loop])
    ones = jnp.ones(s.shape[0], dtype=x.dtype)
    deg = jax.ops.segment_sum(ones, d, num_segments=num_nodes)
    deg_inv_sqrt = jnp.where(deg > 0, deg ** -0.5, 0.0)
    norm = deg_inv_sqrt[s] * deg_inv_sqrt[d]
    h = x @ W
    msg = h[s] * norm[:, None]
    out = jax.ops.segment_sum(msg, d, num_segments=num_nodes)
    return out + b


def reference(x, edge_index, batch, W1, b1, W2, b2, Wfc, bfc):
    h = _gcn_conv(x, edge_index, W1, b1, N)
    h = jax.nn.relu(h)
    # dropout_rate = 0.0 -> identity
    h = _gcn_conv(h, edge_index, W2, b2, N)
    h = jax.nn.relu(h)
    # global_mean_pool over graph ids in `batch`
    sums = jax.ops.segment_sum(h, batch, num_segments=G)
    counts = jax.ops.segment_sum(jnp.ones((N,), dtype=h.dtype), batch, num_segments=G)
    pooled = sums / jnp.maximum(counts, 1.0)[:, None]
    out = pooled @ Wfc + bfc
    return out

if __name__ == "__main__":
    import jax
    _d = setup_inputs()
    print(jax.jit(kernel)(*tuple(_d.values())))

</pallas_src>

<mosaic_0001>
#map = affine_map<(d0, d1) -> (0, 0, 0)>
#map1 = affine_map<(d0, d1) -> (0)>
#map2 = affine_map<(d0, d1) -> (0, 0)>
module attributes {stable_mosaic.version = 14 : i64} {
  func.func @_sc_degree(%arg0: i32, %arg1: i32, %arg2: memref<32x80x128xi32, #tpu.memory_space<hbm>>, %arg3: memref<640xf32, #tpu.memory_space<hbm>>, %arg4: memref<2x10240xf32, #tpu.memory_space<hbm>>, %arg5: memref<80x128xi32, #tpu.memory_space<vmem>>, %arg6: memref<128xf32, #tpu.memory_space<vmem>>, %arg7: memref<10240xf32, #tpu.memory_space<vmem_shared>>) attributes {dimension_semantics = [#tpu.dimension_semantics<core_parallel>, #tpu.dimension_semantics<subcore_parallel>], iteration_bounds = array<i64: 2, 16>, scalar_prefetch = 0 : i64, scratch_operands = 3 : i64, tpu.core_type = #tpu.core_type<sc_vector_subcore>, window_params = [{transform_indices = #map}, {transform_indices = #map1}, {transform_indices = #map2}]} {
    %mul3A = arith.constant 2 : i32
    %mul3A_0 = arith.muli %arg1, %mul3A : i32
    %add3A = arith.addi %mul3A_0, %arg0 : i32
    %mul3A_1 = arith.constant 640 : i32
    %mul3A_2 = arith.muli %arg1, %mul3A_1 : i32
    "tpu.region"() ({
      %run_scoped3A = tpu.sem_alloc : memref<!tpu.dma_semaphore, #tpu.memory_space<semaphore_mem>>
      %dma_start3A = tpu.memref_slice %arg7[%mul3A_2] : memref<10240xf32, #tpu.memory_space<vmem_shared>> -> memref<640xf32, #tpu.memory_space<vmem_shared>>
      tpu.enqueue_dma source(%arg3 : memref<640xf32, #tpu.memory_space<hbm>>) target(%dma_start3A : memref<640xf32, #tpu.memory_space<vmem_shared>>) target_semaphore(%run_scoped3A : memref<!tpu.dma_semaphore, #tpu.memory_space<semaphore_mem>>)
      %dma_wait3A = tpu.memref_slice %arg7[%mul3A_2] : memref<10240xf32, #tpu.memory_space<vmem_shared>> -> memref<640xf32, #tpu.memory_space<vmem_shared>>
      tpu.wait_dma2 semaphore(%run_scoped3A : memref<!tpu.dma_semaphore, #tpu.memory_space<semaphore_mem>>) src(%arg3 : memref<640xf32, #tpu.memory_space<hbm>>) dst(%dma_wait3A : memref<640xf32, #tpu.memory_space<vmem_shared>>)
      tpu.yield
    }) : () -> ()
    "tpu.region"() ({
      %run_scoped3A = tpu.sem_alloc : memref<!tpu.dma_semaphore, #tpu.memory_space<semaphore_mem>>
      %dma_start3A = arith.constant 0 : i32
      %dma_start3A_59 = arith.constant 0 : i32
      %dma_start3A_60 = tpu.memref_slice %arg2[%add3A, %dma_start3A, %dma_start3A_59] : memref<32x80x128xi32, #tpu.memory_space<hbm>> -> memref<1x80x128xi32, #tpu.memory_space<hbm>>
      %dma_start3A_61 = tpu.memref_squeeze %dma_start3A_60 : memref<1x80x128xi32, #tpu.memory_space<hbm>> -> memref<80x128xi32, #tpu.memory_space<hbm>>
      %dma_start3A_62 = arith.constant 0 : i32
      %dma_start3A_63 = arith.constant 0 : i32
      %dma_start3A_64 = tpu.memref_slice %arg2[%add3A, %dma_start3A_62, %dma_start3A_63] : memref<32x80x128xi32, #tpu.memory_space<hbm>> -> memref<1x80x128xi32, #tpu.memory_space<hbm>>
      %dma_start3A_65 = tpu.memref_squeeze %dma_start3A_64 : memref<1x80x128xi32, #tpu.memory_space<hbm>> -> memref<80x128xi32, #tpu.memory_space<hbm>>
      tpu.enqueue_dma source(%dma_start3A_65 : memref<80x128xi32, #tpu.memory_space<hbm>>) target(%arg5 : memref<80x128xi32, #tpu.memory_space<vmem>>) target_semaphore(%run_scoped3A : memref<!tpu.dma_semaphore, #tpu.memory_space<semaphore_mem>>)
      %dma_wait3A = arith.constant 0 : i32
      %dma_wait3A_66 = arith.constant 0 : i32
      %dma_wait3A_67 = tpu.memref_slice %arg2[%add3A, %dma_wait3A, %dma_wait3A_66] : memref<32x80x128xi32, #tpu.memory_space<hbm>> -> memref<1x80x128xi32, #tpu.memory_space<hbm>>
      %dma_wait3A_68 = tpu.memref_squeeze %dma_wait3A_67 : memref<1x80x128xi32, #tpu.memory_space<hbm>> -> memref<80x128xi32, #tpu.memory_space<hbm>>
      %dma_wait3A_69 = arith.constant 0 : i32
      %dma_wait3A_70 = arith.constant 0 : i32
      %dma_wait3A_71 = tpu.memref_slice %arg2[%add3A, %dma_wait3A_69, %dma_wait3A_70] : memref<32x80x128xi32, #tpu.memory_space<hbm>> -> memref<1x80x128xi32, #tpu.memory_space<hbm>>
      %dma_wait3A_72 = tpu.memref_squeeze %dma_wait3A_71 : memref<1x80x128xi32, #tpu.memory_space<hbm>> -> memref<80x128xi32, #tpu.memory_space<hbm>>
      tpu.wait_dma2 semaphore(%run_scoped3A : memref<!tpu.dma_semaphore, #tpu.memory_space<semaphore_mem>>) src(%dma_wait3A_72 : memref<80x128xi32, #tpu.memory_space<hbm>>) dst(%arg5 : memref<80x128xi32, #tpu.memory_space<vmem>>)
      tpu.yield
    }) : () -> ()
    %broadcast_in_dim3A = arith.constant 1.000000e+00 : f32
    %broadcast_in_dim3A_3 = vector.broadcast %broadcast_in_dim3A : f32 to vector<16xf32>
    %swap3A = arith.constant 0 : index
    %swap3A_4 = tpu.vector_load %arg6[%swap3A] {strides = array<i32>} : memref<128xf32, #tpu.memory_space<vmem>>, vector<16xf32>,
    %swap3A_5 = vector.shape_cast %swap3A_4 : vector<16xf32> to vector<16xf32>
    %swap3A_6 = vector.shape_cast %broadcast_in_dim3A_3 : vector<16xf32> to vector<16xf32>
    tpu.vector_store %arg6[%swap3A], %swap3A_6 {strides = array<i32>} : memref<128xf32, #tpu.memory_space<vmem>>, vector<16xf32>,
    %broadcast_in_dim3A_7 = arith.constant 1.000000e+00 : f32
    %broadcast_in_dim3A_8 = vector.broadcast %broadcast_in_dim3A_7 : f32 to vector<16xf32>
    %swap3A_9 = arith.constant 16 : index
    %swap3A_10 = tpu.vector_load %arg6[%swap3A_9] {strides = array<i32>} : memref<128xf32, #tpu.memory_space<vmem>>, vector<16xf32>,
    %swap3A_11 = vector.shape_cast %swap3A_10 : vector<16xf32> to vector<16xf32>
    %swap3A_12 = vector.shape_cast %broadcast_in_dim3A_8 : vector<16xf32> to vector<16xf32>
    tpu.vector_store %arg6[%swap3A_9], %swap3A_12 {strides = array<i32>} : memref<128xf32, #tpu.memory_space<vmem>>, vector<16xf32>,
    %broadcast_in_dim3A_13 = arith.constant 1.000000e+00 : f32
    %broadcast_in_dim3A_14 = vector.broadcast %broadcast_in_dim3A_13 : f32 to vector<16xf32>
    %swap3A_15 = arith.constant 32 : index
    %swap3A_16 = tpu.vector_load %arg6[%swap3A_15] {strides = array<i32>} : memref<128xf32, #tpu.memory_space<vmem>>, vector<16xf32>,
    %swap3A_17 = vector.shape_cast %swap3A_16 : vector<16xf32> to vector<16xf32>
    %swap3A_18 = vector.shape_cast %broadcast_in_dim3A_14 : vector<16xf32> to vector<16xf32>
    tpu.vector_store %arg6[%swap3A_15], %swap3A_18 {strides = array<i32>} : memref<128xf32, #tpu.memory_space<vmem>>, vector<16xf32>,
    %broadcast_in_dim3A_19 = arith.constant 1.000000e+00 : f32
    %broadcast_in_dim3A_20 = vector.broadcast %broadcast_in_dim3A_19 : f32 to vector<16xf32>
    %swap3A_21 = arith.constant 48 : index
    %swap3A_22 = tpu.vector_load %arg6[%swap3A_21] {strides = array<i32>} : memref<128xf32, #tpu.memory_space<vmem>>, vector<16xf32>,
    %swap3A_23 = vector.shape_cast %swap3A_22 : vector<16xf32> to vector<16xf32>
    %swap3A_24 = vector.shape_cast %broadcast_in_dim3A_20 : vector<16xf32> to vector<16xf32>
    tpu.vector_store %arg6[%swap3A_21], %swap3A_24 {strides = array<i32>} : memref<128xf32, #tpu.memory_space<vmem>>, vector<16xf32>,
    %broadcast_in_dim3A_25 = arith.constant 1.000000e+00 : f32
    %broadcast_in_dim3A_26 = vector.broadcast %broadcast_in_dim3A_25 : f32 to vector<16xf32>
    %swap3A_27 = arith.constant 64 : index
    %swap3A_28 = tpu.vector_load %arg6[%swap3A_27] {strides = array<i32>} : memref<128xf32, #tpu.memory_space<vmem>>, vector<16xf32>,
    %swap3A_29 = vector.shape_cast %swap3A_28 : vector<16xf32> to vector<16xf32>
    %swap3A_30 = vector.shape_cast %broadcast_in_dim3A_26 : vector<16xf32> to vector<16xf32>
    tpu.vector_store %arg6[%swap3A_27], %swap3A_30 {strides = array<i32>} : memref<128xf32, #tpu.memory_space<vmem>>, vector<16xf32>,
    %broadcast_in_dim3A_31 = arith.constant 1.000000e+00 : f32
    %broadcast_in_dim3A_32 = vector.broadcast %broadcast_in_dim3A_31 : f32 to vector<16xf32>
    %swap3A_33 = arith.constant 80 : index
    %swap3A_34 = tpu.vector_load %arg6[%swap3A_33] {strides = array<i32>} : memref<128xf32, #tpu.memory_space<vmem>>, vector<16xf32>,
    %swap3A_35 = vector.shape_cast %swap3A_34 : vector<16xf32> to vector<16xf32>
    %swap3A_36 = vector.shape_cast %broadcast_in_dim3A_32 : vector<16xf32> to vector<16xf32>
    tpu.vector_store %arg6[%swap3A_33], %swap3A_36 {strides = array<i32>} : memref<128xf32, #tpu.memory_space<vmem>>, vector<16xf32>,
    %broadcast_in_dim3A_37 = arith.constant 1.000000e+00 : f32
    %broadcast_in_dim3A_38 = vector.broadcast %broadcast_in_dim3A_37 : f32 to vector<16xf32>
    %swap3A_39 = arith.constant 96 : index
    %swap3A_40 = tpu.vector_load %arg6[%swap3A_39] {strides = array<i32>} : memref<128xf32, #tpu.memory_space<vmem>>, vector<16xf32>,
    %swap3A_41 = vector.shape_cast %swap3A_40 : vector<16xf32> to vector<16xf32>
    %swap3A_42 = vector.shape_cast %broadcast_in_dim3A_38 : vector<16xf32> to vector<16xf32>
    tpu.vector_store %arg6[%swap3A_39], %swap3A_42 {strides = array<i32>} : memref<128xf32, #tpu.memory_space<vmem>>, vector<16xf32>,
    %broadcast_in_dim3A_43 = arith.constant 1.000000e+00 : f32
    %broadcast_in_dim3A_44 = vector.broadcast %broadcast_in_dim3A_43 : f32 to vector<16xf32>
    %swap3A_45 = arith.constant 112 : index
    %swap3A_46 = tpu.vector_load %arg6[%swap3A_45] {strides = array<i32>} : memref<128xf32, #tpu.memory_space<vmem>>, vector<16xf32>,
    %swap3A_47 = vector.shape_cast %swap3A_46 : vector<16xf32> to vector<16xf32>
    %swap3A_48 = vector.shape_cast %broadcast_in_dim3A_44 : vector<16xf32> to vector<16xf32>
    tpu.vector_store %arg6[%swap3A_45], %swap3A_48 {strides = array<i32>} : memref<128xf32, #tpu.memory_space<vmem>>, vector<16xf32>,
    %barrier3A = arith.constant 0 : index
    tpu.barrier barrier_id(%barrier3A)
    %scan3A = arith.constant 0 : i32
    %scan3A_49 = arith.constant 0 : i32
    %scan3A_50 = arith.constant 80 : i32
    %scan3A_51 = arith.addi %scan3A_49, %scan3A_50 : i32
    %scan3A_52 = arith.constant 1 : i32
    scf.for %scan3A_59 = %scan3A_49 to %scan3A_51 step %scan3A_52  : i32 {
      "tpu.region"() ({
        %run_scoped3A = tpu.sem_alloc : memref<!tpu.dma_semaphore, #tpu.memory_space<semaphore_mem>>
        %dma_start3A = arith.constant 0 : i32
        %dma_start3A_60 = tpu.memref_slice %arg5[%scan3A_59, %dma_start3A] : memref<80x128xi32, #tpu.memory_space<vmem>> -> memref<1x128xi32, #tpu.memory_space<vmem>>
        %dma_start3A_61 = tpu.memref_squeeze %dma_start3A_60 : memref<1x128xi32, #tpu.memory_space<vmem>> -> memref<128xi32, #tpu.memory_space<vmem>>
        %dma_start3A_62 = arith.constant 0 : i32
        %dma_start3A_63 = tpu.memref_slice %arg7[%dma_start3A_62] : memref<10240xf32, #tpu.memory_space<vmem_shared>> -> memref<10240xf32, #tpu.memory_space<vmem_shared>>
        tpu.enqueue_indirect_dma source(%arg6 : memref<128xf32, #tpu.memory_space<vmem>>) target(%dma_start3A_63 : memref<10240xf32, #tpu.memory_space<vmem_shared>>) offsets(%dma_start3A_61 : memref<128xi32, #tpu.memory_space<vmem>>) semaphore(%run_scoped3A : memref<!tpu.dma_semaphore, #tpu.memory_space<semaphore_mem>>) {add = true}
        %dma_wait3A = arith.constant 0 : i32
        %dma_wait3A_64 = tpu.memref_slice %arg5[%scan3A_59, %dma_wait3A] : memref<80x128xi32, #tpu.memory_space<vmem>> -> memref<1x128xi32, #tpu.memory_space<vmem>>
        %dma_wait3A_65 = tpu.memref_squeeze %dma_wait3A_64 : memref<1x128xi32, #tpu.memory_space<vmem>> -> memref<128xi32, #tpu.memory_space<vmem>>
        %dma_wait3A_66 = arith.constant 0 : i32
        %dma_wait3A_67 = tpu.memref_slice %arg7[%dma_wait3A_66] : memref<10240xf32, #tpu.memory_space<vmem_shared>> -> memref<10240xf32, #tpu.memory_space<vmem_shared>>
        tpu.wait_indirect_dma semaphore(%run_scoped3A : memref<!tpu.dma_semaphore, #tpu.memory_space<semaphore_mem>>) src(%arg6 : memref<128xf32, #tpu.memory_space<vmem>>) dst(%dma_wait3A_67 : memref<10240xf32, #tpu.memory_space<vmem_shared>>)
        tpu.yield
      }) : () -> ()
    }
    %scan3A_53 = arith.constant 80 : i32
    %barrier3A_54 = arith.constant 0 : index
    tpu.barrier barrier_id(%barrier3A_54)
    %mul3A_55 = arith.constant 640 : i32
    %mul3A_56 = arith.muli %arg1, %mul3A_55 : i32
    %mul3A_57 = arith.constant 640 : i32
    %mul3A_58 = arith.muli %arg1, %mul3A_57 : i32
    "tpu.region"() ({
      %run_scoped3A = tpu.sem_alloc : memref<!tpu.dma_semaphore, #tpu.memory_space<semaphore_mem>>
      %dma_start3A = tpu.memref_slice %arg4[%arg0, %mul3A_58] : memref<2x10240xf32, #tpu.memory_space<hbm>> -> memref<1x640xf32, #tpu.memory_space<hbm>>
      %dma_start3A_59 = tpu.memref_squeeze %dma_start3A : memref<1x640xf32, #tpu.memory_space<hbm>> -> memref<640xf32, #tpu.memory_space<hbm>>
      %dma_start3A_60 = tpu.memref_slice %arg7[%mul3A_56] : memref<10240xf32, #tpu.memory_space<vmem_shared>> -> memref<640xf32, #tpu.memory_space<vmem_shared>>
      tpu.enqueue_dma source(%dma_start3A_60 : memref<640xf32, #tpu.memory_space<vmem_shared>>) target(%dma_start3A_59 : memref<640xf32, #tpu.memory_space<hbm>>) target_semaphore(%run_scoped3A : memref<!tpu.dma_semaphore, #tpu.memory_space<semaphore_mem>>)
      %dma_wait3A = tpu.memref_slice %arg4[%arg0, %mul3A_58] : memref<2x10240xf32, #tpu.memory_space<hbm>> -> memref<1x640xf32, #tpu.memory_space<hbm>>
      %dma_wait3A_61 = tpu.memref_squeeze %dma_wait3A : memref<1x640xf32, #tpu.memory_space<hbm>> -> memref<640xf32, #tpu.memory_space<hbm>>
      %dma_wait3A_62 = tpu.memref_slice %arg7[%mul3A_56] : memref<10240xf32, #tpu.memory_space<vmem_shared>> -> memref<640xf32, #tpu.memory_space<vmem_shared>>
      tpu.wait_dma2 semaphore(%run_scoped3A : memref<!tpu.dma_semaphore, #tpu.memory_space<semaphore_mem>>) src(%dma_wait3A_62 : memref<640xf32, #tpu.memory_space<vmem_shared>>) dst(%dma_wait3A_61 : memref<640xf32, #tpu.memory_space<hbm>>)
      tpu.yield
    }) : () -> ()
    return
  }
}

#map = affine_map<(d0, d1) -> (0, 0, 0)>
#map1 = affine_map<(d0, d1) -> (0, 0)>
module attributes {stable_mosaic.version = 14 : i64} {
  func.func @_sc_spmm(%arg0: i32, %arg1: i32, %arg2: memref<16x159x128xi32, #tpu.memory_space<hbm>>, %arg3: memref<16x159x128xi32, #tpu.memory_space<hbm>>, %arg4: memref<2x10240x64xf32, #tpu.memory_space<hbm>>, %arg5: memref<640x64xf32, #tpu.memory_space<hbm>>, %arg6: memref<2x10240x64xf32, #tpu.memory_space<hbm>>, %arg7: memref<81x128xi32, #tpu.memory_space<vmem>>, %arg8: memref<81x128xi32, #tpu.memory_space<vmem>>, %arg9: memref<128x64xf32, #tpu.memory_space<vmem>>, %arg10: memref<128x64xf32, #tpu.memory_space<vmem>>, %arg11: memref<128x64xf32, #tpu.memory_space<vmem>>, %arg12: memref<10240x64xf32, #tpu.memory_space<vmem_shared>>, %arg13: memref<10240x64xf32, #tpu.memory_space<vmem_shared>>, %arg14: memref<3x!tpu.dma_semaphore, #tpu.memory_space<semaphore_mem>>, %arg15: memref<3x!tpu.dma_semaphore, #tpu.memory_space<semaphore_mem>>) attributes {dimension_semantics = [#tpu.dimension_semantics<core_parallel>, #tpu.dimension_semantics<subcore_parallel>], iteration_bounds = array<i64: 2, 16>, scalar_prefetch = 0 : i64, scratch_operands = 9 : i64, tpu.core_type = #tpu.core_type<sc_vector_subcore>, window_params = [{transform_indices = #map}, {transform_indices = #map}, {transform_indices = #map}, {transform_indices = #map1}, {transform_indices = #map}]} {
    %mul3A = arith.constant 640 : i32
    %mul3A_0 = arith.muli %arg1, %mul3A : i32
    "tpu.region"() ({
      %run_scoped3A = tpu.sem_alloc : memref<!tpu.dma_semaphore, #tpu.memory_space<semaphore_mem>>
      %dma_start3A_251 = arith.constant 0 : i32
      %dma_start3A_252 = tpu.memref_slice %arg12[%mul3A_0, %dma_start3A_251] : memref<10240x64xf32, #tpu.memory_space<vmem_shared>> -> memref<640x64xf32, #tpu.memory_space<vmem_shared>>
      %dma_start3A_253 = arith.constant 0 : i32
      %dma_start3A_254 = tpu.memref_slice %arg4[%arg0, %mul3A_0, %dma_start3A_253] : memref<2x10240x64xf32, #tpu.memory_space<hbm>> -> memref<1x640x64xf32, #tpu.memory_space<hbm>>
      %dma_start3A_255 = tpu.memref_squeeze %dma_start3A_254 : memref<1x640x64xf32, #tpu.memory_space<hbm>> -> memref<640x64xf32, #tpu.memory_space<hbm>>
      tpu.enqueue_dma source(%dma_start3A_255 : memref<640x64xf32, #tpu.memory_space<hbm>>) target(%dma_start3A_252 : memref<640x64xf32, #tpu.memory_space<vmem_shared>>) target_semaphore(%run_scoped3A : memref<!tpu.dma_semaphore, #tpu.memory_space<semaphore_mem>>)
      %dma_wait3A_256 = arith.constant 0 : i32
      %dma_wait3A_257 = tpu.memref_slice %arg12[%mul3A_0, %dma_wait3A_256] : memref<10240x64xf32, #tpu.memory_space<vmem_shared>> -> memref<640x64xf32, #tpu.memory_space<vmem_shared>>
      %dma_wait3A_258 = arith.constant 0 : i32
      %dma_wait3A_259 = tpu.memref_slice %arg4[%arg0, %mul3A_0, %dma_wait3A_258] : memref<2x10240x64xf32, #tpu.memory_space<hbm>> -> memref<1x640x64xf32, #tpu.memory_space<hbm>>
      %dma_wait3A_260 = tpu.memref_squeeze %dma_wait3A_259 : memref<1x640x64xf32, #tpu.memory_space<hbm>> -> memref<640x64xf32, #tpu.memory_space<hbm>>
      tpu.wait_dma2 semaphore(%run_scoped3A : memref<!tpu.dma_semaphore, #tpu.memory_space<semaphore_mem>>) src(%dma_wait3A_260 : memref<640x64xf32, #tpu.memory_space<hbm>>) dst(%dma_wait3A_257 : memref<640x64xf32, #tpu.memory_space<vmem_shared>>)
      tpu.yield
    }) : () -> ()
    "tpu.region"() ({
      %run_scoped3A = tpu.sem_alloc : memref<!tpu.dma_semaphore, #tpu.memory_space<semaphore_mem>>
      %dma_start3A_251 = arith.constant 0 : i32
      %dma_start3A_252 = tpu.memref_slice %arg13[%mul3A_0, %dma_start3A_251] : memref<10240x64xf32, #tpu.memory_space<vmem_shared>> -> memref<640x64xf32, #tpu.memory_space<vmem_shared>>
      tpu.enqueue_dma source(%arg5 : memref<640x64xf32, #tpu.memory_space<hbm>>) target(%dma_start3A_252 : memref<640x64xf32, #tpu.memory_space<vmem_shared>>) target_semaphore(%run_scoped3A : memref<!tpu.dma_semaphore, #tpu.memory_space<semaphore_mem>>)
      %dma_wait3A_253 = arith.constant 0 : i32
      %dma_wait3A_254 = tpu.memref_slice %arg13[%mul3A_0, %dma_wait3A_253] : memref<10240x64xf32, #tpu.memory_space<vmem_shared>> -> memref<640x64xf32, #tpu.memory_space<vmem_shared>>
      tpu.wait_dma2 semaphore(%run_scoped3A : memref<!tpu.dma_semaphore, #tpu.memory_space<semaphore_mem>>) src(%arg5 : memref<640x64xf32, #tpu.memory_space<hbm>>) dst(%dma_wait3A_254 : memref<640x64xf32, #tpu.memory_space<vmem_shared>>)
      tpu.yield
    }) : () -> ()
    %barrier3A = arith.constant 0 : index
    tpu.barrier barrier_id(%barrier3A)
    "tpu.region"() ({
      %run_scoped3A = tpu.sem_alloc : memref<!tpu.dma_semaphore, #tpu.memory_space<semaphore_mem>>
      %dma_start3A_251 = arith.constant 0 : i32
      %dma_start3A_252 = arith.constant 0 : i32
      %dma_start3A_253 = tpu.memref_slice %arg7[%dma_start3A_251, %dma_start3A_252] : memref<81x128xi32, #tpu.memory_space<vmem>> -> memref<81x128xi32, #tpu.memory_space<vmem>>
      %dma_start3A_254 = arith.constant 0 : i32
      %dma_start3A_255 = arith.constant 0 : i32
      %dma_start3A_256 = tpu.memref_slice %arg2[%arg1, %dma_start3A_254, %dma_start3A_255] : memref<16x159x128xi32, #tpu.memory_space<hbm>> -> memref<1x81x128xi32, #tpu.memory_space<hbm>>
      %dma_start3A_257 = tpu.memref_squeeze %dma_start3A_256 : memref<1x81x128xi32, #tpu.memory_space<hbm>> -> memref<81x128xi32, #tpu.memory_space<hbm>>
      %dma_start3A_258 = arith.constant 0 : i32
      %dma_start3A_259 = arith.constant 0 : i32
      %dma_start3A_260 = tpu.memref_slice %arg7[%dma_start3A_258, %dma_start3A_259] : memref<81x128xi32, #tpu.memory_space<vmem>> -> memref<81x128xi32, #tpu.memory_space<vmem>>
      %dma_start3A_261 = arith.constant 0 : i32
      %dma_start3A_262 = arith.constant 0 : i32
      %dma_start3A_263 = tpu.memref_slice %arg2[%arg1, %dma_start3A_261, %dma_start3A_262] : memref<16x159x128xi32, #tpu.memory_space<hbm>> -> memref<1x81x128xi32, #tpu.memory_space<hbm>>
      %dma_start3A_264 = tpu.memref_squeeze %dma_start3A_263 : memref<1x81x128xi32, #tpu.memory_space<hbm>> -> memref<81x128xi32, #tpu.memory_space<hbm>>
      tpu.enqueue_dma source(%dma_start3A_264 : memref<81x128xi32, #tpu.memory_space<hbm>>) target(%dma_start3A_260 : memref<81x128xi32, #tpu.memory_space<vmem>>) target_semaphore(%run_scoped3A : memref<!tpu.dma_semaphore, #tpu.memory_space<semaphore_mem>>)
      %dma_wait3A_265 = arith.constant 0 : i32
      %dma_wait3A_266 = arith.constant 0 : i32
      %dma_wait3A_267 = tpu.memref_slice %arg7[%dma_wait3A_265, %dma_wait3A_266] : memref<81x128xi32, #tpu.memory_space<vmem>> -> memref<81x128xi32, #tpu.memory_space<vmem>>
      %dma_wait3A_268 = arith.constant 0 : i32
      %dma_wait3A_269 = arith.constant 0 : i32
      %dma_wait3A_270 = tpu.memref_slice %arg2[%arg1, %dma_wait3A_268, %dma_wait3A_269] : memref<16x159x128xi32, #tpu.memory_space<hbm>> -> memref<1x81x128xi32, #tpu.memory_space<hbm>>
      %dma_wait3A_271 = tpu.memref_squeeze %dma_wait3A_270 : memref<1x81x128xi32, #tpu.memory_space<hbm>> -> memref<81x128xi32, #tpu.memory_space<hbm>>
      %dma_wait3A_272 = arith.constant 0 : i32
      %dma_wait3A_273 = arith.constant 0 : i32
      %dma_wait3A_274 = tpu.memref_slice %arg7[%dma_wait3A_272, %dma_wait3A_273] : memref<81x128xi32, #tpu.memory_space<vmem>> -> memref<81x128xi32, #tpu.memory_space<vmem>>
      %dma_wait3A_275 = arith.constant 0 : i32
      %dma_wait3A_276 = arith.constant 0 : i32
      %dma_wait3A_277 = tpu.memref_slice %arg2[%arg1, %dma_wait3A_275, %dma_wait3A_276] : memref<16x159x128xi32, #tpu.memory_space<hbm>> -> memref<1x81x128xi32, #tpu.memory_space<hbm>>
      %dma_wait3A_278 = tpu.memref_squeeze %dma_wait3A_277 : memref<1x81x128xi32, #tpu.memory_space<hbm>> -> memref<81x128xi32, #tpu.memory_space<hbm>>
      tpu.wait_dma2 semaphore(%run_scoped3A : memref<!tpu.dma_semaphore, #tpu.memory_space<semaphore_mem>>) src(%dma_wait3A_278 : memref<81x128xi32, #tpu.memory_space<hbm>>) dst(%dma_wait3A_274 : memref<81x128xi32, #tpu.memory_space<vmem>>)
      tpu.yield
    }) : () -> ()
    "tpu.region"() ({
      %run_scoped3A = tpu.sem_alloc : memref<!tpu.dma_semaphore, #tpu.memory_space<semaphore_mem>>
      %dma_start3A_251 = arith.constant 0 : i32
      %dma_start3A_252 = arith.constant 0 : i32
      %dma_start3A_253 = tpu.memref_slice %arg8[%dma_start3A_251, %dma_start3A_252] : memref<81x128xi32, #tpu.memory_space<vmem>> -> memref<81x128xi32, #tpu.memory_space<vmem>>
      %dma_start3A_254 = arith.constant 0 : i32
      %dma_start3A_255 = arith.constant 0 : i32
      %dma_start3A_256 = tpu.memref_slice %arg3[%arg1, %dma_start3A_254, %dma_start3A_255] : memref<16x159x128xi32, #tpu.memory_space<hbm>> -> memref<1x81x128xi32, #tpu.memory_space<hbm>>
      %dma_start3A_257 = tpu.memref_squeeze %dma_start3A_256 : memref<1x81x128xi32, #tpu.memory_space<hbm>> -> memref<81x128xi32, #tpu.memory_space<hbm>>
      %dma_start3A_258 = arith.constant 0 : i32
      %dma_start3A_259 = arith.constant 0 : i32
      %dma_start3A_260 = tpu.memref_slice %arg8[%dma_start3A_258, %dma_start3A_259] : memref<81x128xi32, #tpu.memory_space<vmem>> -> memref<81x128xi32, #tpu.memory_space<vmem>>
      %dma_start3A_261 = arith.constant 0 : i32
      %dma_start3A_262 = arith.constant 0 : i32
      %dma_start3A_263 = tpu.memref_slice %arg3[%arg1, %dma_start3A_261, %dma_start3A_262] : memref<16x159x128xi32, #tpu.memory_space<hbm>> -> memref<1x81x128xi32, #tpu.memory_space<hbm>>
      %dma_start3A_264 = tpu.memref_squeeze %dma_start3A_263 : memref<1x81x128xi32, #tpu.memory_space<hbm>> -> memref<81x128xi32, #tpu.memory_space<hbm>>
      tpu.enqueue_dma source(%dma_start3A_264 : memref<81x128xi32, #tpu.memory_space<hbm>>) target(%dma_start3A_260 : memref<81x128xi32, #tpu.memory_space<vmem>>) target_semaphore(%run_scoped3A : memref<!tpu.dma_semaphore, #tpu.memory_space<semaphore_mem>>)
      %dma_wait3A_265 = arith.constant 0 : i32
      %dma_wait3A_266 = arith.constant 0 : i32
      %dma_wait3A_267 = tpu.memref_slice %arg8[%dma_wait3A_265, %dma_wait3A_266] : memref<81x128xi32, #tpu.memory_space<vmem>> -> memref<81x128xi32, #tpu.memory_space<vmem>>
      %dma_wait3A_268 = arith.constant 0 : i32
      %dma_wait3A_269 = arith.constant 0 : i32
      %dma_wait3A_270 = tpu.memref_slice %arg3[%arg1, %dma_wait3A_268, %dma_wait3A_269] : memref<16x159x128xi32, #tpu.memory_space<hbm>> -> memref<1x81x128xi32, #tpu.memory_space<hbm>>
      %dma_wait3A_271 = tpu.memref_squeeze %dma_wait3A_270 : memref<1x81x128xi32, #tpu.memory_space<hbm>> -> memref<81x128xi32, #tpu.memory_space<hbm>>
      %dma_wait3A_272 = arith.constant 0 : i32
      %dma_wait3A_273 = arith.constant 0 : i32
      %dma_wait3A_274 = tpu.memref_slice %arg8[%dma_wait3A_272, %dma_wait3A_273] : memref<81x128xi32, #tpu.memory_space<vmem>> -> memref<81x128xi32, #tpu.memory_space<vmem>>
      %dma_wait3A_275 = arith.constant 0 : i32
      %dma_wait3A_276 = arith.constant 0 : i32
      %dma_wait3A_277 = tpu.memref_slice %arg3[%arg1, %dma_wait3A_275, %dma_wait3A_276] : memref<16x159x128xi32, #tpu.memory_space<hbm>> -> memref<1x81x128xi32, #tpu.memory_space<hbm>>
      %dma_wait3A_278 = tpu.memref_squeeze %dma_wait3A_277 : memref<1x81x128xi32, #tpu.memory_space<hbm>> -> memref<81x128xi32, #tpu.memory_space<hbm>>
      tpu.wait_dma2 semaphore(%run_scoped3A : memref<!tpu.dma_semaphore, #tpu.memory_space<semaphore_mem>>) src(%dma_wait3A_278 : memref<81x128xi32, #tpu.memory_space<hbm>>) dst(%dma_wait3A_274 : memref<81x128xi32, #tpu.memory_space<vmem>>)
      tpu.yield
    }) : () -> ()
    %dma_start3A = arith.constant 0 : i32
    %dma_start3A_1 = arith.constant 0 : i32
    %dma_start3A_2 = arith.constant 0 : i32
    %dma_start3A_3 = tpu.memref_slice %arg7[%dma_start3A, %dma_start3A_2] : memref<81x128xi32, #tpu.memory_space<vmem>> -> memref<1x128xi32, #tpu.memory_space<vmem>>
    %dma_start3A_4 = tpu.memref_squeeze %dma_start3A_3 : memref<1x128xi32, #tpu.memory_space<vmem>> -> memref<128xi32, #tpu.memory_space<vmem>>
    %dma_start3A_5 = arith.constant 0 : i32
    %dma_start3A_6 = arith.constant 0 : i32
    %dma_start3A_7 = tpu.memref_slice %arg12[%dma_start3A_5, %dma_start3A_6] : memref<10240x64xf32, #tpu.memory_space<vmem_shared>> -> memref<10240x64xf32, #tpu.memory_space<vmem_shared>>
    %dma_start3A_8 = tpu.memref_slice %arg14[%dma_start3A_1] : memref<3x!tpu.dma_semaphore, #tpu.memory_space<semaphore_mem>> -> memref<1x!tpu.dma_semaphore, #tpu.memory_space<semaphore_mem>>
    %dma_start3A_9 = tpu.memref_squeeze %dma_start3A_8 : memref<1x!tpu.dma_semaphore, #tpu.memory_space<semaphore_mem>> -> memref<!tpu.dma_semaphore, #tpu.memory_space<semaphore_mem>>
    tpu.enqueue_indirect_dma source(%dma_start3A_7 : memref<10240x64xf32, #tpu.memory_space<vmem_shared>>) target(%arg9 : memref<128x64xf32, #tpu.memory_space<vmem>>) offsets(%dma_start3A_4 : memref<128xi32, #tpu.memory_space<vmem>>) semaphore(%dma_start3A_9 : memref<!tpu.dma_semaphore, #tpu.memory_space<semaphore_mem>>)
    %dma_start3A_10 = arith.constant 1 : i32
    %dma_start3A_11 = arith.constant 1 : i32
    %dma_start3A_12 = arith.constant 0 : i32
    %dma_start3A_13 = tpu.memref_slice %arg7[%dma_start3A_10, %dma_start3A_12] : memref<81x128xi32, #tpu.memory_space<vmem>> -> memref<1x128xi32, #tpu.memory_space<vmem>>
    %dma_start3A_14 = tpu.memref_squeeze %dma_start3A_13 : memref<1x128xi32, #tpu.memory_space<vmem>> -> memref<128xi32, #tpu.memory_space<vmem>>
    %dma_start3A_15 = arith.constant 0 : i32
    %dma_start3A_16 = arith.constant 0 : i32
    %dma_start3A_17 = tpu.memref_slice %arg12[%dma_start3A_15, %dma_start3A_16] : memref<10240x64xf32, #tpu.memory_space<vmem_shared>> -> memref<10240x64xf32, #tpu.memory_space<vmem_shared>>
    %dma_start3A_18 = tpu.memref_slice %arg14[%dma_start3A_11] : memref<3x!tpu.dma_semaphore, #tpu.memory_space<semaphore_mem>> -> memref<1x!tpu.dma_semaphore, #tpu.memory_space<semaphore_mem>>
    %dma_start3A_19 = tpu.memref_squeeze %dma_start3A_18 : memref<1x!tpu.dma_semaphore, #tpu.memory_space<semaphore_mem>> -> memref<!tpu.dma_semaphore, #tpu.memory_space<semaphore_mem>>
    tpu.enqueue_indirect_dma source(%dma_start3A_17 : memref<10240x64xf32, #tpu.memory_space<vmem_shared>>) target(%arg10 : memref<128x64xf32, #tpu.memory_space<vmem>>) offsets(%dma_start3A_14 : memref<128xi32, #tpu.memory_space<vmem>>) semaphore(%dma_start3A_19 : memref<!tpu.dma_semaphore, #tpu.memory_space<semaphore_mem>>)
    %dma_wait3A = arith.constant 0 : i32
    %dma_wait3A_20 = arith.constant 0 : i32
    %dma_wait3A_21 = arith.constant 0 : i32
    %dma_wait3A_22 = tpu.memref_slice %arg7[%dma_wait3A, %dma_wait3A_21] : memref<81x128xi32, #tpu.memory_space<vmem>> -> memref<1x128xi32, #tpu.memory_space<vmem>>
    %dma_wait3A_23 = tpu.memref_squeeze %dma_wait3A_22 : memref<1x128xi32, #tpu.memory_space<vmem>> -> memref<128xi32, #tpu.memory_space<vmem>>
    %dma_wait3A_24 = arith.constant 0 : i32
    %dma_wait3A_25 = arith.constant 0 : i32
    %dma_wait3A_26 = tpu.memref_slice %arg12[%dma_wait3A_24, %dma_wait3A_25] : memref<10240x64xf32, #tpu.memory_space<vmem_shared>> -> memref<10240x64xf32, #tpu.memory_space<vmem_shared>>
    %dma_wait3A_27 = tpu.memref_slice %arg14[%dma_wait3A_20] : memref<3x!tpu.dma_semaphore, #tpu.memory_space<semaphore_mem>> -> memref<1x!tpu.dma_semaphore, #tpu.memory_space<semaphore_mem>>
    %dma_wait3A_28 = tpu.memref_squeeze %dma_wait3A_27 : memref<1x!tpu.dma_semaphore, #tpu.memory_space<semaphore_mem>> -> memref<!tpu.dma_semaphore, #tpu.memory_space<semaphore_mem>>
    tpu.wait_indirect_dma semaphore(%dma_wait3A_28 : memref<!tpu.dma_semaphore, #tpu.memory_space<semaphore_mem>>) src(%dma_wait3A_26 : memref<10240x64xf32, #tpu.memory_space<vmem_shared>>) dst(%arg9 : memref<128x64xf32, #tpu.memory_space<vmem>>)
    %dma_start3A_29 = arith.constant 0 : i32
    %dma_start3A_30 = arith.constant 0 : i32
    %dma_start3A_31 = arith.constant 0 : i32
    %dma_start3A_32 = tpu.memref_slice %arg8[%dma_start3A_29, %dma_start3A_31] : memref<81x128xi32, #tpu.memory_space<vmem>> -> memref<1x128xi32, #tpu.memory_space<vmem>>
    %dma_start3A_33 = tpu.memref_squeeze %dma_start3A_32 : memref<1x128xi32, #tpu.memory_space<vmem>> -> memref<128xi32, #tpu.memory_space<vmem>>
    %dma_start3A_34 = arith.constant 0 : i32
    %dma_start3A_35 = arith.constant 0 : i32
    %dma_start3A_36 = tpu.memref_slice %arg13[%dma_start3A_34, %dma_start3A_35] : memref<10240x64xf32, #tpu.memory_space<vmem_shared>> -> memref<10240x64xf32, #tpu.memory_space<vmem_shared>>
    %dma_start3A_37 = tpu.memref_slice %arg15[%dma_start3A_30] : memref<3x!tpu.dma_semaphore, #tpu.memory_space<semaphore_mem>> -> memref<1x!tpu.dma_semaphore, #tpu.memory_space<semaphore_mem>>
    %dma_start3A_38 = tpu.memref_squeeze %dma_start3A_37 : memref<1x!tpu.dma_semaphore, #tpu.memory_space<semaphore_mem>> -> memref<!tpu.dma_semaphore, #tpu.memory_space<semaphore_mem>>
    tpu.enqueue_indirect_dma source(%arg9 : memref<128x64xf32, #tpu.memory_space<vmem>>) target(%dma_start3A_36 : memref<10240x64xf32, #tpu.memory_space<vmem_shared>>) offsets(%dma_start3A_33 : memref<128xi32, #tpu.memory_space<vmem>>) semaphore(%dma_start3A_38 : memref<!tpu.dma_semaphore, #tpu.memory_space<semaphore_mem>>) {add = true}
    %dma_start3A_39 = arith.constant 2 : i32
    %dma_start3A_40 = arith.constant 2 : i32
    %dma_start3A_41 = arith.constant 0 : i32
    %dma_start3A_42 = tpu.memref_slice %arg7[%dma_start3A_39, %dma_start3A_41] : memref<81x128xi32, #tpu.memory_space<vmem>> -> memref<1x128xi32, #tpu.memory_space<vmem>>
    %dma_start3A_43 = tpu.memref_squeeze %dma_start3A_42 : memref<1x128xi32, #tpu.memory_space<vmem>> -> memref<128xi32, #tpu.memory_space<vmem>>
    %dma_start3A_44 = arith.constant 0 : i32
    %dma_start3A_45 = arith.constant 0 : i32
    %dma_start3A_46 = tpu.memref_slice %arg12[%dma_start3A_44, %dma_start3A_45] : memref<10240x64xf32, #tpu.memory_space<vmem_shared>> -> memref<10240x64xf32, #tpu.memory_space<vmem_shared>>
    %dma_start3A_47 = tpu.memref_slice %arg14[%dma_start3A_40] : memref<3x!tpu.dma_semaphore, #tpu.memory_space<semaphore_mem>> -> memref<1x!tpu.dma_semaphore, #tpu.memory_space<semaphore_mem>>
    %dma_start3A_48 = tpu.memref_squeeze %dma_start3A_47 : memref<1x!tpu.dma_semaphore, #tpu.memory_space<semaphore_mem>> -> memref<!tpu.dma_semaphore, #tpu.memory_space<semaphore_mem>>
    tpu.enqueue_indirect_dma source(%dma_start3A_46 : memref<10240x64xf32, #tpu.memory_space<vmem_shared>>) target(%arg11 : memref<128x64xf32, #tpu.memory_space<vmem>>) offsets(%dma_start3A_43 : memref<128xi32, #tpu.memory_space<vmem>>) semaphore(%dma_start3A_48 : memref<!tpu.dma_semaphore, #tpu.memory_space<semaphore_mem>>)
    %dma_wait3A_49 = arith.constant 1 : i32
    %dma_wait3A_50 = arith.constant 1 : i32
    %dma_wait3A_51 = arith.constant 0 : i32
    %dma_wait3A_52 = tpu.memref_slice %arg7[%dma_wait3A_49, %dma_wait3A_51] : memref<81x128xi32, #tpu.memory_space<vmem>> -> memref<1x128xi32, #tpu.memory_space<vmem>>
    %dma_wait3A_53 = tpu.memref_squeeze %dma_wait3A_52 : memref<1x128xi32, #tpu.memory_space<vmem>> -> memref<128xi32, #tpu.memory_space<vmem>>
    %dma_wait3A_54 = arith.constant 0 : i32
    %dma_wait3A_55 = arith.constant 0 : i32
    %dma_wait3A_56 = tpu.memref_slice %arg12[%dma_wait3A_54, %dma_wait3A_55] : memref<10240x64xf32, #tpu.memory_space<vmem_shared>> -> memref<10240x64xf32, #tpu.memory_space<vmem_shared>>
    %dma_wait3A_57 = tpu.memref_slice %arg14[%dma_wait3A_50] : memref<3x!tpu.dma_semaphore, #tpu.memory_space<semaphore_mem>> -> memref<1x!tpu.dma_semaphore, #tpu.memory_space<semaphore_mem>>
    %dma_wait3A_58 = tpu.memref_squeeze %dma_wait3A_57 : memref<1x!tpu.dma_semaphore, #tpu.memory_space<semaphore_mem>> -> memref<!tpu.dma_semaphore, #tpu.memory_space<semaphore_mem>>
    tpu.wait_indirect_dma semaphore(%dma_wait3A_58 : memref<!tpu.dma_semaphore, #tpu.memory_space<semaphore_mem>>) src(%dma_wait3A_56 : memref<10240x64xf32, #tpu.memory_space<vmem_shared>>) dst(%arg10 : memref<128x64xf32, #tpu.memory_space<vmem>>)
    %dma_start3A_59 = arith.constant 1 : i32
    %dma_start3A_60 = arith.constant 1 : i32
    %dma_start3A_61 = arith.constant 0 : i32
    %dma_start3A_62 = tpu.memref_slice %arg8[%dma_start3A_59, %dma_start3A_61] : memref<81x128xi32, #tpu.memory_space<vmem>> -> memref<1x128xi32, #tpu.memory_space<vmem>>
    %dma_start3A_63 = tpu.memref_squeeze %dma_start3A_62 : memref<1x128xi32, #tpu.memory_space<vmem>> -> memref<128xi32, #tpu.memory_space<vmem>>
    %dma_start3A_64 = arith.constant 0 : i32
    %dma_start3A_65 = arith.constant 0 : i32
    %dma_start3A_66 = tpu.memref_slice %arg13[%dma_start3A_64, %dma_start3A_65] : memref<10240x64xf32, #tpu.memory_space<vmem_shared>> -> memref<10240x64xf32, #tpu.memory_space<vmem_shared>>
    %dma_start3A_67 = tpu.memref_slice %arg15[%dma_start3A_60] : memref<3x!tpu.dma_semaphore, #tpu.memory_space<semaphore_mem>> -> memref<1x!tpu.dma_semaphore, #tpu.memory_space<semaphore_mem>>
    %dma_start3A_68 = tpu.memref_squeeze %dma_start3A_67 : memref<1x!tpu.dma_semaphore, #tpu.memory_space<semaphore_mem>> -> memref<!tpu.dma_semaphore, #tpu.memory_space<semaphore_mem>>
    tpu.enqueue_indirect_dma source(%arg10 : memref<128x64xf32, #tpu.memory_space<vmem>>) target(%dma_start3A_66 : memref<10240x64xf32, #tpu.memory_space<vmem_shared>>) offsets(%dma_start3A_63 : memref<128xi32, #tpu.memory_space<vmem>>) semaphore(%dma_start3A_68 : memref<!tpu.dma_semaphore, #tpu.memory_space<semaphore_mem>>) {add = true}
    %scan3A = arith.constant 0 : i32
    %scan3A_69 = arith.constant 0 : i32
    %scan3A_70 = arith.constant 26 : i32
    %scan3A_71 = arith.addi %scan3A_69, %scan3A_70 : i32
    %scan3A_72 = arith.constant 1 : i32
    scf.for %scan3A_251 = %scan3A_69 to %scan3A_71 step %scan3A_72  : i32 {
      %mul3A_252 = arith.constant 3 : i32
      %mul3A_253 = arith.muli %mul3A_252, %scan3A_251 : i32
      %add3A = arith.constant 2 : i32
      %add3A_254 = arith.addi %mul3A_253, %add3A : i32
      %add3A_255 = arith.constant 0 : i32
      %add3A_256 = arith.addi %add3A_254, %add3A_255 : i32
      %sub3A = arith.constant 2 : i32
      %sub3A_257 = arith.subi %add3A_256, %sub3A : i32
      %dma_wait3A_258 = arith.constant 0 : i32
      %dma_wait3A_259 = arith.constant 0 : i32
      %dma_wait3A_260 = tpu.memref_slice %arg8[%sub3A_257, %dma_wait3A_259] : memref<81x128xi32, #tpu.memory_space<vmem>> -> memref<1x128xi32, #tpu.memory_space<vmem>>
      %dma_wait3A_261 = tpu.memref_squeeze %dma_wait3A_260 : memref<1x128xi32, #tpu.memory_space<vmem>> -> memref<128xi32, #tpu.memory_space<vmem>>
      %dma_wait3A_262 = arith.constant 0 : i32
      %dma_wait3A_263 = arith.constant 0 : i32
      %dma_wait3A_264 = tpu.memref_slice %arg13[%dma_wait3A_262, %dma_wait3A_263] : memref<10240x64xf32, #tpu.memory_space<vmem_shared>> -> memref<10240x64xf32, #tpu.memory_space<vmem_shared>>
      %dma_wait3A_265 = tpu.memref_slice %arg15[%dma_wait3A_258] : memref<3x!tpu.dma_semaphore, #tpu.memory_space<semaphore_mem>> -> memref<1x!tpu.dma_semaphore, #tpu.memory_space<semaphore_mem>>
      %dma_wait3A_266 = tpu.memref_squeeze %dma_wait3A_265 : memref<1x!tpu.dma_semaphore, #tpu.memory_space<semaphore_mem>> -> memref<!tpu.dma_semaphore, #tpu.memory_space<semaphore_mem>>
      tpu.wait_indirect_dma semaphore(%dma_wait3A_266 : memref<!tpu.dma_semaphore, #tpu.memory_space<semaphore_mem>>) src(%arg9 : memref<128x64xf32, #tpu.memory_space<vmem>>) dst(%dma_wait3A_264 : memref<10240x64xf32, #tpu.memory_space<vmem_shared>>)
      %add3A_267 = arith.constant 1 : i32
      %add3A_268 = arith.addi %add3A_256, %add3A_267 : i32
      %dma_start3A_269 = arith.constant 0 : i32
      %dma_start3A_270 = arith.constant 0 : i32
      %dma_start3A_271 = tpu.memref_slice %arg7[%add3A_268, %dma_start3A_270] : memref<81x128xi32, #tpu.memory_space<vmem>> -> memref<1x128xi32, #tpu.memory_space<vmem>>
      %dma_start3A_272 = tpu.memref_squeeze %dma_start3A_271 : memref<1x128xi32, #tpu.memory_space<vmem>> -> memref<128xi32, #tpu.memory_space<vmem>>
      %dma_start3A_273 = arith.constant 0 : i32
      %dma_start3A_274 = arith.constant 0 : i32
      %dma_start3A_275 = tpu.memref_slice %arg12[%dma_start3A_273, %dma_start3A_274] : memref<10240x64xf32, #tpu.memory_space<vmem_shared>> -> memref<10240x64xf32, #tpu.memory_space<vmem_shared>>
      %dma_start3A_276 = tpu.memref_slice %arg14[%dma_start3A_269] : memref<3x!tpu.dma_semaphore, #tpu.memory_space<semaphore_mem>> -> memref<1x!tpu.dma_semaphore, #tpu.memory_space<semaphore_mem>>
      %dma_start3A_277 = tpu.memref_squeeze %dma_start3A_276 : memref<1x!tpu.dma_semaphore, #tpu.memory_space<semaphore_mem>> -> memref<!tpu.dma_semaphore, #tpu.memory_space<semaphore_mem>>
      tpu.enqueue_indirect_dma source(%dma_start3A_275 : memref<10240x64xf32, #tpu.memory_space<vmem_shared>>) target(%arg9 : memref<128x64xf32, #tpu.memory_space<vmem>>) offsets(%dma_start3A_272 : memref<128xi32, #tpu.memory_space<vmem>>) semaphore(%dma_start3A_277 : memref<!tpu.dma_semaphore, #tpu.memory_space<semaphore_mem>>)
      %dma_wait3A_278 = arith.constant 2 : i32
      %dma_wait3A_279 = arith.constant 0 : i32
      %dma_wait3A_280 = tpu.memref_slice %arg7[%add3A_256, %dma_wait3A_279] : memref<81x128xi32, #tpu.memory_space<vmem>> -> memref<1x128xi32, #tpu.memory_space<vmem>>
      %dma_wait3A_281 = tpu.memref_squeeze %dma_wait3A_280 : memref<1x128xi32, #tpu.memory_space<vmem>> -> memref<128xi32, #tpu.memory_space<vmem>>
      %dma_wait3A_282 = arith.constant 0 : i32
      %dma_wait3A_283 = arith.constant 0 : i32
      %dma_wait3A_284 = tpu.memref_slice %arg12[%dma_wait3A_282, %dma_wait3A_283] : memref<10240x64xf32, #tpu.memory_space<vmem_shared>> -> memref<10240x64xf32, #tpu.memory_space<vmem_shared>>
      %dma_wait3A_285 = tpu.memref_slice %arg14[%dma_wait3A_278] : memref<3x!tpu.dma_semaphore, #tpu.memory_space<semaphore_mem>> -> memref<1x!tpu.dma_semaphore, #tpu.memory_space<semaphore_mem>>
      %dma_wait3A_286 = tpu.memref_squeeze %dma_wait3A_285 : memref<1x!tpu.dma_semaphore, #tpu.memory_space<semaphore_mem>> -> memref<!tpu.dma_semaphore, #tpu.memory_space<semaphore_mem>>
      tpu.wait_indirect_dma semaphore(%dma_wait3A_286 : memref<!tpu.dma_semaphore, #tpu.memory_space<semaphore_mem>>) src(%dma_wait3A_284 : memref<10240x64xf32, #tpu.memory_space<vmem_shared>>) dst(%arg11 : memref<128x64xf32, #tpu.memory_space<vmem>>)
      %dma_start3A_287 = arith.constant 2 : i32
      %dma_start3A_288 = arith.constant 0 : i32
      %dma_start3A_289 = tpu.memref_slice %arg8[%add3A_256, %dma_start3A_288] : memref<81x128xi32, #tpu.memory_space<vmem>> -> memref<1x128xi32, #tpu.memory_space<vmem>>
      %dma_start3A_290 = tpu.memref_squeeze %dma_start3A_289 : memref<1x128xi32, #tpu.memory_space<vmem>> -> memref<128xi32, #tpu.memory_space<vmem>>
      %dma_start3A_291 = arith.constant 0 : i32
      %dma_start3A_292 = arith.constant 0 : i32
      %dma_start3A_293 = tpu.memref_slice %arg13[%dma_start3A_291, %dma_start3A_292] : memref<10240x64xf32, #tpu.memory_space<vmem_shared>> -> memref<10240x64xf32, #tpu.memory_space<vmem_shared>>
      %dma_start3A_294 = tpu.memref_slice %arg15[%dma_start3A_287] : memref<3x!tpu.dma_semaphore, #tpu.memory_space<semaphore_mem>> -> memref<1x!tpu.dma_semaphore, #tpu.memory_space<semaphore_mem>>
      %dma_start3A_295 = tpu.memref_squeeze %dma_start3A_294 : memref<1x!tpu.dma_semaphore, #tpu.memory_space<semaphore_mem>> -> memref<!tpu.dma_semaphore, #tpu.memory_space<semaphore_mem>>
      tpu.enqueue_indirect_dma source(%arg11 : memref<128x64xf32, #tpu.memory_space<vmem>>) target(%dma_start3A_293 : memref<10240x64xf32, #tpu.memory_space<vmem_shared>>) offsets(%dma_start3A_290 : memref<128xi32, #tpu.memory_space<vmem>>) semaphore(%dma_start3A_295 : memref<!tpu.dma_semaphore, #tpu.memory_space<semaphore_mem>>) {add = true}
      %mul3A_296 = arith.constant 3 : i32
      %mul3A_297 = arith.muli %mul3A_296, %scan3A_251 : i32
      %add3A_298 = arith.constant 2 : i32
      %add3A_299 = arith.addi %mul3A_297, %add3A_298 : i32
      %add3A_300 = arith.constant 1 : i32
      %add3A_301 = arith.addi %add3A_299, %add3A_300 : i32
      %sub3A_302 = arith.constant 2 : i32
      %sub3A_303 = arith.subi %add3A_301, %sub3A_302 : i32
      %dma_wait3A_304 = arith.constant 1 : i32
      %dma_wait3A_305 = arith.constant 0 : i32
      %dma_wait3A_306 = tpu.memref_slice %arg8[%sub3A_303, %dma_wait3A_305] : memref<81x128xi32, #tpu.memory_space<vmem>> -> memref<1x128xi32, #tpu.memory_space<vmem>>
      %dma_wait3A_307 = tpu.memref_squeeze %dma_wait3A_306 : memref<1x128xi32, #tpu.memory_space<vmem>> -> memref<128xi32, #tpu.memory_space<vmem>>
      %dma_wait3A_308 = arith.constant 0 : i32
      %dma_wait3A_309 = arith.constant 0 : i32
      %dma_wait3A_310 = tpu.memref_slice %arg13[%dma_wait3A_308, %dma_wait3A_309] : memref<10240x64xf32, #tpu.memory_space<vmem_shared>> -> memref<10240x64xf32, #tpu.memory_space<vmem_shared>>
      %dma_wait3A_311 = tpu.memref_slice %arg15[%dma_wait3A_304] : memref<3x!tpu.dma_semaphore, #tpu.memory_space<semaphore_mem>> -> memref<1x!tpu.dma_semaphore, #tpu.memory_space<semaphore_mem>>
      %dma_wait3A_312 = tpu.memref_squeeze %dma_wait3A_311 : memref<1x!tpu.dma_semaphore, #tpu.memory_space<semaphore_mem>> -> memref<!tpu.dma_semaphore, #tpu.memory_space<semaphore_mem>>
      tpu.wait_indirect_dma semaphore(%dma_wait3A_312 : memref<!tpu.dma_semaphore, #tpu.memory_space<semaphore_mem>>) src(%arg10 : memref<128x64xf32, #tpu.memory_space<vmem>>) dst(%dma_wait3A_310 : memref<10240x64xf32, #tpu.memory_space<vmem_shared>>)
      %add3A_313 = arith.constant 1 : i32
      %add3A_314 = arith.addi %add3A_301, %add3A_313 : i32
      %dma_start3A_315 = arith.constant 1 : i32
      %dma_start3A_316 = arith.constant 0 : i32
      %dma_start3A_317 = tpu.memref_slice %arg7[%add3A_314, %dma_start3A_316] : memref<81x128xi32, #tpu.memory_space<vmem>> -> memref<1x128xi32, #tpu.memory_space<vmem>>
      %dma_start3A_318 = tpu.memref_squeeze %dma_start3A_317 : memref<1x128xi32, #tpu.memory_space<vmem>> -> memref<128xi32, #tpu.memory_space<vmem>>
      %dma_start3A_319 = arith.constant 0 : i32
      %dma_start3A_320 = arith.constant 0 : i32
      %dma_start3A_321 = tpu.memref_slice %arg12[%dma_start3A_319, %dma_start3A_320] : memref<10240x64xf32, #tpu.memory_space<vmem_shared>> -> memref<10240x64xf32, #tpu.memory_space<vmem_shared>>
      %dma_start3A_322 = tpu.memref_slice %arg14[%dma_start3A_315] : memref<3x!tpu.dma_semaphore, #tpu.memory_space<semaphore_mem>> -> memref<1x!tpu.dma_semaphore, #tpu.memory_space<semaphore_mem>>
      %dma_start3A_323 = tpu.memref_squeeze %dma_start3A_322 : memref<1x!tpu.dma_semaphore, #tpu.memory_space<semaphore_mem>> -> memref<!tpu.dma_semaphore, #tpu.memory_space<semaphore_mem>>
      tpu.enqueue_indirect_dma source(%dma_start3A_321 : memref<10240x64xf32, #tpu.memory_space<vmem_shared>>) target(%arg10 : memref<128x64xf32, #tpu.memory_space<vmem>>) offsets(%dma_start3A_318 : memref<128xi32, #tpu.memory_space<vmem>>) semaphore(%dma_start3A_323 : memref<!tpu.dma_semaphore, #tpu.memory_space<semaphore_mem>>)
      %dma_wait3A_324 = arith.constant 0 : i32
      %dma_wait3A_325 = arith.constant 0 : i32
      %dma_wait3A_326 = tpu.memref_slice %arg7[%add3A_301, %dma_wait3A_325] : memref<81x128xi32, #tpu.memory_space<vmem>> -> memref<1x128xi32, #tpu.memory_space<vmem>>
      %dma_wait3A_327 = tpu.memref_squeeze %dma_wait3A_326 : memref<1x128xi32, #tpu.memory_space<vmem>> -> memref<128xi32, #tpu.memory_space<vmem>>
      %dma_wait3A_328 = arith.constant 0 : i32
      %dma_wait3A_329 = arith.constant 0 : i32
      %dma_wait3A_330 = tpu.memref_slice %arg12[%dma_wait3A_328, %dma_wait3A_329] : memref<10240x64xf32, #tpu.memory_space<vmem_shared>> -> memref<10240x64xf32, #tpu.memory_space<vmem_shared>>
      %dma_wait3A_331 = tpu.memref_slice %arg14[%dma_wait3A_324] : memref<3x!tpu.dma_semaphore, #tpu.memory_space<semaphore_mem>> -> memref<1x!tpu.dma_semaphore, #tpu.memory_space<semaphore_mem>>
      %dma_wait3A_332 = tpu.memref_squeeze %dma_wait3A_331 : memref<1x!tpu.dma_semaphore, #tpu.memory_space<semaphore_mem>> -> memref<!tpu.dma_semaphore, #tpu.memory_space<semaphore_mem>>
      tpu.wait_indirect_dma semaphore(%dma_wait3A_332 : memref<!tpu.dma_semaphore, #tpu.memory_space<semaphore_mem>>) src(%dma_wait3A_330 : memref<10240x64xf32, #tpu.memory_space<vmem_shared>>) dst(%arg9 : memref<128x64xf32, #tpu.memory_space<vmem>>)
      %dma_start3A_333 = arith.constant 0 : i32
      %dma_start3A_334 = arith.constant 0 : i32
      %dma_start3A_335 = tpu.memref_slice %arg8[%add3A_301, %dma_start3A_334] : memref<81x128xi32, #tpu.memory_space<vmem>> -> memref<1x128xi32, #tpu.memory_space<vmem>>
      %dma_start3A_336 = tpu.memref_squeeze %dma_start3A_335 : memref<1x128xi32, #tpu.memory_space<vmem>> -> memref<128xi32, #tpu.memory_space<vmem>>
      %dma_start3A_337 = arith.constant 0 : i32
      %dma_start3A_338 = arith.constant 0 : i32
      %dma_start3A_339 = tpu.memref_slice %arg13[%dma_start3A_337, %dma_start3A_338] : memref<10240x64xf32, #tpu.memory_space<vmem_shared>> -> memref<10240x64xf32, #tpu.memory_space<vmem_shared>>
      %dma_start3A_340 = tpu.memref_slice %arg15[%dma_start3A_333] : memref<3x!tpu.dma_semaphore, #tpu.memory_space<semaphore_mem>> -> memref<1x!tpu.dma_semaphore, #tpu.memory_space<semaphore_mem>>
      %dma_start3A_341 = tpu.memref_squeeze %dma_start3A_340 : memref<1x!tpu.dma_semaphore, #tpu.memory_space<semaphore_mem>> -> memref<!tpu.dma_semaphore, #tpu.memory_space<semaphore_mem>>
      tpu.enqueue_indirect_dma source(%arg9 : memref<128x64xf32, #tpu.memory_space<vmem>>) target(%dma_start3A_339 : memref<10240x64xf32, #tpu.memory_space<vmem_shared>>) offsets(%dma_start3A_336 : memref<128xi32, #tpu.memory_space<vmem>>) semaphore(%dma_start3A_341 : memref<!tpu.dma_semaphore, #tpu.memory_space<semaphore_mem>>) {add = true}
      %mul3A_342 = arith.constant 3 : i32
      %mul3A_343 = arith.muli %mul3A_342, %scan3A_251 : i32
      %add3A_344 = arith.constant 2 : i32
      %add3A_345 = arith.addi %mul3A_343, %add3A_344 : i32
      %add3A_346 = arith.constant 2 : i32
      %add3A_347 = arith.addi %add3A_345, %add3A_346 : i32
      %sub3A_348 = arith.constant 2 : i32
      %sub3A_349 = arith.subi %add3A_347, %sub3A_348 : i32
      %dma_wait3A_350 = arith.constant 2 : i32
      %dma_wait3A_351 = arith.constant 0 : i32
      %dma_wait3A_352 = tpu.memref_slice %arg8[%sub3A_349, %dma_wait3A_351] : memref<81x128xi32, #tpu.memory_space<vmem>> -> memref<1x128xi32, #tpu.memory_space<vmem>>
      %dma_wait3A_353 = tpu.memref_squeeze %dma_wait3A_352 : memref<1x128xi32, #tpu.memory_space<vmem>> -> memref<128xi32, #tpu.memory_space<vmem>>
      %dma_wait3A_354 = arith.constant 0 : i32
      %dma_wait3A_355 = arith.constant 0 : i32
      %dma_wait3A_356 = tpu.memref_slice %arg13[%dma_wait3A_354, %dma_wait3A_355] : memref<10240x64xf32, #tpu.memory_space<vmem_shared>> -> memref<10240x64xf32, #tpu.memory_space<vmem_shared>>
      %dma_wait3A_357 = tpu.memref_slice %arg15[%dma_wait3A_350] : memref<3x!tpu.dma_semaphore, #tpu.memory_space<semaphore_mem>> -> memref<1x!tpu.dma_semaphore, #tpu.memory_space<semaphore_mem>>
      %dma_wait3A_358 = tpu.memref_squeeze %dma_wait3A_357 : memref<1x!tpu.dma_semaphore, #tpu.memory_space<semaphore_mem>> -> memref<!tpu.dma_semaphore, #tpu.memory_space<semaphore_mem>>
      tpu.wait_indirect_dma semaphore(%dma_wait3A_358 : memref<!tpu.dma_semaphore, #tpu.memory_space<semaphore_mem>>) src(%arg11 : memref<128x64xf32, #tpu.memory_space<vmem>>) dst(%dma_wait3A_356 : memref<10240x64xf32, #tpu.memory_space<vmem_shared>>)
      %add3A_359 = arith.constant 1 : i32
      %add3A_360 = arith.addi %add3A_347, %add3A_359 : i32
      %dma_start3A_361 = arith.constant 2 : i32
      %dma_start3A_362 = arith.constant 0 : i32
      %dma_start3A_363 = tpu.memref_slice %arg7[%add3A_360, %dma_start3A_362] : memref<81x128xi32, #tpu.memory_space<vmem>> -> memref<1x128xi32, #tpu.memory_space<vmem>>
      %dma_start3A_364 = tpu.memref_squeeze %dma_start3A_363 : memref<1x128xi32, #tpu.memory_space<vmem>> -> memref<128xi32, #tpu.memory_space<vmem>>
      %dma_start3A_365 = arith.constant 0 : i32
      %dma_start3A_366 = arith.constant 0 : i32
      %dma_start3A_367 = tpu.memref_slice %arg12[%dma_start3A_365, %dma_start3A_366] : memref<10240x64xf32, #tpu.memory_space<vmem_shared>> -> memref<10240x64xf32, #tpu.memory_space<vmem_shared>>
      %dma_start3A_368 = tpu.memref_slice %arg14[%dma_start3A_361] : memref<3x!tpu.dma_semaphore, #tpu.memory_space<semaphore_mem>> -> memref<1x!tpu.dma_semaphore, #tpu.memory_space<semaphore_mem>>
      %dma_start3A_369 = tpu.memref_squeeze %dma_start3A_368 : memref<1x!tpu.dma_semaphore, #tpu.memory_space<semaphore_mem>> -> memref<!tpu.dma_semaphore, #tpu.memory_space<semaphore_mem>>
      tpu.enqueue_indirect_dma source(%dma_start3A_367 : memref<10240x64xf32, #tpu.memory_space<vmem_shared>>) target(%arg11 : memref<128x64xf32, #tpu.memory_space<vmem>>) offsets(%dma_start3A_364 : memref<128xi32, #tpu.memory_space<vmem>>) semaphore(%dma_start3A_369 : memref<!tpu.dma_semaphore, #tpu.memory_space<semaphore_mem>>)
      %dma_wait3A_370 = arith.constant 1 : i32
      %dma_wait3A_371 = arith.constant 0 : i32
      %dma_wait3A_372 = tpu.memref_slice %arg7[%add3A_347, %dma_wait3A_371] : memref<81x128xi32, #tpu.memory_space<vmem>> -> memref<1x128xi32, #tpu.memory_space<vmem>>
      %dma_wait3A_373 = tpu.memref_squeeze %dma_wait3A_372 : memref<1x128xi32, #tpu.memory_space<vmem>> -> memref<128xi32, #tpu.memory_space<vmem>>
      %dma_wait3A_374 = arith.constant 0 : i32
      %dma_wait3A_375 = arith.constant 0 : i32
      %dma_wait3A_376 = tpu.memref_slice %arg12[%dma_wait3A_374, %dma_wait3A_375] : memref<10240x64xf32, #tpu.memory_space<vmem_shared>> -> memref<10240x64xf32, #tpu.memory_space<vmem_shared>>
      %dma_wait3A_377 = tpu.memref_slice %arg14[%dma_wait3A_370] : memref<3x!tpu.dma_semaphore, #tpu.memory_space<semaphore_mem>> -> memref<1x!tpu.dma_semaphore, #tpu.memory_space<semaphore_mem>>
      %dma_wait3A_378 = tpu.memref_squeeze %dma_wait3A_377 : memref<1x!tpu.dma_semaphore, #tpu.memory_space<semaphore_mem>> -> memref<!tpu.dma_semaphore, #tpu.memory_space<semaphore_mem>>
      tpu.wait_indirect_dma semaphore(%dma_wait3A_378 : memref<!tpu.dma_semaphore, #tpu.memory_space<semaphore_mem>>) src(%dma_wait3A_376 : memref<10240x64xf32, #tpu.memory_space<vmem_shared>>) dst(%arg10 : memref<128x64xf32, #tpu.memory_space<vmem>>)
      %dma_start3A_379 = arith.constant 1 : i32
      %dma_start3A_380 = arith.constant 0 : i32
      %dma_start3A_381 = tpu.memref_slice %arg8[%add3A_347, %dma_start3A_380] : memref<81x128xi32, #tpu.memory_space<vmem>> -> memref<1x128xi32, #tpu.memory_space<vmem>>
      %dma_start3A_382 = tpu.memref_squeeze %dma_start3A_381 : memref<1x128xi32, #tpu.memory_space<vmem>> -> memref<128xi32, #tpu.memory_space<vmem>>
      %dma_start3A_383 = arith.constant 0 : i32
      %dma_start3A_384 = arith.constant 0 : i32
      %dma_start3A_385 = tpu.memref_slice %arg13[%dma_start3A_383, %dma_start3A_384] : memref<10240x64xf32, #tpu.memory_space<vmem_shared>> -> memref<10240x64xf32, #tpu.memory_space<vmem_shared>>
      %dma_start3A_386 = tpu.memref_slice %arg15[%dma_start3A_379] : memref<3x!tpu.dma_semaphore, #tpu.memory_space<semaphore_mem>> -> memref<1x!tpu.dma_semaphore, #tpu.memory_space<semaphore_mem>>
      %dma_start3A_387 = tpu.memref_squeeze %dma_start3A_386 : memref<1x!tpu.dma_semaphore, #tpu.memory_space<semaphore_mem>> -> memref<!tpu.dma_semaphore, #tpu.memory_space<semaphore_mem>>
      tpu.enqueue_indirect_dma source(%arg10 : memref<128x64xf32, #tpu.memory_space<vmem>>) target(%dma_start3A_385 : memref<10240x64xf32, #tpu.memory_space<vmem_shared>>) offsets(%dma_start3A_382 : memref<128xi32, #tpu.memory_space<vmem>>) semaphore(%dma_start3A_387 : memref<!tpu.dma_semaphore, #tpu.memory_space<semaphore_mem>>) {add = true}
    }
    %scan3A_73 = arith.constant 26 : i32
    %dma_wait3A_74 = arith.constant 78 : i32
    %dma_wait3A_75 = arith.constant 0 : i32
    %dma_wait3A_76 = arith.constant 0 : i32
    %dma_wait3A_77 = tpu.memref_slice %arg8[%dma_wait3A_74, %dma_wait3A_76] : memref<81x128xi32, #tpu.memory_space<vmem>> -> memref<1x128xi32, #tpu.memory_space<vmem>>
    %dma_wait3A_78 = tpu.memref_squeeze %dma_wait3A_77 : memref<1x128xi32, #tpu.memory_space<vmem>> -> memref<128xi32, #tpu.memory_space<vmem>>
    %dma_wait3A_79 = arith.constant 0 : i32
    %dma_wait3A_80 = arith.constant 0 : i32
    %dma_wait3A_81 = tpu.memref_slice %arg13[%dma_wait3A_79, %dma_wait3A_80] : memref<10240x64xf32, #tpu.memory_space<vmem_shared>> -> memref<10240x64xf32, #tpu.memory_space<vmem_shared>>
    %dma_wait3A_82 = tpu.memref_slice %arg15[%dma_wait3A_75] : memref<3x!tpu.dma_semaphore, #tpu.memory_space<semaphore_mem>> -> memref<1x!tpu.dma_semaphore, #tpu.memory_space<semaphore_mem>>
    %dma_wait3A_83 = tpu.memref_squeeze %dma_wait3A_82 : memref<1x!tpu.dma_semaphore, #tpu.memory_space<semaphore_mem>> -> memref<!tpu.dma_semaphore, #tpu.memory_space<semaphore_mem>>
    tpu.wait_indirect_dma semaphore(%dma_wait3A_83 : memref<!tpu.dma_semaphore, #tpu.memory_space<semaphore_mem>>) src(%arg9 : memref<128x64xf32, #tpu.memory_space<vmem>>) dst(%dma_wait3A_81 : memref<10240x64xf32, #tpu.memory_space<vmem_shared>>)
    %dma_wait3A_84 = arith.constant 80 : i32
    %dma_wait3A_85 = arith.constant 2 : i32
    %dma_wait3A_86 = arith.constant 0 : i32
    %dma_wait3A_87 = tpu.memref_slice %arg7[%dma_wait3A_84, %dma_wait3A_86] : memref<81x128xi32, #tpu.memory_space<vmem>> -> memref<1x128xi32, #tpu.memory_space<vmem>>
    %dma_wait3A_88 = tpu.memref_squeeze %dma_wait3A_87 : memref<1x128xi32, #tpu.memory_space<vmem>> -> memref<128xi32, #tpu.memory_space<vmem>>
    %dma_wait3A_89 = arith.constant 0 : i32
    %dma_wait3A_90 = arith.constant 0 : i32
    %dma_wait3A_91 = tpu.memref_slice %arg12[%dma_wait3A_89, %dma_wait3A_90] : memref<10240x64xf32, #tpu.memory_space<vmem_shared>> -> memref<10240x64xf32, #tpu.memory_space<vmem_shared>>
    %dma_wait3A_92 = tpu.memref_slice %arg14[%dma_wait3A_85] : memref<3x!tpu.dma_semaphore, #tpu.memory_space<semaphore_mem>> -> memref<1x!tpu.dma_semaphore, #tpu.memory_space<semaphore_mem>>
    %dma_wait3A_93 = tpu.memref_squeeze %dma_wait3A_92 : memref<1x!tpu.dma_semaphore, #tpu.memory_space<semaphore_mem>> -> memref<!tpu.dma_semaphore, #tpu.memory_space<semaphore_mem>>
    tpu.wait_indirect_dma semaphore(%dma_wait3A_93 : memref<!tpu.dma_semaphore, #tpu.memory_space<semaphore_mem>>) src(%dma_wait3A_91 : memref<10240x64xf32, #tpu.memory_space<vmem_shared>>) dst(%arg11 : memref<128x64xf32, #tpu.memory_space<vmem>>)
    %dma_start3A_94 = arith.constant 80 : i32
    %dma_start3A_95 = arith.constant 2 : i32
    %dma_start3A_96 = arith.constant 0 : i32
    %dma_start3A_97 = tpu.memref_slice %arg8[%dma_start3A_94, %dma_start3A_96] : memref<81x128xi32, #tpu.memory_space<vmem>> -> memref<1x128xi32, #tpu.memory_space<vmem>>
    %dma_start3A_98 = tpu.memref_squeeze %dma_start3A_97 : memref<1x128xi32, #tpu.memory_space<vmem>> -> memref<128xi32, #tpu.memory_space<vmem>>
    %dma_start3A_99 = arith.constant 0 : i32
    %dma_start3A_100 = arith.constant 0 : i32
    %dma_start3A_101 = tpu.memref_slice %arg13[%dma_start3A_99, %dma_start3A_100] : memref<10240x64xf32, #tpu.memory_space<vmem_shared>> -> memref<10240x64xf32, #tpu.memory_space<vmem_shared>>
    %dma_start3A_102 = tpu.memref_slice %arg15[%dma_start3A_95] : memref<3x!tpu.dma_semaphore, #tpu.memory_space<semaphore_mem>> -> memref<1x!tpu.dma_semaphore, #tpu.memory_space<semaphore_mem>>
    %dma_start3A_103 = tpu.memref_squeeze %dma_start3A_102 : memref<1x!tpu.dma_semaphore, #tpu.memory_space<semaphore_mem>> -> memref<!tpu.dma_semaphore, #tpu.memory_space<semaphore_mem>>
    tpu.enqueue_indirect_dma source(%arg11 : memref<128x64xf32, #tpu.memory_space<vmem>>) target(%dma_start3A_101 : memref<10240x64xf32, #tpu.memory_space<vmem_shared>>) offsets(%dma_start3A_98 : memref<128xi32, #tpu.memory_space<vmem>>) semaphore(%dma_start3A_103 : memref<!tpu.dma_semaphore, #tpu.memory_space<semaphore_mem>>) {add = true}
    %dma_wait3A_104 = arith.constant 79 : i32
    %dma_wait3A_105 = arith.constant 1 : i32
    %dma_wait3A_106 = arith.constant 0 : i32
    %dma_wait3A_107 = tpu.memref_slice %arg8[%dma_wait3A_104, %dma_wait3A_106] : memref<81x128xi32, #tpu.memory_space<vmem>> -> memref<1x128xi32, #tpu.memory_space<vmem>>
    %dma_wait3A_108 = tpu.memref_squeeze %dma_wait3A_107 : memref<1x128xi32, #tpu.memory_space<vmem>> -> memref<128xi32, #tpu.memory_space<vmem>>
    %dma_wait3A_109 = arith.constant 0 : i32
    %dma_wait3A_110 = arith.constant 0 : i32
    %dma_wait3A_111 = tpu.memref_slice %arg13[%dma_wait3A_109, %dma_wait3A_110] : memref<10240x64xf32, #tpu.memory_space<vmem_shared>> -> memref<10240x64xf32, #tpu.memory_space<vmem_shared>>
    %dma_wait3A_112 = tpu.memref_slice %arg15[%dma_wait3A_105] : memref<3x!tpu.dma_semaphore, #tpu.memory_space<semaphore_mem>> -> memref<1x!tpu.dma_semaphore, #tpu.memory_space<semaphore_mem>>
    %dma_wait3A_113 = tpu.memref_squeeze %dma_wait3A_112 : memref<1x!tpu.dma_semaphore, #tpu.memory_space<semaphore_mem>> -> memref<!tpu.dma_semaphore, #tpu.memory_space<semaphore_mem>>
    tpu.wait_indirect_dma semaphore(%dma_wait3A_113 : memref<!tpu.dma_semaphore, #tpu.memory_space<semaphore_mem>>) src(%arg10 : memref<128x64xf32, #tpu.memory_space<vmem>>) dst(%dma_wait3A_111 : memref<10240x64xf32, #tpu.memory_space<vmem_shared>>)
    %dma_wait3A_114 = arith.constant 80 : i32
    %dma_wait3A_115 = arith.constant 2 : i32
    %dma_wait3A_116 = arith.constant 0 : i32
    %dma_wait3A_117 = tpu.memref_slice %arg8[%dma_wait3A_114, %dma_wait3A_116] : memref<81x128xi32, #tpu.memory_space<vmem>> -> memref<1x128xi32, #tpu.memory_space<vmem>>
    %dma_wait3A_118 = tpu.memref_squeeze %dma_wait3A_117 : memref<1x128xi32, #tpu.memory_space<vmem>> -> memref<128xi32, #tpu.memory_space<vmem>>
    %dma_wait3A_119 = arith.constant 0 : i32
    %dma_wait3A_120 = arith.constant 0 : i32
    %dma_wait3A_121 = tpu.memref_slice %arg13[%dma_wait3A_119, %dma_wait3A_120] : memref<10240x64xf32, #tpu.memory_space<vmem_shared>> -> memref<10240x64xf32, #tpu.memory_space<vmem_shared>>
    %dma_wait3A_122 = tpu.memref_slice %arg15[%dma_wait3A_115] : memref<3x!tpu.dma_semaphore, #tpu.memory_space<semaphore_mem>> -> memref<1x!tpu.dma_semaphore, #tpu.memory_space<semaphore_mem>>
    %dma_wait3A_123 = tpu.memref_squeeze %dma_wait3A_122 : memref<1x!tpu.dma_semaphore, #tpu.memory_space<semaphore_mem>> -> memref<!tpu.dma_semaphore, #tpu.memory_space<semaphore_mem>>
    tpu.wait_indirect_dma semaphore(%dma_wait3A_123 : memref<!tpu.dma_semaphore, #tpu.memory_space<semaphore_mem>>) src(%arg11 : memref<128x64xf32, #tpu.memory_space<vmem>>) dst(%dma_wait3A_121 : memref<10240x64xf32, #tpu.memory_space<vmem_shared>>)
    "tpu.region"() ({
      %run_scoped3A = tpu.sem_alloc : memref<!tpu.dma_semaphore, #tpu.memory_space<semaphore_mem>>
      %dma_start3A_251 = arith.constant 0 : i32
      %dma_start3A_252 = arith.constant 0 : i32
      %dma_start3A_253 = tpu.memref_slice %arg7[%dma_start3A_251, %dma_start3A_252] : memref<81x128xi32, #tpu.memory_space<vmem>> -> memref<78x128xi32, #tpu.memory_space<vmem>>
      %dma_start3A_254 = arith.constant 81 : i32
      %dma_start3A_255 = arith.constant 0 : i32
      %dma_start3A_256 = tpu.memref_slice %arg2[%arg1, %dma_start3A_254, %dma_start3A_255] : memref<16x159x128xi32, #tpu.memory_space<hbm>> -> memref<1x78x128xi32, #tpu.memory_space<hbm>>
      %dma_start3A_257 = tpu.memref_squeeze %dma_start3A_256 : memref<1x78x128xi32, #tpu.memory_space<hbm>> -> memref<78x128xi32, #tpu.memory_space<hbm>>
      %dma_start3A_258 = arith.constant 0 : i32
      %dma_start3A_259 = arith.constant 0 : i32
      %dma_start3A_260 = tpu.memref_slice %arg7[%dma_start3A_258, %dma_start3A_259] : memref<81x128xi32, #tpu.memory_space<vmem>> -> memref<78x128xi32, #tpu.memory_space<vmem>>
      %dma_start3A_261 = arith.constant 81 : i32
      %dma_start3A_262 = arith.constant 0 : i32
      %dma_start3A_263 = tpu.memref_slice %arg2[%arg1, %dma_start3A_261, %dma_start3A_262] : memref<16x159x128xi32, #tpu.memory_space<hbm>> -> memref<1x78x128xi32, #tpu.memory_space<hbm>>
      %dma_start3A_264 = tpu.memref_squeeze %dma_start3A_263 : memref<1x78x128xi32, #tpu.memory_space<hbm>> -> memref<78x128xi32, #tpu.memory_space<hbm>>
      tpu.enqueue_dma source(%dma_start3A_264 : memref<78x128xi32, #tpu.memory_space<hbm>>) target(%dma_start3A_260 : memref<78x128xi32, #tpu.memory_space<vmem>>) target_semaphore(%run_scoped3A : memref<!tpu.dma_semaphore, #tpu.memory_space<semaphore_mem>>)
      %dma_wait3A_265 = arith.constant 0 : i32
      %dma_wait3A_266 = arith.constant 0 : i32
      %dma_wait3A_267 = tpu.memref_slice %arg7[%dma_wait3A_265, %dma_wait3A_266] : memref<81x128xi32, #tpu.memory_space<vmem>> -> memref<78x128xi32, #tpu.memory_space<vmem>>
      %dma_wait3A_268 = arith.constant 81 : i32
      %dma_wait3A_269 = arith.constant 0 : i32
      %dma_wait3A_270 = tpu.memref_slice %arg2[%arg1, %dma_wait3A_268, %dma_wait3A_269] : memref<16x159x128xi32, #tpu.memory_space<hbm>> -> memref<1x78x128xi32, #tpu.memory_space<hbm>>
      %dma_wait3A_271 = tpu.memref_squeeze %dma_wait3A_270 : memref<1x78x128xi32, #tpu.memory_space<hbm>> -> memref<78x128xi32, #tpu.memory_space<hbm>>
      %dma_wait3A_272 = arith.constant 0 : i32
      %dma_wait3A_273 = arith.constant 0 : i32
      %dma_wait3A_274 = tpu.memref_slice %arg7[%dma_wait3A_272, %dma_wait3A_273] : memref<81x128xi32, #tpu.memory_space<vmem>> -> memref<78x128xi32, #tpu.memory_space<vmem>>
      %dma_wait3A_275 = arith.constant 81 : i32
      %dma_wait3A_276 = arith.constant 0 : i32
      %dma_wait3A_277 = tpu.memref_slice %arg2[%arg1, %dma_wait3A_275, %dma_wait3A_276] : memref<16x159x128xi32, #tpu.memory_space<hbm>> -> memref<1x78x128xi32, #tpu.memory_space<hbm>>
      %dma_wait3A_278 = tpu.memref_squeeze %dma_wait3A_277 : memref<1x78x128xi32, #tpu.memory_space<hbm>> -> memref<78x128xi32, #tpu.memory_space<hbm>>
      tpu.wait_dma2 semaphore(%run_scoped3A : memref<!tpu.dma_semaphore, #tpu.memory_space<semaphore_mem>>) src(%dma_wait3A_278 : memref<78x128xi32, #tpu.memory_space<hbm>>) dst(%dma_wait3A_274 : memref<78x128xi32, #tpu.memory_space<vmem>>)
      tpu.yield
    }) : () -> ()
    "tpu.region"() ({
      %run_scoped3A = tpu.sem_alloc : memref<!tpu.dma_semaphore, #tpu.memory_space<semaphore_mem>>
      %dma_start3A_251 = arith.constant 0 : i32
      %dma_start3A_252 = arith.constant 0 : i32
      %dma_start3A_253 = tpu.memref_slice %arg8[%dma_start3A_251, %dma_start3A_252] : memref<81x128xi32, #tpu.memory_space<vmem>> -> memref<78x128xi32, #tpu.memory_space<vmem>>
      %dma_start3A_254 = arith.constant 81 : i32
      %dma_start3A_255 = arith.constant 0 : i32
      %dma_start3A_256 = tpu.memref_slice %arg3[%arg1, %dma_start3A_254, %dma_start3A_255] : memref<16x159x128xi32, #tpu.memory_space<hbm>> -> memref<1x78x128xi32, #tpu.memory_space<hbm>>
      %dma_start3A_257 = tpu.memref_squeeze %dma_start3A_256 : memref<1x78x128xi32, #tpu.memory_space<hbm>> -> memref<78x128xi32, #tpu.memory_space<hbm>>
      %dma_start3A_258 = arith.constant 0 : i32
      %dma_start3A_259 = arith.constant 0 : i32
      %dma_start3A_260 = tpu.memref_slice %arg8[%dma_start3A_258, %dma_start3A_259] : memref<81x128xi32, #tpu.memory_space<vmem>> -> memref<78x128xi32, #tpu.memory_space<vmem>>
      %dma_start3A_261 = arith.constant 81 : i32
      %dma_start3A_262 = arith.constant 0 : i32
      %dma_start3A_263 = tpu.memref_slice %arg3[%arg1, %dma_start3A_261, %dma_start3A_262] : memref<16x159x128xi32, #tpu.memory_space<hbm>> -> memref<1x78x128xi32, #tpu.memory_space<hbm>>
      %dma_start3A_264 = tpu.memref_squeeze %dma_start3A_263 : memref<1x78x128xi32, #tpu.memory_space<hbm>> -> memref<78x128xi32, #tpu.memory_space<hbm>>
      tpu.enqueue_dma source(%dma_start3A_264 : memref<78x128xi32, #tpu.memory_space<hbm>>) target(%dma_start3A_260 : memref<78x128xi32, #tpu.memory_space<vmem>>) target_semaphore(%run_scoped3A : memref<!tpu.dma_semaphore, #tpu.memory_space<semaphore_mem>>)
      %dma_wait3A_265 = arith.constant 0 : i32
      %dma_wait3A_266 = arith.constant 0 : i32
      %dma_wait3A_267 = tpu.memref_slice %arg8[%dma_wait3A_265, %dma_wait3A_266] : memref<81x128xi32, #tpu.memory_space<vmem>> -> memref<78x128xi32, #tpu.memory_space<vmem>>
      %dma_wait3A_268 = arith.constant 81 : i32
      %dma_wait3A_269 = arith.constant 0 : i32
      %dma_wait3A_270 = tpu.memref_slice %arg3[%arg1, %dma_wait3A_268, %dma_wait3A_269] : memref<16x159x128xi32, #tpu.memory_space<hbm>> -> memref<1x78x128xi32, #tpu.memory_space<hbm>>
      %dma_wait3A_271 = tpu.memref_squeeze %dma_wait3A_270 : memref<1x78x128xi32, #tpu.memory_space<hbm>> -> memref<78x128xi32, #tpu.memory_space<hbm>>
      %dma_wait3A_272 = arith.constant 0 : i32
      %dma_wait3A_273 = arith.constant 0 : i32
      %dma_wait3A_274 = tpu.memref_slice %arg8[%dma_wait3A_272, %dma_wait3A_273] : memref<81x128xi32, #tpu.memory_space<vmem>> -> memref<78x128xi32, #tpu.memory_space<vmem>>
      %dma_wait3A_275 = arith.constant 81 : i32
      %dma_wait3A_276 = arith.constant 0 : i32
      %dma_wait3A_277 = tpu.memref_slice %arg3[%arg1, %dma_wait3A_275, %dma_wait3A_276] : memref<16x159x128xi32, #tpu.memory_space<hbm>> -> memref<1x78x128xi32, #tpu.memory_space<hbm>>
      %dma_wait3A_278 = tpu.memref_squeeze %dma_wait3A_277 : memref<1x78x128xi32, #tpu.memory_space<hbm>> -> memref<78x128xi32, #tpu.memory_space<hbm>>
      tpu.wait_dma2 semaphore(%run_scoped3A : memref<!tpu.dma_semaphore, #tpu.memory_space<semaphore_mem>>) src(%dma_wait3A_278 : memref<78x128xi32, #tpu.memory_space<hbm>>) dst(%dma_wait3A_274 : memref<78x128xi32, #tpu.memory_space<vmem>>)
      tpu.yield
    }) : () -> ()
    %dma_start3A_124 = arith.constant 0 : i32
    %dma_start3A_125 = arith.constant 0 : i32
    %dma_start3A_126 = arith.constant 0 : i32
    %dma_start3A_127 = tpu.memref_slice %arg7[%dma_start3A_124, %dma_start3A_126] : memref<81x128xi32, #tpu.memory_space<vmem>> -> memref<1x128xi32, #tpu.memory_space<vmem>>
    %dma_start3A_128 = tpu.memref_squeeze %dma_start3A_127 : memref<1x128xi32, #tpu.memory_space<vmem>> -> memref<128xi32, #tpu.memory_space<vmem>>
    %dma_start3A_129 = arith.constant 0 : i32
    %dma_start3A_130 = arith.constant 0 : i32
    %dma_start3A_131 = tpu.memref_slice %arg12[%dma_start3A_129, %dma_start3A_130] : memref<10240x64xf32, #tpu.memory_space<vmem_shared>> -> memref<10240x64xf32, #tpu.memory_space<vmem_shared>>
    %dma_start3A_132 = tpu.memref_slice %arg14[%dma_start3A_125] : memref<3x!tpu.dma_semaphore, #tpu.memory_space<semaphore_mem>> -> memref<1x!tpu.dma_semaphore, #tpu.memory_space<semaphore_mem>>
    %dma_start3A_133 = tpu.memref_squeeze %dma_start3A_132 : memref<1x!tpu.dma_semaphore, #tpu.memory_space<semaphore_mem>> -> memref<!tpu.dma_semaphore, #tpu.memory_space<semaphore_mem>>
    tpu.enqueue_indirect_dma source(%dma_start3A_131 : memref<10240x64xf32, #tpu.memory_space<vmem_shared>>) target(%arg9 : memref<128x64xf32, #tpu.memory_space<vmem>>) offsets(%dma_start3A_128 : memref<128xi32, #tpu.memory_space<vmem>>) semaphore(%dma_start3A_133 : memref<!tpu.dma_semaphore, #tpu.memory_space<semaphore_mem>>)
    %dma_start3A_134 = arith.constant 1 : i32
    %dma_start3A_135 = arith.constant 1 : i32
    %dma_start3A_136 = arith.constant 0 : i32
    %dma_start3A_137 = tpu.memref_slice %arg7[%dma_start3A_134, %dma_start3A_136] : memref<81x128xi32, #tpu.memory_space<vmem>> -> memref<1x128xi32, #tpu.memory_space<vmem>>
    %dma_start3A_138 = tpu.memref_squeeze %dma_start3A_137 : memref<1x128xi32, #tpu.memory_space<vmem>> -> memref<128xi32, #tpu.memory_space<vmem>>
    %dma_start3A_139 = arith.constant 0 : i32
    %dma_start3A_140 = arith.constant 0 : i32
    %dma_start3A_141 = tpu.memref_slice %arg12[%dma_start3A_139, %dma_start3A_140] : memref<10240x64xf32, #tpu.memory_space<vmem_shared>> -> memref<10240x64xf32, #tpu.memory_space<vmem_shared>>
    %dma_start3A_142 = tpu.memref_slice %arg14[%dma_start3A_135] : memref<3x!tpu.dma_semaphore, #tpu.memory_space<semaphore_mem>> -> memref<1x!tpu.dma_semaphore, #tpu.memory_space<semaphore_mem>>
    %dma_start3A_143 = tpu.memref_squeeze %dma_start3A_142 : memref<1x!tpu.dma_semaphore, #tpu.memory_space<semaphore_mem>> -> memref<!tpu.dma_semaphore, #tpu.memory_space<semaphore_mem>>
    tpu.enqueue_indirect_dma source(%dma_start3A_141 : memref<10240x64xf32, #tpu.memory_space<vmem_shared>>) target(%arg10 : memref<128x64xf32, #tpu.memory_space<vmem>>) offsets(%dma_start3A_138 : memref<128xi32, #tpu.memory_space<vmem>>) semaphore(%dma_start3A_143 : memref<!tpu.dma_semaphore, #tpu.memory_space<semaphore_mem>>)
    %dma_wait3A_144 = arith.constant 0 : i32
    %dma_wait3A_145 = arith.constant 0 : i32
    %dma_wait3A_146 = arith.constant 0 : i32
    %dma_wait3A_147 = tpu.memref_slice %arg7[%dma_wait3A_144, %dma_wait3A_146] : memref<81x128xi32, #tpu.memory_space<vmem>> -> memref<1x128xi32, #tpu.memory_space<vmem>>
    %dma_wait3A_148 = tpu.memref_squeeze %dma_wait3A_147 : memref<1x128xi32, #tpu.memory_space<vmem>> -> memref<128xi32, #tpu.memory_space<vmem>>
    %dma_wait3A_149 = arith.constant 0 : i32
    %dma_wait3A_150 = arith.constant 0 : i32
    %dma_wait3A_151 = tpu.memref_slice %arg12[%dma_wait3A_149, %dma_wait3A_150] : memref<10240x64xf32, #tpu.memory_space<vmem_shared>> -> memref<10240x64xf32, #tpu.memory_space<vmem_shared>>
    %dma_wait3A_152 = tpu.memref_slice %arg14[%dma_wait3A_145] : memref<3x!tpu.dma_semaphore, #tpu.memory_space<semaphore_mem>> -> memref<1x!tpu.dma_semaphore, #tpu.memory_space<semaphore_mem>>
    %dma_wait3A_153 = tpu.memref_squeeze %dma_wait3A_152 : memref<1x!tpu.dma_semaphore, #tpu.memory_space<semaphore_mem>> -> memref<!tpu.dma_semaphore, #tpu.memory_space<semaphore_mem>>
    tpu.wait_indirect_dma semaphore(%dma_wait3A_153 : memref<!tpu.dma_semaphore, #tpu.memory_space<semaphore_mem>>) src(%dma_wait3A_151 : memref<10240x64xf32, #tpu.memory_space<vmem_shared>>) dst(%arg9 : memref<128x64xf32, #tpu.memory_space<vmem>>)
    %dma_start3A_154 = arith.constant 0 : i32
    %dma_start3A_155 = arith.constant 0 : i32
    %dma_start3A_156 = arith.constant 0 : i32
    %dma_start3A_157 = tpu.memref_slice %arg8[%dma_start3A_154, %dma_start3A_156] : memref<81x128xi32, #tpu.memory_space<vmem>> -> memref<1x128xi32, #tpu.memory_space<vmem>>
    %dma_start3A_158 = tpu.memref_squeeze %dma_start3A_157 : memref<1x128xi32, #tpu.memory_space<vmem>> -> memref<128xi32, #tpu.memory_space<vmem>>
    %dma_start3A_159 = arith.constant 0 : i32
    %dma_start3A_160 = arith.constant 0 : i32
    %dma_start3A_161 = tpu.memref_slice %arg13[%dma_start3A_159, %dma_start3A_160] : memref<10240x64xf32, #tpu.memory_space<vmem_shared>> -> memref<10240x64xf32, #tpu.memory_space<vmem_shared>>
    %dma_start3A_162 = tpu.memref_slice %arg15[%dma_start3A_155] : memref<3x!tpu.dma_semaphore, #tpu.memory_space<semaphore_mem>> -> memref<1x!tpu.dma_semaphore, #tpu.memory_space<semaphore_mem>>
    %dma_start3A_163 = tpu.memref_squeeze %dma_start3A_162 : memref<1x!tpu.dma_semaphore, #tpu.memory_space<semaphore_mem>> -> memref<!tpu.dma_semaphore, #tpu.memory_space<semaphore_mem>>
    tpu.enqueue_indirect_dma source(%arg9 : memref<128x64xf32, #tpu.memory_space<vmem>>) target(%dma_start3A_161 : memref<10240x64xf32, #tpu.memory_space<vmem_shared>>) offsets(%dma_start3A_158 : memref<128xi32, #tpu.memory_space<vmem>>) semaphore(%dma_start3A_163 : memref<!tpu.dma_semaphore, #tpu.memory_space<semaphore_mem>>) {add = true}
    %dma_start3A_164 = arith.constant 2 : i32
    %dma_start3A_165 = arith.constant 2 : i32
    %dma_start3A_166 = arith.constant 0 : i32
    %dma_start3A_167 = tpu.memref_slice %arg7[%dma_start3A_164, %dma_start3A_166] : memref<81x128xi32, #tpu.memory_space<vmem>> -> memref<1x128xi32, #tpu.memory_space<vmem>>
    %dma_start3A_168 = tpu.memref_squeeze %dma_start3A_167 : memref<1x128xi32, #tpu.memory_space<vmem>> -> memref<128xi32, #tpu.memory_space<vmem>>
    %dma_start3A_169 = arith.constant 0 : i32
    %dma_start3A_170 = arith.constant 0 : i32
    %dma_start3A_171 = tpu.memref_slice %arg12[%dma_start3A_169, %dma_start3A_170] : memref<10240x64xf32, #tpu.memory_space<vmem_shared>> -> memref<10240x64xf32, #tpu.memory_space<vmem_shared>>
    %dma_start3A_172 = tpu.memref_slice %arg14[%dma_start3A_165] : memref<3x!tpu.dma_semaphore, #tpu.memory_space<semaphore_mem>> -> memref<1x!tpu.dma_semaphore, #tpu.memory_space<semaphore_mem>>
    %dma_start3A_173 = tpu.memref_squeeze %dma_start3A_172 : memref<1x!tpu.dma_semaphore, #tpu.memory_space<semaphore_mem>> -> memref<!tpu.dma_semaphore, #tpu.memory_space<semaphore_mem>>
    tpu.enqueue_indirect_dma source(%dma_start3A_171 : memref<10240x64xf32, #tpu.memory_space<vmem_shared>>) target(%arg11 : memref<128x64xf32, #tpu.memory_space<vmem>>) offsets(%dma_start3A_168 : memref<128xi32, #tpu.memory_space<vmem>>) semaphore(%dma_start3A_173 : memref<!tpu.dma_semaphore, #tpu.memory_space<semaphore_mem>>)
    %dma_wait3A_174 = arith.constant 1 : i32
    %dma_wait3A_175 = arith.constant 1 : i32
    %dma_wait3A_176 = arith.constant 0 : i32
    %dma_wait3A_177 = tpu.memref_slice %arg7[%dma_wait3A_174, %dma_wait3A_176] : memref<81x128xi32, #tpu.memory_space<vmem>> -> memref<1x128xi32, #tpu.memory_space<vmem>>
    %dma_wait3A_178 = tpu.memref_squeeze %dma_wait3A_177 : memref<1x128xi32, #tpu.memory_space<vmem>> -> memref<128xi32, #tpu.memory_space<vmem>>
    %dma_wait3A_179 = arith.constant 0 : i32
    %dma_wait3A_180 = arith.constant 0 : i32
    %dma_wait3A_181 = tpu.memref_slice %arg12[%dma_wait3A_179, %dma_wait3A_180] : memref<10240x64xf32, #tpu.memory_space<vmem_shared>> -> memref<10240x64xf32, #tpu.memory_space<vmem_shared>>
    %dma_wait3A_182 = tpu.memref_slice %arg14[%dma_wait3A_175] : memref<3x!tpu.dma_semaphore, #tpu.memory_space<semaphore_mem>> -> memref<1x!tpu.dma_semaphore, #tpu.memory_space<semaphore_mem>>
    %dma_wait3A_183 = tpu.memref_squeeze %dma_wait3A_182 : memref<1x!tpu.dma_semaphore, #tpu.memory_space<semaphore_mem>> -> memref<!tpu.dma_semaphore, #tpu.memory_space<semaphore_mem>>
    tpu.wait_indirect_dma semaphore(%dma_wait3A_183 : memref<!tpu.dma_semaphore, #tpu.memory_space<semaphore_mem>>) src(%dma_wait3A_181 : memref<10240x64xf32, #tpu.memory_space<vmem_shared>>) dst(%arg10 : memref<128x64xf32, #tpu.memory_space<vmem>>)
    %dma_start3A_184 = arith.constant 1 : i32
    %dma_start3A_185 = arith.constant 1 : i32
    %dma_start3A_186 = arith.constant 0 : i32
    %dma_start3A_187 = tpu.memref_slice %arg8[%dma_start3A_184, %dma_start3A_186] : memref<81x128xi32, #tpu.memory_space<vmem>> -> memref<1x128xi32, #tpu.memory_space<vmem>>
    %dma_start3A_188 = tpu.memref_squeeze %dma_start3A_187 : memref<1x128xi32, #tpu.memory_space<vmem>> -> memref<128xi32, #tpu.memory_space<vmem>>
    %dma_start3A_189 = arith.constant 0 : i32
    %dma_start3A_190 = arith.constant 0 : i32
    %dma_start3A_191 = tpu.memref_slice %arg13[%dma_start3A_189, %dma_start3A_190] : memref<10240x64xf32, #tpu.memory_space<vmem_shared>> -> memref<10240x64xf32, #tpu.memory_space<vmem_shared>>
    %dma_start3A_192 = tpu.memref_slice %arg15[%dma_start3A_185] : memref<3x!tpu.dma_semaphore, #tpu.memory_space<semaphore_mem>> -> memref<1x!tpu.dma_semaphore, #tpu.memory_space<semaphore_mem>>
    %dma_start3A_193 = tpu.memref_squeeze %dma_start3A_192 : memref<1x!tpu.dma_semaphore, #tpu.memory_space<semaphore_mem>> -> memref<!tpu.dma_semaphore, #tpu.memory_space<semaphore_mem>>
    tpu.enqueue_indirect_dma source(%arg10 : memref<128x64xf32, #tpu.memory_space<vmem>>) target(%dma_start3A_191 : memref<10240x64xf32, #tpu.memory_space<vmem_shared>>) offsets(%dma_start3A_188 : memref<128xi32, #tpu.memory_space<vmem>>) semaphore(%dma_start3A_193 : memref<!tpu.dma_semaphore, #tpu.memory_space<semaphore_mem>>) {add = true}
    %scan3A_194 = arith.constant 0 : i32
    %scan3A_195 = arith.constant 0 : i32
    %scan3A_196 = arith.constant 25 : i32
    %scan3A_197 = arith.addi %scan3A_195, %scan3A_196 : i32
    %scan3A_198 = arith.constant 1 : i32
    scf.for %scan3A_251 = %scan3A_195 to %scan3A_197 step %scan3A_198  : i32 {
      %mul3A_252 = arith.constant 3 : i32
      %mul3A_253 = arith.muli %mul3A_252, %scan3A_251 : i32
      %add3A = arith.constant 2 : i32
      %add3A_254 = arith.addi %mul3A_253, %add3A : i32
      %add3A_255 = arith.constant 0 : i32
      %add3A_256 = arith.addi %add3A_254, %add3A_255 : i32
      %sub3A = arith.constant 2 : i32
      %sub3A_257 = arith.subi %add3A_256, %sub3A : i32
      %dma_wait3A_258 = arith.constant 0 : i32
      %dma_wait3A_259 = arith.constant 0 : i32
      %dma_wait3A_260 = tpu.memref_slice %arg8[%sub3A_257, %dma_wait3A_259] : memref<81x128xi32, #tpu.memory_space<vmem>> -> memref<1x128xi32, #tpu.memory_space<vmem>>
      %dma_wait3A_261 = tpu.memref_squeeze %dma_wait3A_260 : memref<1x128xi32, #tpu.memory_space<vmem>> -> memref<128xi32, #tpu.memory_space<vmem>>
      %dma_wait3A_262 = arith.constant 0 : i32
      %dma_wait3A_263 = arith.constant 0 : i32
      %dma_wait3A_264 = tpu.memref_slice %arg13[%dma_wait3A_262, %dma_wait3A_263] : memref<10240x64xf32, #tpu.memory_space<vmem_shared>> -> memref<10240x64xf32, #tpu.memory_space<vmem_shared>>
      %dma_wait3A_265 = tpu.memref_slice %arg15[%dma_wait3A_258] : memref<3x!tpu.dma_semaphore, #tpu.memory_space<semaphore_mem>> -> memref<1x!tpu.dma_semaphore, #tpu.memory_space<semaphore_mem>>
      %dma_wait3A_266 = tpu.memref_squeeze %dma_wait3A_265 : memref<1x!tpu.dma_semaphore, #tpu.memory_space<semaphore_mem>> -> memref<!tpu.dma_semaphore, #tpu.memory_space<semaphore_mem>>
      tpu.wait_indirect_dma semaphore(%dma_wait3A_266 : memref<!tpu.dma_semaphore, #tpu.memory_space<semaphore_mem>>) src(%arg9 : memref<128x64xf32, #tpu.memory_space<vmem>>) dst(%dma_wait3A_264 : memref<10240x64xf32, #tpu.memory_space<vmem_shared>>)
      %add3A_267 = arith.constant 1 : i32
      %add3A_268 = arith.addi %add3A_256, %add3A_267 : i32
      %dma_start3A_269 = arith.constant 0 : i32
      %dma_start3A_270 = arith.constant 0 : i32
      %dma_start3A_271 = tpu.memref_slice %arg7[%add3A_268, %dma_start3A_270] : memref<81x128xi32, #tpu.memory_space<vmem>> -> memref<1x128xi32, #tpu.memory_space<vmem>>
      %dma_start3A_272 = tpu.memref_squeeze %dma_start3A_271 : memref<1x128xi32, #tpu.memory_space<vmem>> -> memref<128xi32, #tpu.memory_space<vmem>>
      %dma_start3A_273 = arith.constant 0 : i32
      %dma_start3A_274 = arith.constant 0 : i32
      %dma_start3A_275 = tpu.memref_slice %arg12[%dma_start3A_273, %dma_start3A_274] : memref<10240x64xf32, #tpu.memory_space<vmem_shared>> -> memref<10240x64xf32, #tpu.memory_space<vmem_shared>>
      %dma_start3A_276 = tpu.memref_slice %arg14[%dma_start3A_269] : memref<3x!tpu.dma_semaphore, #tpu.memory_space<semaphore_mem>> -> memref<1x!tpu.dma_semaphore, #tpu.memory_space<semaphore_mem>>
      %dma_start3A_277 = tpu.memref_squeeze %dma_start3A_276 : memref<1x!tpu.dma_semaphore, #tpu.memory_space<semaphore_mem>> -> memref<!tpu.dma_semaphore, #tpu.memory_space<semaphore_mem>>
      tpu.enqueue_indirect_dma source(%dma_start3A_275 : memref<10240x64xf32, #tpu.memory_space<vmem_shared>>) target(%arg9 : memref<128x64xf32, #tpu.memory_space<vmem>>) offsets(%dma_start3A_272 : memref<128xi32, #tpu.memory_space<vmem>>) semaphore(%dma_start3A_277 : memref<!tpu.dma_semaphore, #tpu.memory_space<semaphore_mem>>)
      %dma_wait3A_278 = arith.constant 2 : i32
      %dma_wait3A_279 = arith.constant 0 : i32
      %dma_wait3A_280 = tpu.memref_slice %arg7[%add3A_256, %dma_wait3A_279] : memref<81x128xi32, #tpu.memory_space<vmem>> -> memref<1x128xi32, #tpu.memory_space<vmem>>
      %dma_wait3A_281 = tpu.memref_squeeze %dma_wait3A_280 : memref<1x128xi32, #tpu.memory_space<vmem>> -> memref<128xi32, #tpu.memory_space<vmem>>
      %dma_wait3A_282 = arith.constant 0 : i32
      %dma_wait3A_283 = arith.constant 0 : i32
      %dma_wait3A_284 = tpu.memref_slice %arg12[%dma_wait3A_282, %dma_wait3A_283] : memref<10240x64xf32, #tpu.memory_space<vmem_shared>> -> memref<10240x64xf32, #tpu.memory_space<vmem_shared>>
      %dma_wait3A_285 = tpu.memref_slice %arg14[%dma_wait3A_278] : memref<3x!tpu.dma_semaphore, #tpu.memory_space<semaphore_mem>> -> memref<1x!tpu.dma_semaphore, #tpu.memory_space<semaphore_mem>>
      %dma_wait3A_286 = tpu.memref_squeeze %dma_wait3A_285 : memref<1x!tpu.dma_semaphore, #tpu.memory_space<semaphore_mem>> -> memref<!tpu.dma_semaphore, #tpu.memory_space<semaphore_mem>>
      tpu.wait_indirect_dma semaphore(%dma_wait3A_286 : memref<!tpu.dma_semaphore, #tpu.memory_space<semaphore_mem>>) src(%dma_wait3A_284 : memref<10240x64xf32, #tpu.memory_space<vmem_shared>>) dst(%arg11 : memref<128x64xf32, #tpu.memory_space<vmem>>)
      %dma_start3A_287 = arith.constant 2 : i32
      %dma_start3A_288 = arith.constant 0 : i32
      %dma_start3A_289 = tpu.memref_slice %arg8[%add3A_256, %dma_start3A_288] : memref<81x128xi32, #tpu.memory_space<vmem>> -> memref<1x128xi32, #tpu.memory_space<vmem>>
      %dma_start3A_290 = tpu.memref_squeeze %dma_start3A_289 : memref<1x128xi32, #tpu.memory_space<vmem>> -> memref<128xi32, #tpu.memory_space<vmem>>
      %dma_start3A_291 = arith.constant 0 : i32
      %dma_start3A_292 = arith.constant 0 : i32
      %dma_start3A_293 = tpu.memref_slice %arg13[%dma_start3A_291, %dma_start3A_292] : memref<10240x64xf32, #tpu.memory_space<vmem_shared>> -> memref<10240x64xf32, #tpu.memory_space<vmem_shared>>
      %dma_start3A_294 = tpu.memref_slice %arg15[%dma_start3A_287] : memref<3x!tpu.dma_semaphore, #tpu.memory_space<semaphore_mem>> -> memref<1x!tpu.dma_semaphore, #tpu.memory_space<semaphore_mem>>
      %dma_start3A_295 = tpu.memref_squeeze %dma_start3A_294 : memref<1x!tpu.dma_semaphore, #tpu.memory_space<semaphore_mem>> -> memref<!tpu.dma_semaphore, #tpu.memory_space<semaphore_mem>>
      tpu.enqueue_indirect_dma source(%arg11 : memref<128x64xf32, #tpu.memory_space<vmem>>) target(%dma_start3A_293 : memref<10240x64xf32, #tpu.memory_space<vmem_shared>>) offsets(%dma_start3A_290 : memref<128xi32, #tpu.memory_space<vmem>>) semaphore(%dma_start3A_295 : memref<!tpu.dma_semaphore, #tpu.memory_space<semaphore_mem>>) {add = true}
      %mul3A_296 = arith.constant 3 : i32
      %mul3A_297 = arith.muli %mul3A_296, %scan3A_251 : i32
      %add3A_298 = arith.constant 2 : i32
      %add3A_299 = arith.addi %mul3A_297, %add3A_298 : i32
      %add3A_300 = arith.constant 1 : i32
      %add3A_301 = arith.addi %add3A_299, %add3A_300 : i32
      %sub3A_302 = arith.constant 2 : i32
      %sub3A_303 = arith.subi %add3A_301, %sub3A_302 : i32
      %dma_wait3A_304 = arith.constant 1 : i32
      %dma_wait3A_305 = arith.constant 0 : i32
      %dma_wait3A_306 = tpu.memref_slice %arg8[%sub3A_303, %dma_wait3A_305] : memref<81x128xi32, #tpu.memory_space<vmem>> -> memref<1x128xi32, #tpu.memory_space<vmem>>
      %dma_wait3A_307 = tpu.memref_squeeze %dma_wait3A_306 : memref<1x128xi32, #tpu.memory_space<vmem>> -> memref<128xi32, #tpu.memory_space<vmem>>
      %dma_wait3A_308 = arith.constant 0 : i32
      %dma_wait3A_309 = arith.constant 0 : i32
      %dma_wait3A_310 = tpu.memref_slice %arg13[%dma_wait3A_308, %dma_wait3A_309] : memref<10240x64xf32, #tpu.memory_space<vmem_shared>> -> memref<10240x64xf32, #tpu.memory_space<vmem_shared>>
      %dma_wait3A_311 = tpu.memref_slice %arg15[%dma_wait3A_304] : memref<3x!tpu.dma_semaphore, #tpu.memory_space<semaphore_mem>> -> memref<1x!tpu.dma_semaphore, #tpu.memory_space<semaphore_mem>>
      %dma_wait3A_312 = tpu.memref_squeeze %dma_wait3A_311 : memref<1x!tpu.dma_semaphore, #tpu.memory_space<semaphore_mem>> -> memref<!tpu.dma_semaphore, #tpu.memory_space<semaphore_mem>>
      tpu.wait_indirect_dma semaphore(%dma_wait3A_312 : memref<!tpu.dma_semaphore, #tpu.memory_space<semaphore_mem>>) src(%arg10 : memref<128x64xf32, #tpu.memory_space<vmem>>) dst(%dma_wait3A_310 : memref<10240x64xf32, #tpu.memory_space<vmem_shared>>)
      %add3A_313 = arith.constant 1 : i32
      %add3A_314 = arith.addi %add3A_301, %add3A_313 : i32
      %dma_start3A_315 = arith.constant 1 : i32
      %dma_start3A_316 = arith.constant 0 : i32
      %dma_start3A_317 = tpu.memref_slice %arg7[%add3A_314, %dma_start3A_316] : memref<81x128xi32, #tpu.memory_space<vmem>> -> memref<1x128xi32, #tpu.memory_space<vmem>>
      %dma_start3A_318 = tpu.memref_squeeze %dma_start3A_317 : memref<1x128xi32, #tpu.memory_space<vmem>> -> memref<128xi32, #tpu.memory_space<vmem>>
      %dma_start3A_319 = arith.constant 0 : i32
      %dma_start3A_320 = arith.constant 0 : i32
      %dma_start3A_321 = tpu.memref_slice %arg12[%dma_start3A_319, %dma_start3A_320] : memref<10240x64xf32, #tpu.memory_space<vmem_shared>> -> memref<10240x64xf32, #tpu.memory_space<vmem_shared>>
      %dma_start3A_322 = tpu.memref_slice %arg14[%dma_start3A_315] : memref<3x!tpu.dma_semaphore, #tpu.memory_space<semaphore_mem>> -> memref<1x!tpu.dma_semaphore, #tpu.memory_space<semaphore_mem>>
      %dma_start3A_323 = tpu.memref_squeeze %dma_start3A_322 : memref<1x!tpu.dma_semaphore, #tpu.memory_space<semaphore_mem>> -> memref<!tpu.dma_semaphore, #tpu.memory_space<semaphore_mem>>
      tpu.enqueue_indirect_dma source(%dma_start3A_321 : memref<10240x64xf32, #tpu.memory_space<vmem_shared>>) target(%arg10 : memref<128x64xf32, #tpu.memory_space<vmem>>) offsets(%dma_start3A_318 : memref<128xi32, #tpu.memory_space<vmem>>) semaphore(%dma_start3A_323 : memref<!tpu.dma_semaphore, #tpu.memory_space<semaphore_mem>>)
      %dma_wait3A_324 = arith.constant 0 : i32
      %dma_wait3A_325 = arith.constant 0 : i32
      %dma_wait3A_326 = tpu.memref_slice %arg7[%add3A_301, %dma_wait3A_325] : memref<81x128xi32, #tpu.memory_space<vmem>> -> memref<1x128xi32, #tpu.memory_space<vmem>>
      %dma_wait3A_327 = tpu.memref_squeeze %dma_wait3A_326 : memref<1x128xi32, #tpu.memory_space<vmem>> -> memref<128xi32, #tpu.memory_space<vmem>>
      %dma_wait3A_328 = arith.constant 0 : i32
      %dma_wait3A_329 = arith.constant 0 : i32
      %dma_wait3A_330 = tpu.memref_slice %arg12[%dma_wait3A_328, %dma_wait3A_329] : memref<10240x64xf32, #tpu.memory_space<vmem_shared>> -> memref<10240x64xf32, #tpu.memory_space<vmem_shared>>
      %dma_wait3A_331 = tpu.memref_slice %arg14[%dma_wait3A_324] : memref<3x!tpu.dma_semaphore, #tpu.memory_space<semaphore_mem>> -> memref<1x!tpu.dma_semaphore, #tpu.memory_space<semaphore_mem>>
      %dma_wait3A_332 = tpu.memref_squeeze %dma_wait3A_331 : memref<1x!tpu.dma_semaphore, #tpu.memory_space<semaphore_mem>> -> memref<!tpu.dma_semaphore, #tpu.memory_space<semaphore_mem>>
      tpu.wait_indirect_dma semaphore(%dma_wait3A_332 : memref<!tpu.dma_semaphore, #tpu.memory_space<semaphore_mem>>) src(%dma_wait3A_330 : memref<10240x64xf32, #tpu.memory_space<vmem_shared>>) dst(%arg9 : memref<128x64xf32, #tpu.memory_space<vmem>>)
      %dma_start3A_333 = arith.constant 0 : i32
      %dma_start3A_334 = arith.constant 0 : i32
      %dma_start3A_335 = tpu.memref_slice %arg8[%add3A_301, %dma_start3A_334] : memref<81x128xi32, #tpu.memory_space<vmem>> -> memref<1x128xi32, #tpu.memory_space<vmem>>
      %dma_start3A_336 = tpu.memref_squeeze %dma_start3A_335 : memref<1x128xi32, #tpu.memory_space<vmem>> -> memref<128xi32, #tpu.memory_space<vmem>>
      %dma_start3A_337 = arith.constant 0 : i32
      %dma_start3A_338 = arith.constant 0 : i32
      %dma_start3A_339 = tpu.memref_slice %arg13[%dma_start3A_337, %dma_start3A_338] : memref<10240x64xf32, #tpu.memory_space<vmem_shared>> -> memref<10240x64xf32, #tpu.memory_space<vmem_shared>>
      %dma_start3A_340 = tpu.memref_slice %arg15[%dma_start3A_333] : memref<3x!tpu.dma_semaphore, #tpu.memory_space<semaphore_mem>> -> memref<1x!tpu.dma_semaphore, #tpu.memory_space<semaphore_mem>>
      %dma_start3A_341 = tpu.memref_squeeze %dma_start3A_340 : memref<1x!tpu.dma_semaphore, #tpu.memory_space<semaphore_mem>> -> memref<!tpu.dma_semaphore, #tpu.memory_space<semaphore_mem>>
      tpu.enqueue_indirect_dma source(%arg9 : memref<128x64xf32, #tpu.memory_space<vmem>>) target(%dma_start3A_339 : memref<10240x64xf32, #tpu.memory_space<vmem_shared>>) offsets(%dma_start3A_336 : memref<128xi32, #tpu.memory_space<vmem>>) semaphore(%dma_start3A_341 : memref<!tpu.dma_semaphore, #tpu.memory_space<semaphore_mem>>) {add = true}
      %mul3A_342 = arith.constant 3 : i32
      %mul3A_343 = arith.muli %mul3A_342, %scan3A_251 : i32
      %add3A_344 = arith.constant 2 : i32
      %add3A_345 = arith.addi %mul3A_343, %add3A_344 : i32
      %add3A_346 = arith.constant 2 : i32
      %add3A_347 = arith.addi %add3A_345, %add3A_346 : i32
      %sub3A_348 = arith.constant 2 : i32
      %sub3A_349 = arith.subi %add3A_347, %sub3A_348 : i32
      %dma_wait3A_350 = arith.constant 2 : i32
      %dma_wait3A_351 = arith.constant 0 : i32
      %dma_wait3A_352 = tpu.memref_slice %arg8[%sub3A_349, %dma_wait3A_351] : memref<81x128xi32, #tpu.memory_space<vmem>> -> memref<1x128xi32, #tpu.memory_space<vmem>>
      %dma_wait3A_353 = tpu.memref_squeeze %dma_wait3A_352 : memref<1x128xi32, #tpu.memory_space<vmem>> -> memref<128xi32, #tpu.memory_space<vmem>>
      %dma_wait3A_354 = arith.constant 0 : i32
      %dma_wait3A_355 = arith.constant 0 : i32
      %dma_wait3A_356 = tpu.memref_slice %arg13[%dma_wait3A_354, %dma_wait3A_355] : memref<10240x64xf32, #tpu.memory_space<vmem_shared>> -> memref<10240x64xf32, #tpu.memory_space<vmem_shared>>
      %dma_wait3A_357 = tpu.memref_slice %arg15[%dma_wait3A_350] : memref<3x!tpu.dma_semaphore, #tpu.memory_space<semaphore_mem>> -> memref<1x!tpu.dma_semaphore, #tpu.memory_space<semaphore_mem>>
      %dma_wait3A_358 = tpu.memref_squeeze %dma_wait3A_357 : memref<1x!tpu.dma_semaphore, #tpu.memory_space<semaphore_mem>> -> memref<!tpu.dma_semaphore, #tpu.memory_space<semaphore_mem>>
      tpu.wait_indirect_dma semaphore(%dma_wait3A_358 : memref<!tpu.dma_semaphore, #tpu.memory_space<semaphore_mem>>) src(%arg11 : memref<128x64xf32, #tpu.memory_space<vmem>>) dst(%dma_wait3A_356 : memref<10240x64xf32, #tpu.memory_space<vmem_shared>>)
      %add3A_359 = arith.constant 1 : i32
      %add3A_360 = arith.addi %add3A_347, %add3A_359 : i32
      %dma_start3A_361 = arith.constant 2 : i32
      %dma_start3A_362 = arith.constant 0 : i32
      %dma_start3A_363 = tpu.memref_slice %arg7[%add3A_360, %dma_start3A_362] : memref<81x128xi32, #tpu.memory_space<vmem>> -> memref<1x128xi32, #tpu.memory_space<vmem>>
      %dma_start3A_364 = tpu.memref_squeeze %dma_start3A_363 : memref<1x128xi32, #tpu.memory_space<vmem>> -> memref<128xi32, #tpu.memory_space<vmem>>
      %dma_start3A_365 = arith.constant 0 : i32
      %dma_start3A_366 = arith.constant 0 : i32
      %dma_start3A_367 = tpu.memref_slice %arg12[%dma_start3A_365, %dma_start3A_366] : memref<10240x64xf32, #tpu.memory_space<vmem_shared>> -> memref<10240x64xf32, #tpu.memory_space<vmem_shared>>
      %dma_start3A_368 = tpu.memref_slice %arg14[%dma_start3A_361] : memref<3x!tpu.dma_semaphore, #tpu.memory_space<semaphore_mem>> -> memref<1x!tpu.dma_semaphore, #tpu.memory_space<semaphore_mem>>
      %dma_start3A_369 = tpu.memref_squeeze %dma_start3A_368 : memref<1x!tpu.dma_semaphore, #tpu.memory_space<semaphore_mem>> -> memref<!tpu.dma_semaphore, #tpu.memory_space<semaphore_mem>>
      tpu.enqueue_indirect_dma source(%dma_start3A_367 : memref<10240x64xf32, #tpu.memory_space<vmem_shared>>) target(%arg11 : memref<128x64xf32, #tpu.memory_space<vmem>>) offsets(%dma_start3A_364 : memref<128xi32, #tpu.memory_space<vmem>>) semaphore(%dma_start3A_369 : memref<!tpu.dma_semaphore, #tpu.memory_space<semaphore_mem>>)
      %dma_wait3A_370 = arith.constant 1 : i32
      %dma_wait3A_371 = arith.constant 0 : i32
      %dma_wait3A_372 = tpu.memref_slice %arg7[%add3A_347, %dma_wait3A_371] : memref<81x128xi32, #tpu.memory_space<vmem>> -> memref<1x128xi32, #tpu.memory_space<vmem>>
      %dma_wait3A_373 = tpu.memref_squeeze %dma_wait3A_372 : memref<1x128xi32, #tpu.memory_space<vmem>> -> memref<128xi32, #tpu.memory_space<vmem>>
      %dma_wait3A_374 = arith.constant 0 : i32
      %dma_wait3A_375 = arith.constant 0 : i32
      %dma_wait3A_376 = tpu.memref_slice %arg12[%dma_wait3A_374, %dma_wait3A_375] : memref<10240x64xf32, #tpu.memory_space<vmem_shared>> -> memref<10240x64xf32, #tpu.memory_space<vmem_shared>>
      %dma_wait3A_377 = tpu.memref_slice %arg14[%dma_wait3A_370] : memref<3x!tpu.dma_semaphore, #tpu.memory_space<semaphore_mem>> -> memref<1x!tpu.dma_semaphore, #tpu.memory_space<semaphore_mem>>
      %dma_wait3A_378 = tpu.memref_squeeze %dma_wait3A_377 : memref<1x!tpu.dma_semaphore, #tpu.memory_space<semaphore_mem>> -> memref<!tpu.dma_semaphore, #tpu.memory_space<semaphore_mem>>
      tpu.wait_indirect_dma semaphore(%dma_wait3A_378 : memref<!tpu.dma_semaphore, #tpu.memory_space<semaphore_mem>>) src(%dma_wait3A_376 : memref<10240x64xf32, #tpu.memory_space<vmem_shared>>) dst(%arg10 : memref<128x64xf32, #tpu.memory_space<vmem>>)
      %dma_start3A_379 = arith.constant 1 : i32
      %dma_start3A_380 = arith.constant 0 : i32
      %dma_start3A_381 = tpu.memref_slice %arg8[%add3A_347, %dma_start3A_380] : memref<81x128xi32, #tpu.memory_space<vmem>> -> memref<1x128xi32, #tpu.memory_space<vmem>>
      %dma_start3A_382 = tpu.memref_squeeze %dma_start3A_381 : memref<1x128xi32, #tpu.memory_space<vmem>> -> memref<128xi32, #tpu.memory_space<vmem>>
      %dma_start3A_383 = arith.constant 0 : i32
      %dma_start3A_384 = arith.constant 0 : i32
      %dma_start3A_385 = tpu.memref_slice %arg13[%dma_start3A_383, %dma_start3A_384] : memref<10240x64xf32, #tpu.memory_space<vmem_shared>> -> memref<10240x64xf32, #tpu.memory_space<vmem_shared>>
      %dma_start3A_386 = tpu.memref_slice %arg15[%dma_start3A_379] : memref<3x!tpu.dma_semaphore, #tpu.memory_space<semaphore_mem>> -> memref<1x!tpu.dma_semaphore, #tpu.memory_space<semaphore_mem>>
      %dma_start3A_387 = tpu.memref_squeeze %dma_start3A_386 : memref<1x!tpu.dma_semaphore, #tpu.memory_space<semaphore_mem>> -> memref<!tpu.dma_semaphore, #tpu.memory_space<semaphore_mem>>
      tpu.enqueue_indirect_dma source(%arg10 : memref<128x64xf32, #tpu.memory_space<vmem>>) target(%dma_start3A_385 : memref<10240x64xf32, #tpu.memory_space<vmem_shared>>) offsets(%dma_start3A_382 : memref<128xi32, #tpu.memory_space<vmem>>) semaphore(%dma_start3A_387 : memref<!tpu.dma_semaphore, #tpu.memory_space<semaphore_mem>>) {add = true}
    }
    %scan3A_199 = arith.constant 25 : i32
    %dma_wait3A_200 = arith.constant 75 : i32
    %dma_wait3A_201 = arith.constant 0 : i32
    %dma_wait3A_202 = arith.constant 0 : i32
    %dma_wait3A_203 = tpu.memref_slice %arg8[%dma_wait3A_200, %dma_wait3A_202] : memref<81x128xi32, #tpu.memory_space<vmem>> -> memref<1x128xi32, #tpu.memory_space<vmem>>
    %dma_wait3A_204 = tpu.memref_squeeze %dma_wait3A_203 : memref<1x128xi32, #tpu.memory_space<vmem>> -> memref<128xi32, #tpu.memory_space<vmem>>
    %dma_wait3A_205 = arith.constant 0 : i32
    %dma_wait3A_206 = arith.constant 0 : i32
    %dma_wait3A_207 = tpu.memref_slice %arg13[%dma_wait3A_205, %dma_wait3A_206] : memref<10240x64xf32, #tpu.memory_space<vmem_shared>> -> memref<10240x64xf32, #tpu.memory_space<vmem_shared>>
    %dma_wait3A_208 = tpu.memref_slice %arg15[%dma_wait3A_201] : memref<3x!tpu.dma_semaphore, #tpu.memory_space<semaphore_mem>> -> memref<1x!tpu.dma_semaphore, #tpu.memory_space<semaphore_mem>>
    %dma_wait3A_209 = tpu.memref_squeeze %dma_wait3A_208 : memref<1x!tpu.dma_semaphore, #tpu.memory_space<semaphore_mem>> -> memref<!tpu.dma_semaphore, #tpu.memory_space<semaphore_mem>>
    tpu.wait_indirect_dma semaphore(%dma_wait3A_209 : memref<!tpu.dma_semaphore, #tpu.memory_space<semaphore_mem>>) src(%arg9 : memref<128x64xf32, #tpu.memory_space<vmem>>) dst(%dma_wait3A_207 : memref<10240x64xf32, #tpu.memory_space<vmem_shared>>)
    %dma_wait3A_210 = arith.constant 77 : i32
    %dma_wait3A_211 = arith.constant 2 : i32
    %dma_wait3A_212 = arith.constant 0 : i32
    %dma_wait3A_213 = tpu.memref_slice %arg7[%dma_wait3A_210, %dma_wait3A_212] : memref<81x128xi32, #tpu.memory_space<vmem>> -> memref<1x128xi32, #tpu.memory_space<vmem>>
    %dma_wait3A_214 = tpu.memref_squeeze %dma_wait3A_213 : memref<1x128xi32, #tpu.memory_space<vmem>> -> memref<128xi32, #tpu.memory_space<vmem>>
    %dma_wait3A_215 = arith.constant 0 : i32
    %dma_wait3A_216 = arith.constant 0 : i32
    %dma_wait3A_217 = tpu.memref_slice %arg12[%dma_wait3A_215, %dma_wait3A_216] : memref<10240x64xf32, #tpu.memory_space<vmem_shared>> -> memref<10240x64xf32, #tpu.memory_space<vmem_shared>>
    %dma_wait3A_218 = tpu.memref_slice %arg14[%dma_wait3A_211] : memref<3x!tpu.dma_semaphore, #tpu.memory_space<semaphore_mem>> -> memref<1x!tpu.dma_semaphore, #tpu.memory_space<semaphore_mem>>
    %dma_wait3A_219 = tpu.memref_squeeze %dma_wait3A_218 : memref<1x!tpu.dma_semaphore, #tpu.memory_space<semaphore_mem>> -> memref<!tpu.dma_semaphore, #tpu.memory_space<semaphore_mem>>
    tpu.wait_indirect_dma semaphore(%dma_wait3A_219 : memref<!tpu.dma_semaphore, #tpu.memory_space<semaphore_mem>>) src(%dma_wait3A_217 : memref<10240x64xf32, #tpu.memory_space<vmem_shared>>) dst(%arg11 : memref<128x64xf32, #tpu.memory_space<vmem>>)
    %dma_start3A_220 = arith.constant 77 : i32
    %dma_start3A_221 = arith.constant 2 : i32
    %dma_start3A_222 = arith.constant 0 : i32
    %dma_start3A_223 = tpu.memref_slice %arg8[%dma_start3A_220, %dma_start3A_222] : memref<81x128xi32, #tpu.memory_space<vmem>> -> memref<1x128xi32, #tpu.memory_space<vmem>>
    %dma_start3A_224 = tpu.memref_squeeze %dma_start3A_223 : memref<1x128xi32, #tpu.memory_space<vmem>> -> memref<128xi32, #tpu.memory_space<vmem>>
    %dma_start3A_225 = arith.constant 0 : i32
    %dma_start3A_226 = arith.constant 0 : i32
    %dma_start3A_227 = tpu.memref_slice %arg13[%dma_start3A_225, %dma_start3A_226] : memref<10240x64xf32, #tpu.memory_space<vmem_shared>> -> memref<10240x64xf32, #tpu.memory_space<vmem_shared>>
    %dma_start3A_228 = tpu.memref_slice %arg15[%dma_start3A_221] : memref<3x!tpu.dma_semaphore, #tpu.memory_space<semaphore_mem>> -> memref<1x!tpu.dma_semaphore, #tpu.memory_space<semaphore_mem>>
    %dma_start3A_229 = tpu.memref_squeeze %dma_start3A_228 : memref<1x!tpu.dma_semaphore, #tpu.memory_space<semaphore_mem>> -> memref<!tpu.dma_semaphore, #tpu.memory_space<semaphore_mem>>
    tpu.enqueue_indirect_dma source(%arg11 : memref<128x64xf32, #tpu.memory_space<vmem>>) target(%dma_start3A_227 : memref<10240x64xf32, #tpu.memory_space<vmem_shared>>) offsets(%dma_start3A_224 : memref<128xi32, #tpu.memory_space<vmem>>) semaphore(%dma_start3A_229 : memref<!tpu.dma_semaphore, #tpu.memory_space<semaphore_mem>>) {add = true}
    %dma_wait3A_230 = arith.constant 76 : i32
    %dma_wait3A_231 = arith.constant 1 : i32
    %dma_wait3A_232 = arith.constant 0 : i32
    %dma_wait3A_233 = tpu.memref_slice %arg8[%dma_wait3A_230, %dma_wait3A_232] : memref<81x128xi32, #tpu.memory_space<vmem>> -> memref<1x128xi32, #tpu.memory_space<vmem>>
    %dma_wait3A_234 = tpu.memref_squeeze %dma_wait3A_233 : memref<1x128xi32, #tpu.memory_space<vmem>> -> memref<128xi32, #tpu.memory_space<vmem>>
    %dma_wait3A_235 = arith.constant 0 : i32
    %dma_wait3A_236 = arith.constant 0 : i32
    %dma_wait3A_237 = tpu.memref_slice %arg13[%dma_wait3A_235, %dma_wait3A_236] : memref<10240x64xf32, #tpu.memory_space<vmem_shared>> -> memref<10240x64xf32, #tpu.memory_space<vmem_shared>>
    %dma_wait3A_238 = tpu.memref_slice %arg15[%dma_wait3A_231] : memref<3x!tpu.dma_semaphore, #tpu.memory_space<semaphore_mem>> -> memref<1x!tpu.dma_semaphore, #tpu.memory_space<semaphore_mem>>
    %dma_wait3A_239 = tpu.memref_squeeze %dma_wait3A_238 : memref<1x!tpu.dma_semaphore, #tpu.memory_space<semaphore_mem>> -> memref<!tpu.dma_semaphore, #tpu.memory_space<semaphore_mem>>
    tpu.wait_indirect_dma semaphore(%dma_wait3A_239 : memref<!tpu.dma_semaphore, #tpu.memory_space<semaphore_mem>>) src(%arg10 : memref<128x64xf32, #tpu.memory_space<vmem>>) dst(%dma_wait3A_237 : memref<10240x64xf32, #tpu.memory_space<vmem_shared>>)
    %dma_wait3A_240 = arith.constant 77 : i32
    %dma_wait3A_241 = arith.constant 2 : i32
    %dma_wait3A_242 = arith.constant 0 : i32
    %dma_wait3A_243 = tpu.memref_slice %arg8[%dma_wait3A_240, %dma_wait3A_242] : memref<81x128xi32, #tpu.memory_space<vmem>> -> memref<1x128xi32, #tpu.memory_space<vmem>>
    %dma_wait3A_244 = tpu.memref_squeeze %dma_wait3A_243 : memref<1x128xi32, #tpu.memory_space<vmem>> -> memref<128xi32, #tpu.memory_space<vmem>>
    %dma_wait3A_245 = arith.constant 0 : i32
    %dma_wait3A_246 = arith.constant 0 : i32
    %dma_wait3A_247 = tpu.memref_slice %arg13[%dma_wait3A_245, %dma_wait3A_246] : memref<10240x64xf32, #tpu.memory_space<vmem_shared>> -> memref<10240x64xf32, #tpu.memory_space<vmem_shared>>
    %dma_wait3A_248 = tpu.memref_slice %arg15[%dma_wait3A_241] : memref<3x!tpu.dma_semaphore, #tpu.memory_space<semaphore_mem>> -> memref<1x!tpu.dma_semaphore, #tpu.memory_space<semaphore_mem>>
    %dma_wait3A_249 = tpu.memref_squeeze %dma_wait3A_248 : memref<1x!tpu.dma_semaphore, #tpu.memory_space<semaphore_mem>> -> memref<!tpu.dma_semaphore, #tpu.memory_space<semaphore_mem>>
    tpu.wait_indirect_dma semaphore(%dma_wait3A_249 : memref<!tpu.dma_semaphore, #tpu.memory_space<semaphore_mem>>) src(%arg11 : memref<128x64xf32, #tpu.memory_space<vmem>>) dst(%dma_wait3A_247 : memref<10240x64xf32, #tpu.memory_space<vmem_shared>>)
    %barrier3A_250 = arith.constant 0 : index
    tpu.barrier barrier_id(%barrier3A_250)
    "tpu.region"() ({
      %run_scoped3A = tpu.sem_alloc : memref<!tpu.dma_semaphore, #tpu.memory_space<semaphore_mem>>
      %dma_start3A_251 = arith.constant 0 : i32
      %dma_start3A_252 = tpu.memref_slice %arg6[%arg0, %mul3A_0, %dma_start3A_251] : memref<2x10240x64xf32, #tpu.memory_space<hbm>> -> memref<1x640x64xf32, #tpu.memory_space<hbm>>
      %dma_start3A_253 = tpu.memref_squeeze %dma_start3A_252 : memref<1x640x64xf32, #tpu.memory_space<hbm>> -> memref<640x64xf32, #tpu.memory_space<hbm>>
      %dma_start3A_254 = arith.constant 0 : i32
      %dma_start3A_255 = tpu.memref_slice %arg13[%mul3A_0, %dma_start3A_254] : memref<10240x64xf32, #tpu.memory_space<vmem_shared>> -> memref<640x64xf32, #tpu.memory_space<vmem_shared>>
      tpu.enqueue_dma source(%dma_start3A_255 : memref<640x64xf32, #tpu.memory_space<vmem_shared>>) target(%dma_start3A_253 : memref<640x64xf32, #tpu.memory_space<hbm>>) target_semaphore(%run_scoped3A : memref<!tpu.dma_semaphore, #tpu.memory_space<semaphore_mem>>)
      %dma_wait3A_256 = arith.constant 0 : i32
      %dma_wait3A_257 = tpu.memref_slice %arg6[%arg0, %mul3A_0, %dma_wait3A_256] : memref<2x10240x64xf32, #tpu.memory_space<hbm>> -> memref<1x640x64xf32, #tpu.memory_space<hbm>>
      %dma_wait3A_258 = tpu.memref_squeeze %dma_wait3A_257 : memref<1x640x64xf32, #tpu.memory_space<hbm>> -> memref<640x64xf32, #tpu.memory_space<hbm>>
      %dma_wait3A_259 = arith.constant 0 : i32
      %dma_wait3A_260 = tpu.memref_slice %arg13[%mul3A_0, %dma_wait3A_259] : memref<10240x64xf32, #tpu.memory_space<vmem_shared>> -> memref<640x64xf32, #tpu.memory_space<vmem_shared>>
      tpu.wait_dma2 semaphore(%run_scoped3A : memref<!tpu.dma_semaphore, #tpu.memory_space<semaphore_mem>>) src(%dma_wait3A_260 : memref<640x64xf32, #tpu.memory_space<vmem_shared>>) dst(%dma_wait3A_258 : memref<640x64xf32, #tpu.memory_space<hbm>>)
      tpu.yield
    }) : () -> ()
    return
  }
}

#map = affine_map<(d0, d1) -> (0, 0, 0)>
#map1 = affine_map<(d0, d1) -> (0, 0)>
module attributes {stable_mosaic.version = 14 : i64} {
  func.func @_sc_spmm(%arg0: i32, %arg1: i32, %arg2: memref<16x159x128xi32, #tpu.memory_space<hbm>>, %arg3: memref<16x159x128xi32, #tpu.memory_space<hbm>>, %arg4: memref<2x10240x64xf32, #tpu.memory_space<hbm>>, %arg5: memref<640x64xf32, #tpu.memory_space<hbm>>, %arg6: memref<2x10240x64xf32, #tpu.memory_space<hbm>>, %arg7: memref<81x128xi32, #tpu.memory_space<vmem>>, %arg8: memref<81x128xi32, #tpu.memory_space<vmem>>, %arg9: memref<128x64xf32, #tpu.memory_space<vmem>>, %arg10: memref<128x64xf32, #tpu.memory_space<vmem>>, %arg11: memref<128x64xf32, #tpu.memory_space<vmem>>, %arg12: memref<10240x64xf32, #tpu.memory_space<vmem_shared>>, %arg13: memref<10240x64xf32, #tpu.memory_space<vmem_shared>>, %arg14: memref<3x!tpu.dma_semaphore, #tpu.memory_space<semaphore_mem>>, %arg15: memref<3x!tpu.dma_semaphore, #tpu.memory_space<semaphore_mem>>) attributes {dimension_semantics = [#tpu.dimension_semantics<core_parallel>, #tpu.dimension_semantics<subcore_parallel>], iteration_bounds = array<i64: 2, 16>, scalar_prefetch = 0 : i64, scratch_operands = 9 : i64, tpu.core_type = #tpu.core_type<sc_vector_subcore>, window_params = [{transform_indices = #map}, {transform_indices = #map}, {transform_indices = #map}, {transform_indices = #map1}, {transform_indices = #map}]} {
    %mul3A = arith.constant 640 : i32
    %mul3A_0 = arith.muli %arg1, %mul3A : i32
    "tpu.region"() ({
      %run_scoped3A = tpu.sem_alloc : memref<!tpu.dma_semaphore, #tpu.memory_space<semaphore_mem>>
      %dma_start3A_251 = arith.constant 0 : i32
      %dma_start3A_252 = tpu.memref_slice %arg12[%mul3A_0, %dma_start3A_251] : memref<10240x64xf32, #tpu.memory_space<vmem_shared>> -> memref<640x64xf32, #tpu.memory_space<vmem_shared>>
      %dma_start3A_253 = arith.constant 0 : i32
      %dma_start3A_254 = tpu.memref_slice %arg4[%arg0, %mul3A_0, %dma_start3A_253] : memref<2x10240x64xf32, #tpu.memory_space<hbm>> -> memref<1x640x64xf32, #tpu.memory_space<hbm>>
      %dma_start3A_255 = tpu.memref_squeeze %dma_start3A_254 : memref<1x640x64xf32, #tpu.memory_space<hbm>> -> memref<640x64xf32, #tpu.memory_space<hbm>>
      tpu.enqueue_dma source(%dma_start3A_255 : memref<640x64xf32, #tpu.memory_space<hbm>>) target(%dma_start3A_252 : memref<640x64xf32, #tpu.memory_space<vmem_shared>>) target_semaphore(%run_scoped3A : memref<!tpu.dma_semaphore, #tpu.memory_space<semaphore_mem>>)
      %dma_wait3A_256 = arith.constant 0 : i32
      %dma_wait3A_257 = tpu.memref_slice %arg12[%mul3A_0, %dma_wait3A_256] : memref<10240x64xf32, #tpu.memory_space<vmem_shared>> -> memref<640x64xf32, #tpu.memory_space<vmem_shared>>
      %dma_wait3A_258 = arith.constant 0 : i32
      %dma_wait3A_259 = tpu.memref_slice %arg4[%arg0, %mul3A_0, %dma_wait3A_258] : memref<2x10240x64xf32, #tpu.memory_space<hbm>> -> memref<1x640x64xf32, #tpu.memory_space<hbm>>
      %dma_wait3A_260 = tpu.memref_squeeze %dma_wait3A_259 : memref<1x640x64xf32, #tpu.memory_space<hbm>> -> memref<640x64xf32, #tpu.memory_space<hbm>>
      tpu.wait_dma2 semaphore(%run_scoped3A : memref<!tpu.dma_semaphore, #tpu.memory_space<semaphore_mem>>) src(%dma_wait3A_260 : memref<640x64xf32, #tpu.memory_space<hbm>>) dst(%dma_wait3A_257 : memref<640x64xf32, #tpu.memory_space<vmem_shared>>)
      tpu.yield
    }) : () -> ()
    "tpu.region"() ({
      %run_scoped3A = tpu.sem_alloc : memref<!tpu.dma_semaphore, #tpu.memory_space<semaphore_mem>>
      %dma_start3A_251 = arith.constant 0 : i32
      %dma_start3A_252 = tpu.memref_slice %arg13[%mul3A_0, %dma_start3A_251] : memref<10240x64xf32, #tpu.memory_space<vmem_shared>> -> memref<640x64xf32, #tpu.memory_space<vmem_shared>>
      tpu.enqueue_dma source(%arg5 : memref<640x64xf32, #tpu.memory_space<hbm>>) target(%dma_start3A_252 : memref<640x64xf32, #tpu.memory_space<vmem_shared>>) target_semaphore(%run_scoped3A : memref<!tpu.dma_semaphore, #tpu.memory_space<semaphore_mem>>)
      %dma_wait3A_253 = arith.constant 0 : i32
      %dma_wait3A_254 = tpu.memref_slice %arg13[%mul3A_0, %dma_wait3A_253] : memref<10240x64xf32, #tpu.memory_space<vmem_shared>> -> memref<640x64xf32, #tpu.memory_space<vmem_shared>>
      tpu.wait_dma2 semaphore(%run_scoped3A : memref<!tpu.dma_semaphore, #tpu.memory_space<semaphore_mem>>) src(%arg5 : memref<640x64xf32, #tpu.memory_space<hbm>>) dst(%dma_wait3A_254 : memref<640x64xf32, #tpu.memory_space<vmem_shared>>)
      tpu.yield
    }) : () -> ()
    %barrier3A = arith.constant 0 : index
    tpu.barrier barrier_id(%barrier3A)
    "tpu.region"() ({
      %run_scoped3A = tpu.sem_alloc : memref<!tpu.dma_semaphore, #tpu.memory_space<semaphore_mem>>
      %dma_start3A_251 = arith.constant 0 : i32
      %dma_start3A_252 = arith.constant 0 : i32
      %dma_start3A_253 = tpu.memref_slice %arg7[%dma_start3A_251, %dma_start3A_252] : memref<81x128xi32, #tpu.memory_space<vmem>> -> memref<81x128xi32, #tpu.memory_space<vmem>>
      %dma_start3A_254 = arith.constant 0 : i32
      %dma_start3A_255 = arith.constant 0 : i32
      %dma_start3A_256 = tpu.memref_slice %arg2[%arg1, %dma_start3A_254, %dma_start3A_255] : memref<16x159x128xi32, #tpu.memory_space<hbm>> -> memref<1x81x128xi32, #tpu.memory_space<hbm>>
      %dma_start3A_257 = tpu.memref_squeeze %dma_start3A_256 : memref<1x81x128xi32, #tpu.memory_space<hbm>> -> memref<81x128xi32, #tpu.memory_space<hbm>>
      %dma_start3A_258 = arith.constant 0 : i32
      %dma_start3A_259 = arith.constant 0 : i32
      %dma_start3A_260 = tpu.memref_slice %arg7[%dma_start3A_258, %dma_start3A_259] : memref<81x128xi32, #tpu.memory_space<vmem>> -> memref<81x128xi32, #tpu.memory_space<vmem>>
      %dma_start3A_261 = arith.constant 0 : i32
      %dma_start3A_262 = arith.constant 0 : i32
      %dma_start3A_263 = tpu.memref_slice %arg2[%arg1, %dma_start3A_261, %dma_start3A_262] : memref<16x159x128xi32, #tpu.memory_space<hbm>> -> memref<1x81x128xi32, #tpu.memory_space<hbm>>
      %dma_start3A_264 = tpu.memref_squeeze %dma_start3A_263 : memref<1x81x128xi32, #tpu.memory_space<hbm>> -> memref<81x128xi32, #tpu.memory_space<hbm>>
      tpu.enqueue_dma source(%dma_start3A_264 : memref<81x128xi32, #tpu.memory_space<hbm>>) target(%dma_start3A_260 : memref<81x128xi32, #tpu.memory_space<vmem>>) target_semaphore(%run_scoped3A : memref<!tpu.dma_semaphore, #tpu.memory_space<semaphore_mem>>)
      %dma_wait3A_265 = arith.constant 0 : i32
      %dma_wait3A_266 = arith.constant 0 : i32
      %dma_wait3A_267 = tpu.memref_slice %arg7[%dma_wait3A_265, %dma_wait3A_266] : memref<81x128xi32, #tpu.memory_space<vmem>> -> memref<81x128xi32, #tpu.memory_space<vmem>>
      %dma_wait3A_268 = arith.constant 0 : i32
      %dma_wait3A_269 = arith.constant 0 : i32
      %dma_wait3A_270 = tpu.memref_slice %arg2[%arg1, %dma_wait3A_268, %dma_wait3A_269] : memref<16x159x128xi32, #tpu.memory_space<hbm>> -> memref<1x81x128xi32, #tpu.memory_space<hbm>>
      %dma_wait3A_271 = tpu.memref_squeeze %dma_wait3A_270 : memref<1x81x128xi32, #tpu.memory_space<hbm>> -> memref<81x128xi32, #tpu.memory_space<hbm>>
      %dma_wait3A_272 = arith.constant 0 : i32
      %dma_wait3A_273 = arith.constant 0 : i32
      %dma_wait3A_274 = tpu.memref_slice %arg7[%dma_wait3A_272, %dma_wait3A_273] : memref<81x128xi32, #tpu.memory_space<vmem>> -> memref<81x128xi32, #tpu.memory_space<vmem>>
      %dma_wait3A_275 = arith.constant 0 : i32
      %dma_wait3A_276 = arith.constant 0 : i32
      %dma_wait3A_277 = tpu.memref_slice %arg2[%arg1, %dma_wait3A_275, %dma_wait3A_276] : memref<16x159x128xi32, #tpu.memory_space<hbm>> -> memref<1x81x128xi32, #tpu.memory_space<hbm>>
      %dma_wait3A_278 = tpu.memref_squeeze %dma_wait3A_277 : memref<1x81x128xi32, #tpu.memory_space<hbm>> -> memref<81x128xi32, #tpu.memory_space<hbm>>
      tpu.wait_dma2 semaphore(%run_scoped3A : memref<!tpu.dma_semaphore, #tpu.memory_space<semaphore_mem>>) src(%dma_wait3A_278 : memref<81x128xi32, #tpu.memory_space<hbm>>) dst(%dma_wait3A_274 : memref<81x128xi32, #tpu.memory_space<vmem>>)
      tpu.yield
    }) : () -> ()
    "tpu.region"() ({
      %run_scoped3A = tpu.sem_alloc : memref<!tpu.dma_semaphore, #tpu.memory_space<semaphore_mem>>
      %dma_start3A_251 = arith.constant 0 : i32
      %dma_start3A_252 = arith.constant 0 : i32
      %dma_start3A_253 = tpu.memref_slice %arg8[%dma_start3A_251, %dma_start3A_252] : memref<81x128xi32, #tpu.memory_space<vmem>> -> memref<81x128xi32, #tpu.memory_space<vmem>>
      %dma_start3A_254 = arith.constant 0 : i32
      %dma_start3A_255 = arith.constant 0 : i32
      %dma_start3A_256 = tpu.memref_slice %arg3[%arg1, %dma_start3A_254, %dma_start3A_255] : memref<16x159x128xi32, #tpu.memory_space<hbm>> -> memref<1x81x128xi32, #tpu.memory_space<hbm>>
      %dma_start3A_257 = tpu.memref_squeeze %dma_start3A_256 : memref<1x81x128xi32, #tpu.memory_space<hbm>> -> memref<81x128xi32, #tpu.memory_space<hbm>>
      %dma_start3A_258 = arith.constant 0 : i32
      %dma_start3A_259 = arith.constant 0 : i32
      %dma_start3A_260 = tpu.memref_slice %arg8[%dma_start3A_258, %dma_start3A_259] : memref<81x128xi32, #tpu.memory_space<vmem>> -> memref<81x128xi32, #tpu.memory_space<vmem>>
      %dma_start3A_261 = arith.constant 0 : i32
      %dma_start3A_262 = arith.constant 0 : i32
      %dma_start3A_263 = tpu.memref_slice %arg3[%arg1, %dma_start3A_261, %dma_start3A_262] : memref<16x159x128xi32, #tpu.memory_space<hbm>> -> memref<1x81x128xi32, #tpu.memory_space<hbm>>
      %dma_start3A_264 = tpu.memref_squeeze %dma_start3A_263 : memref<1x81x128xi32, #tpu.memory_space<hbm>> -> memref<81x128xi32, #tpu.memory_space<hbm>>
      tpu.enqueue_dma source(%dma_start3A_264 : memref<81x128xi32, #tpu.memory_space<hbm>>) target(%dma_start3A_260 : memref<81x128xi32, #tpu.memory_space<vmem>>) target_semaphore(%run_scoped3A : memref<!tpu.dma_semaphore, #tpu.memory_space<semaphore_mem>>)
      %dma_wait3A_265 = arith.constant 0 : i32
      %dma_wait3A_266 = arith.constant 0 : i32
      %dma_wait3A_267 = tpu.memref_slice %arg8[%dma_wait3A_265, %dma_wait3A_266] : memref<81x128xi32, #tpu.memory_space<vmem>> -> memref<81x128xi32, #tpu.memory_space<vmem>>
      %dma_wait3A_268 = arith.constant 0 : i32
      %dma_wait3A_269 = arith.constant 0 : i32
      %dma_wait3A_270 = tpu.memref_slice %arg3[%arg1, %dma_wait3A_268, %dma_wait3A_269] : memref<16x159x128xi32, #tpu.memory_space<hbm>> -> memref<1x81x128xi32, #tpu.memory_space<hbm>>
      %dma_wait3A_271 = tpu.memref_squeeze %dma_wait3A_270 : memref<1x81x128xi32, #tpu.memory_space<hbm>> -> memref<81x128xi32, #tpu.memory_space<hbm>>
      %dma_wait3A_272 = arith.constant 0 : i32
      %dma_wait3A_273 = arith.constant 0 : i32
      %dma_wait3A_274 = tpu.memref_slice %arg8[%dma_wait3A_272, %dma_wait3A_273] : memref<81x128xi32, #tpu.memory_space<vmem>> -> memref<81x128xi32, #tpu.memory_space<vmem>>
      %dma_wait3A_275 = arith.constant 0 : i32
      %dma_wait3A_276 = arith.constant 0 : i32
      %dma_wait3A_277 = tpu.memref_slice %arg3[%arg1, %dma_wait3A_275, %dma_wait3A_276] : memref<16x159x128xi32, #tpu.memory_space<hbm>> -> memref<1x81x128xi32, #tpu.memory_space<hbm>>
      %dma_wait3A_278 = tpu.memref_squeeze %dma_wait3A_277 : memref<1x81x128xi32, #tpu.memory_space<hbm>> -> memref<81x128xi32, #tpu.memory_space<hbm>>
      tpu.wait_dma2 semaphore(%run_scoped3A : memref<!tpu.dma_semaphore, #tpu.memory_space<semaphore_mem>>) src(%dma_wait3A_278 : memref<81x128xi32, #tpu.memory_space<hbm>>) dst(%dma_wait3A_274 : memref<81x128xi32, #tpu.memory_space<vmem>>)
      tpu.yield
    }) : () -> ()
    %dma_start3A = arith.constant 0 : i32
    %dma_start3A_1 = arith.constant 0 : i32
    %dma_start3A_2 = arith.constant 0 : i32
    %dma_start3A_3 = tpu.memref_slice %arg7[%dma_start3A, %dma_start3A_2] : memref<81x128xi32, #tpu.memory_space<vmem>> -> memref<1x128xi32, #tpu.memory_space<vmem>>
    %dma_start3A_4 = tpu.memref_squeeze %dma_start3A_3 : memref<1x128xi32, #tpu.memory_space<vmem>> -> memref<128xi32, #tpu.memory_space<vmem>>
    %dma_start3A_5 = arith.constant 0 : i32
    %dma_start3A_6 = arith.constant 0 : i32
    %dma_start3A_7 = tpu.memref_slice %arg12[%dma_start3A_5, %dma_start3A_6] : memref<10240x64xf32, #tpu.memory_space<vmem_shared>> -> memref<10240x64xf32, #tpu.memory_space<vmem_shared>>
    %dma_start3A_8 = tpu.memref_slice %arg14[%dma_start3A_1] : memref<3x!tpu.dma_semaphore, #tpu.memory_space<semaphore_mem>> -> memref<1x!tpu.dma_semaphore, #tpu.memory_space<semaphore_mem>>
    %dma_start3A_9 = tpu.memref_squeeze %dma_start3A_8 : memref<1x!tpu.dma_semaphore, #tpu.memory_space<semaphore_mem>> -> memref<!tpu.dma_semaphore, #tpu.memory_space<semaphore_mem>>
    tpu.enqueue_indirect_dma source(%dma_start3A_7 : memref<10240x64xf32, #tpu.memory_space<vmem_shared>>) target(%arg9 : memref<128x64xf32, #tpu.memory_space<vmem>>) offsets(%dma_start3A_4 : memref<128xi32, #tpu.memory_space<vmem>>) semaphore(%dma_start3A_9 : memref<!tpu.dma_semaphore, #tpu.memory_space<semaphore_mem>>)
    %dma_start3A_10 = arith.constant 1 : i32
    %dma_start3A_11 = arith.constant 1 : i32
    %dma_start3A_12 = arith.constant 0 : i32
    %dma_start3A_13 = tpu.memref_slice %arg7[%dma_start3A_10, %dma_start3A_12] : memref<81x128xi32, #tpu.memory_space<vmem>> -> memref<1x128xi32, #tpu.memory_space<vmem>>
    %dma_start3A_14 = tpu.memref_squeeze %dma_start3A_13 : memref<1x128xi32, #tpu.memory_space<vmem>> -> memref<128xi32, #tpu.memory_space<vmem>>
    %dma_start3A_15 = arith.constant 0 : i32
    %dma_start3A_16 = arith.constant 0 : i32
    %dma_start3A_17 = tpu.memref_slice %arg12[%dma_start3A_15, %dma_start3A_16] : memref<10240x64xf32, #tpu.memory_space<vmem_shared>> -> memref<10240x64xf32, #tpu.memory_space<vmem_shared>>
    %dma_start3A_18 = tpu.memref_slice %arg14[%dma_start3A_11] : memref<3x!tpu.dma_semaphore, #tpu.memory_space<semaphore_mem>> -> memref<1x!tpu.dma_semaphore, #tpu.memory_space<semaphore_mem>>
    %dma_start3A_19 = tpu.memref_squeeze %dma_start3A_18 : memref<1x!tpu.dma_semaphore, #tpu.memory_space<semaphore_mem>> -> memref<!tpu.dma_semaphore, #tpu.memory_space<semaphore_mem>>
    tpu.enqueue_indirect_dma source(%dma_start3A_17 : memref<10240x64xf32, #tpu.memory_space<vmem_shared>>) target(%arg10 : memref<128x64xf32, #tpu.memory_space<vmem>>) offsets(%dma_start3A_14 : memref<128xi32, #tpu.memory_space<vmem>>) semaphore(%dma_start3A_19 : memref<!tpu.dma_semaphore, #tpu.memory_space<semaphore_mem>>)
    %dma_wait3A = arith.constant 0 : i32
    %dma_wait3A_20 = arith.constant 0 : i32
    %dma_wait3A_21 = arith.constant 0 : i32
    %dma_wait3A_22 = tpu.memref_slice %arg7[%dma_wait3A, %dma_wait3A_21] : memref<81x128xi32, #tpu.memory_space<vmem>> -> memref<1x128xi32, #tpu.memory_space<vmem>>
    %dma_wait3A_23 = tpu.memref_squeeze %dma_wait3A_22 : memref<1x128xi32, #tpu.memory_space<vmem>> -> memref<128xi32, #tpu.memory_space<vmem>>
    %dma_wait3A_24 = arith.constant 0 : i32
    %dma_wait3A_25 = arith.constant 0 : i32
    %dma_wait3A_26 = tpu.memref_slice %arg12[%dma_wait3A_24, %dma_wait3A_25] : memref<10240x64xf32, #tpu.memory_space<vmem_shared>> -> memref<10240x64xf32, #tpu.memory_space<vmem_shared>>
    %dma_wait3A_27 = tpu.memref_slice %arg14[%dma_wait3A_20] : memref<3x!tpu.dma_semaphore, #tpu.memory_space<semaphore_mem>> -> memref<1x!tpu.dma_semaphore, #tpu.memory_space<semaphore_mem>>
    %dma_wait3A_28 = tpu.memref_squeeze %dma_wait3A_27 : memref<1x!tpu.dma_semaphore, #tpu.memory_space<semaphore_mem>> -> memref<!tpu.dma_semaphore, #tpu.memory_space<semaphore_mem>>
    tpu.wait_indirect_dma semaphore(%dma_wait3A_28 : memref<!tpu.dma_semaphore, #tpu.memory_space<semaphore_mem>>) src(%dma_wait3A_26 : memref<10240x64xf32, #tpu.memory_space<vmem_shared>>) dst(%arg9 : memref<128x64xf32, #tpu.memory_space<vmem>>)
    %dma_start3A_29 = arith.constant 0 : i32
    %dma_start3A_30 = arith.constant 0 : i32
    %dma_start3A_31 = arith.constant 0 : i32
    %dma_start3A_32 = tpu.memref_slice %arg8[%dma_start3A_29, %dma_start3A_31] : memref<81x128xi32, #tpu.memory_space<vmem>> -> memref<1x128xi32, #tpu.memory_space<vmem>>
    %dma_start3A_33 = tpu.memref_squeeze %dma_start3A_32 : memref<1x128xi32, #tpu.memory_space<vmem>> -> memref<128xi32, #tpu.memory_space<vmem>>
    %dma_start3A_34 = arith.constant 0 : i32
    %dma_start3A_35 = arith.constant 0 : i32
    %dma_start3A_36 = tpu.memref_slice %arg13[%dma_start3A_34, %dma_start3A_35] : memref<10240x64xf32, #tpu.memory_space<vmem_shared>> -> memref<10240x64xf32, #tpu.memory_space<vmem_shared>>
    %dma_start3A_37 = tpu.memref_slice %arg15[%dma_start3A_30] : memref<3x!tpu.dma_semaphore, #tpu.memory_space<semaphore_mem>> -> memref<1x!tpu.dma_semaphore, #tpu.memory_space<semaphore_mem>>
    %dma_start3A_38 = tpu.memref_squeeze %dma_start3A_37 : memref<1x!tpu.dma_semaphore, #tpu.memory_space<semaphore_mem>> -> memref<!tpu.dma_semaphore, #tpu.memory_space<semaphore_mem>>
    tpu.enqueue_indirect_dma source(%arg9 : memref<128x64xf32, #tpu.memory_space<vmem>>) target(%dma_start3A_36 : memref<10240x64xf32, #tpu.memory_space<vmem_shared>>) offsets(%dma_start3A_33 : memref<128xi32, #tpu.memory_space<vmem>>) semaphore(%dma_start3A_38 : memref<!tpu.dma_semaphore, #tpu.memory_space<semaphore_mem>>) {add = true}
    %dma_start3A_39 = arith.constant 2 : i32
    %dma_start3A_40 = arith.constant 2 : i32
    %dma_start3A_41 = arith.constant 0 : i32
    %dma_start3A_42 = tpu.memref_slice %arg7[%dma_start3A_39, %dma_start3A_41] : memref<81x128xi32, #tpu.memory_space<vmem>> -> memref<1x128xi32, #tpu.memory_space<vmem>>
    %dma_start3A_43 = tpu.memref_squeeze %dma_start3A_42 : memref<1x128xi32, #tpu.memory_space<vmem>> -> memref<128xi32, #tpu.memory_space<vmem>>
    %dma_start3A_44 = arith.constant 0 : i32
    %dma_start3A_45 = arith.constant 0 : i32
    %dma_start3A_46 = tpu.memref_slice %arg12[%dma_start3A_44, %dma_start3A_45] : memref<10240x64xf32, #tpu.memory_space<vmem_shared>> -> memref<10240x64xf32, #tpu.memory_space<vmem_shared>>
    %dma_start3A_47 = tpu.memref_slice %arg14[%dma_start3A_40] : memref<3x!tpu.dma_semaphore, #tpu.memory_space<semaphore_mem>> -> memref<1x!tpu.dma_semaphore, #tpu.memory_space<semaphore_mem>>
    %dma_start3A_48 = tpu.memref_squeeze %dma_start3A_47 : memref<1x!tpu.dma_semaphore, #tpu.memory_space<semaphore_mem>> -> memref<!tpu.dma_semaphore, #tpu.memory_space<semaphore_mem>>
    tpu.enqueue_indirect_dma source(%dma_start3A_46 : memref<10240x64xf32, #tpu.memory_space<vmem_shared>>) target(%arg11 : memref<128x64xf32, #tpu.memory_space<vmem>>) offsets(%dma_start3A_43 : memref<128xi32, #tpu.memory_space<vmem>>) semaphore(%dma_start3A_48 : memref<!tpu.dma_semaphore, #tpu.memory_space<semaphore_mem>>)
    %dma_wait3A_49 = arith.constant 1 : i32
    %dma_wait3A_50 = arith.constant 1 : i32
    %dma_wait3A_51 = arith.constant 0 : i32
    %dma_wait3A_52 = tpu.memref_slice %arg7[%dma_wait3A_49, %dma_wait3A_51] : memref<81x128xi32, #tpu.memory_space<vmem>> -> memref<1x128xi32, #tpu.memory_space<vmem>>
    %dma_wait3A_53 = tpu.memref_squeeze %dma_wait3A_52 : memref<1x128xi32, #tpu.memory_space<vmem>> -> memref<128xi32, #tpu.memory_space<vmem>>
    %dma_wait3A_54 = arith.constant 0 : i32
    %dma_wait3A_55 = arith.constant 0 : i32
    %dma_wait3A_56 = tpu.memref_slice %arg12[%dma_wait3A_54, %dma_wait3A_55] : memref<10240x64xf32, #tpu.memory_space<vmem_shared>> -> memref<10240x64xf32, #tpu.memory_space<vmem_shared>>
    %dma_wait3A_57 = tpu.memref_slice %arg14[%dma_wait3A_50] : memref<3x!tpu.dma_semaphore, #tpu.memory_space<semaphore_mem>> -> memref<1x!tpu.dma_semaphore, #tpu.memory_space<semaphore_mem>>
    %dma_wait3A_58 = tpu.memref_squeeze %dma_wait3A_57 : memref<1x!tpu.dma_semaphore, #tpu.memory_space<semaphore_mem>> -> memref<!tpu.dma_semaphore, #tpu.memory_space<semaphore_mem>>
    tpu.wait_indirect_dma semaphore(%dma_wait3A_58 : memref<!tpu.dma_semaphore, #tpu.memory_space<semaphore_mem>>) src(%dma_wait3A_56 : memref<10240x64xf32, #tpu.memory_space<vmem_shared>>) dst(%arg10 : memref<128x64xf32, #tpu.memory_space<vmem>>)
    %dma_start3A_59 = arith.constant 1 : i32
    %dma_start3A_60 = arith.constant 1 : i32
    %dma_start3A_61 = arith.constant 0 : i32
    %dma_start3A_62 = tpu.memref_slice %arg8[%dma_start3A_59, %dma_start3A_61] : memref<81x128xi32, #tpu.memory_space<vmem>> -> memref<1x128xi32, #tpu.memory_space<vmem>>
    %dma_start3A_63 = tpu.memref_squeeze %dma_start3A_62 : memref<1x128xi32, #tpu.memory_space<vmem>> -> memref<128xi32, #tpu.memory_space<vmem>>
    %dma_start3A_64 = arith.constant 0 : i32
    %dma_start3A_65 = arith.constant 0 : i32
    %dma_start3A_66 = tpu.memref_slice %arg13[%dma_start3A_64, %dma_start3A_65] : memref<10240x64xf32, #tpu.memory_space<vmem_shared>> -> memref<10240x64xf32, #tpu.memory_space<vmem_shared>>
    %dma_start3A_67 = tpu.memref_slice %arg15[%dma_start3A_60] : memref<3x!tpu.dma_semaphore, #tpu.memory_space<semaphore_mem>> -> memref<1x!tpu.dma_semaphore, #tpu.memory_space<semaphore_mem>>
    %dma_start3A_68 = tpu.memref_squeeze %dma_start3A_67 : memref<1x!tpu.dma_semaphore, #tpu.memory_space<semaphore_mem>> -> memref<!tpu.dma_semaphore, #tpu.memory_space<semaphore_mem>>
    tpu.enqueue_indirect_dma source(%arg10 : memref<128x64xf32, #tpu.memory_space<vmem>>) target(%dma_start3A_66 : memref<10240x64xf32, #tpu.memory_space<vmem_shared>>) offsets(%dma_start3A_63 : memref<128xi32, #tpu.memory_space<vmem>>) semaphore(%dma_start3A_68 : memref<!tpu.dma_semaphore, #tpu.memory_space<semaphore_mem>>) {add = true}
    %scan3A = arith.constant 0 : i32
    %scan3A_69 = arith.constant 0 : i32
    %scan3A_70 = arith.constant 26 : i32
    %scan3A_71 = arith.addi %scan3A_69, %scan3A_70 : i32
    %scan3A_72 = arith.constant 1 : i32
    scf.for %scan3A_251 = %scan3A_69 to %scan3A_71 step %scan3A_72  : i32 {
      %mul3A_252 = arith.constant 3 : i32
      %mul3A_253 = arith.muli %mul3A_252, %scan3A_251 : i32
      %add3A = arith.constant 2 : i32
      %add3A_254 = arith.addi %mul3A_253, %add3A : i32
      %add3A_255 = arith.constant 0 : i32
      %add3A_256 = arith.addi %add3A_254, %add3A_255 : i32
      %sub3A = arith.constant 2 : i32
      %sub3A_257 = arith.subi %add3A_256, %sub3A : i32
      %dma_wait3A_258 = arith.constant 0 : i32
      %dma_wait3A_259 = arith.constant 0 : i32
      %dma_wait3A_260 = tpu.memref_slice %arg8[%sub3A_257, %dma_wait3A_259] : memref<81x128xi32, #tpu.memory_space<vmem>> -> memref<1x128xi32, #tpu.memory_space<vmem>>
      %dma_wait3A_261 = tpu.memref_squeeze %dma_wait3A_260 : memref<1x128xi32, #tpu.memory_space<vmem>> -> memref<128xi32, #tpu.memory_space<vmem>>
      %dma_wait3A_262 = arith.constant 0 : i32
      %dma_wait3A_263 = arith.constant 0 : i32
      %dma_wait3A_264 = tpu.memref_slice %arg13[%dma_wait3A_262, %dma_wait3A_263] : memref<10240x64xf32, #tpu.memory_space<vmem_shared>> -> memref<10240x64xf32, #tpu.memory_space<vmem_shared>>
      %dma_wait3A_265 = tpu.memref_slice %arg15[%dma_wait3A_258] : memref<3x!tpu.dma_semaphore, #tpu.memory_space<semaphore_mem>> -> memref<1x!tpu.dma_semaphore, #tpu.memory_space<semaphore_mem>>
      %dma_wait3A_266 = tpu.memref_squeeze %dma_wait3A_265 : memref<1x!tpu.dma_semaphore, #tpu.memory_space<semaphore_mem>> -> memref<!tpu.dma_semaphore, #tpu.memory_space<semaphore_mem>>
      tpu.wait_indirect_dma semaphore(%dma_wait3A_266 : memref<!tpu.dma_semaphore, #tpu.memory_space<semaphore_mem>>) src(%arg9 : memref<128x64xf32, #tpu.memory_space<vmem>>) dst(%dma_wait3A_264 : memref<10240x64xf32, #tpu.memory_space<vmem_shared>>)
      %add3A_267 = arith.constant 1 : i32
      %add3A_268 = arith.addi %add3A_256, %add3A_267 : i32
      %dma_start3A_269 = arith.constant 0 : i32
      %dma_start3A_270 = arith.constant 0 : i32
      %dma_start3A_271 = tpu.memref_slice %arg7[%add3A_268, %dma_start3A_270] : memref<81x128xi32, #tpu.memory_space<vmem>> -> memref<1x128xi32, #tpu.memory_space<vmem>>
      %dma_start3A_272 = tpu.memref_squeeze %dma_start3A_271 : memref<1x128xi32, #tpu.memory_space<vmem>> -> memref<128xi32, #tpu.memory_space<vmem>>
      %dma_start3A_273 = arith.constant 0 : i32
      %dma_start3A_274 = arith.constant 0 : i32
      %dma_start3A_275 = tpu.memref_slice %arg12[%dma_start3A_273, %dma_start3A_274] : memref<10240x64xf32, #tpu.memory_space<vmem_shared>> -> memref<10240x64xf32, #tpu.memory_space<vmem_shared>>
      %dma_start3A_276 = tpu.memref_slice %arg14[%dma_start3A_269] : memref<3x!tpu.dma_semaphore, #tpu.memory_space<semaphore_mem>> -> memref<1x!tpu.dma_semaphore, #tpu.memory_space<semaphore_mem>>
      %dma_start3A_277 = tpu.memref_squeeze %dma_start3A_276 : memref<1x!tpu.dma_semaphore, #tpu.memory_space<semaphore_mem>> -> memref<!tpu.dma_semaphore, #tpu.memory_space<semaphore_mem>>
      tpu.enqueue_indirect_dma source(%dma_start3A_275 : memref<10240x64xf32, #tpu.memory_space<vmem_shared>>) target(%arg9 : memref<128x64xf32, #tpu.memory_space<vmem>>) offsets(%dma_start3A_272 : memref<128xi32, #tpu.memory_space<vmem>>) semaphore(%dma_start3A_277 : memref<!tpu.dma_semaphore, #tpu.memory_space<semaphore_mem>>)
      %dma_wait3A_278 = arith.constant 2 : i32
      %dma_wait3A_279 = arith.constant 0 : i32
      %dma_wait3A_280 = tpu.memref_slice %arg7[%add3A_256, %dma_wait3A_279] : memref<81x128xi32, #tpu.memory_space<vmem>> -> memref<1x128xi32, #tpu.memory_space<vmem>>
      %dma_wait3A_281 = tpu.memref_squeeze %dma_wait3A_280 : memref<1x128xi32, #tpu.memory_space<vmem>> -> memref<128xi32, #tpu.memory_space<vmem>>
      %dma_wait3A_282 = arith.constant 0 : i32
      %dma_wait3A_283 = arith.constant 0 : i32
      %dma_wait3A_284 = tpu.memref_slice %arg12[%dma_wait3A_282, %dma_wait3A_283] : memref<10240x64xf32, #tpu.memory_space<vmem_shared>> -> memref<10240x64xf32, #tpu.memory_space<vmem_shared>>
      %dma_wait3A_285 = tpu.memref_slice %arg14[%dma_wait3A_278] : memref<3x!tpu.dma_semaphore, #tpu.memory_space<semaphore_mem>> -> memref<1x!tpu.dma_semaphore, #tpu.memory_space<semaphore_mem>>
      %dma_wait3A_286 = tpu.memref_squeeze %dma_wait3A_285 : memref<1x!tpu.dma_semaphore, #tpu.memory_space<semaphore_mem>> -> memref<!tpu.dma_semaphore, #tpu.memory_space<semaphore_mem>>
      tpu.wait_indirect_dma semaphore(%dma_wait3A_286 : memref<!tpu.dma_semaphore, #tpu.memory_space<semaphore_mem>>) src(%dma_wait3A_284 : memref<10240x64xf32, #tpu.memory_space<vmem_shared>>) dst(%arg11 : memref<128x64xf32, #tpu.memory_space<vmem>>)
      %dma_start3A_287 = arith.constant 2 : i32
      %dma_start3A_288 = arith.constant 0 : i32
      %dma_start3A_289 = tpu.memref_slice %arg8[%add3A_256, %dma_start3A_288] : memref<81x128xi32, #tpu.memory_space<vmem>> -> memref<1x128xi32, #tpu.memory_space<vmem>>
      %dma_start3A_290 = tpu.memref_squeeze %dma_start3A_289 : memref<1x128xi32, #tpu.memory_space<vmem>> -> memref<128xi32, #tpu.memory_space<vmem>>
      %dma_start3A_291 = arith.constant 0 : i32
      %dma_start3A_292 = arith.constant 0 : i32
      %dma_start3A_293 = tpu.memref_slice %arg13[%dma_start3A_291, %dma_start3A_292] : memref<10240x64xf32, #tpu.memory_space<vmem_shared>> -> memref<10240x64xf32, #tpu.memory_space<vmem_shared>>
      %dma_start3A_294 = tpu.memref_slice %arg15[%dma_start3A_287] : memref<3x!tpu.dma_semaphore, #tpu.memory_space<semaphore_mem>> -> memref<1x!tpu.dma_semaphore, #tpu.memory_space<semaphore_mem>>
      %dma_start3A_295 = tpu.memref_squeeze %dma_start3A_294 : memref<1x!tpu.dma_semaphore, #tpu.memory_space<semaphore_mem>> -> memref<!tpu.dma_semaphore, #tpu.memory_space<semaphore_mem>>
      tpu.enqueue_indirect_dma source(%arg11 : memref<128x64xf32, #tpu.memory_space<vmem>>) target(%dma_start3A_293 : memref<10240x64xf32, #tpu.memory_space<vmem_shared>>) offsets(%dma_start3A_290 : memref<128xi32, #tpu.memory_space<vmem>>) semaphore(%dma_start3A_295 : memref<!tpu.dma_semaphore, #tpu.memory_space<semaphore_mem>>) {add = true}
      %mul3A_296 = arith.constant 3 : i32
      %mul3A_297 = arith.muli %mul3A_296, %scan3A_251 : i32
      %add3A_298 = arith.constant 2 : i32
      %add3A_299 = arith.addi %mul3A_297, %add3A_298 : i32
      %add3A_300 = arith.constant 1 : i32
      %add3A_301 = arith.addi %add3A_299, %add3A_300 : i32
      %sub3A_302 = arith.constant 2 : i32
      %sub3A_303 = arith.subi %add3A_301, %sub3A_302 : i32
      %dma_wait3A_304 = arith.constant 1 : i32
      %dma_wait3A_305 = arith.constant 0 : i32
      %dma_wait3A_306 = tpu.memref_slice %arg8[%sub3A_303, %dma_wait3A_305] : memref<81x128xi32, #tpu.memory_space<vmem>> -> memref<1x128xi32, #tpu.memory_space<vmem>>
      %dma_wait3A_307 = tpu.memref_squeeze %dma_wait3A_306 : memref<1x128xi32, #tpu.memory_space<vmem>> -> memref<128xi32, #tpu.memory_space<vmem>>
      %dma_wait3A_308 = arith.constant 0 : i32
      %dma_wait3A_309 = arith.constant 0 : i32
      %dma_wait3A_310 = tpu.memref_slice %arg13[%dma_wait3A_308, %dma_wait3A_309] : memref<10240x64xf32, #tpu.memory_space<vmem_shared>> -> memref<10240x64xf32, #tpu.memory_space<vmem_shared>>
      %dma_wait3A_311 = tpu.memref_slice %arg15[%dma_wait3A_304] : memref<3x!tpu.dma_semaphore, #tpu.memory_space<semaphore_mem>> -> memref<1x!tpu.dma_semaphore, #tpu.memory_space<semaphore_mem>>
      %dma_wait3A_312 = tpu.memref_squeeze %dma_wait3A_311 : memref<1x!tpu.dma_semaphore, #tpu.memory_space<semaphore_mem>> -> memref<!tpu.dma_semaphore, #tpu.memory_space<semaphore_mem>>
      tpu.wait_indirect_dma semaphore(%dma_wait3A_312 : memref<!tpu.dma_semaphore, #tpu.memory_space<semaphore_mem>>) src(%arg10 : memref<128x64xf32, #tpu.memory_space<vmem>>) dst(%dma_wait3A_310 : memref<10240x64xf32, #tpu.memory_space<vmem_shared>>)
      %add3A_313 = arith.constant 1 : i32
      %add3A_314 = arith.addi %add3A_301, %add3A_313 : i32
      %dma_start3A_315 = arith.constant 1 : i32
      %dma_start3A_316 = arith.constant 0 : i32
      %dma_start3A_317 = tpu.memref_slice %arg7[%add3A_314, %dma_start3A_316] : memref<81x128xi32, #tpu.memory_space<vmem>> -> memref<1x128xi32, #tpu.memory_space<vmem>>
      %dma_start3A_318 = tpu.memref_squeeze %dma_start3A_317 : memref<1x128xi32, #tpu.memory_space<vmem>> -> memref<128xi32, #tpu.memory_space<vmem>>
      %dma_start3A_319 = arith.constant 0 : i32
      %dma_start3A_320 = arith.constant 0 : i32
      %dma_start3A_321 = tpu.memref_slice %arg12[%dma_start3A_319, %dma_start3A_320] : memref<10240x64xf32, #tpu.memory_space<vmem_shared>> -> memref<10240x64xf32, #tpu.memory_space<vmem_shared>>
      %dma_start3A_322 = tpu.memref_slice %arg14[%dma_start3A_315] : memref<3x!tpu.dma_semaphore, #tpu.memory_space<semaphore_mem>> -> memref<1x!tpu.dma_semaphore, #tpu.memory_space<semaphore_mem>>
      %dma_start3A_323 = tpu.memref_squeeze %dma_start3A_322 : memref<1x!tpu.dma_semaphore, #tpu.memory_space<semaphore_mem>> -> memref<!tpu.dma_semaphore, #tpu.memory_space<semaphore_mem>>
      tpu.enqueue_indirect_dma source(%dma_start3A_321 : memref<10240x64xf32, #tpu.memory_space<vmem_shared>>) target(%arg10 : memref<128x64xf32, #tpu.memory_space<vmem>>) offsets(%dma_start3A_318 : memref<128xi32, #tpu.memory_space<vmem>>) semaphore(%dma_start3A_323 : memref<!tpu.dma_semaphore, #tpu.memory_space<semaphore_mem>>)
      %dma_wait3A_324 = arith.constant 0 : i32
      %dma_wait3A_325 = arith.constant 0 : i32
      %dma_wait3A_326 = tpu.memref_slice %arg7[%add3A_301, %dma_wait3A_325] : memref<81x128xi32, #tpu.memory_space<vmem>> -> memref<1x128xi32, #tpu.memory_space<vmem>>
      %dma_wait3A_327 = tpu.memref_squeeze %dma_wait3A_326 : memref<1x128xi32, #tpu.memory_space<vmem>> -> memref<128xi32, #tpu.memory_space<vmem>>
      %dma_wait3A_328 = arith.constant 0 : i32
      %dma_wait3A_329 = arith.constant 0 : i32
      %dma_wait3A_330 = tpu.memref_slice %arg12[%dma_wait3A_328, %dma_wait3A_329] : memref<10240x64xf32, #tpu.memory_space<vmem_shared>> -> memref<10240x64xf32, #tpu.memory_space<vmem_shared>>
      %dma_wait3A_331 = tpu.memref_slice %arg14[%dma_wait3A_324] : memref<3x!tpu.dma_semaphore, #tpu.memory_space<semaphore_mem>> -> memref<1x!tpu.dma_semaphore, #tpu.memory_space<semaphore_mem>>
      %dma_wait3A_332 = tpu.memref_squeeze %dma_wait3A_331 : memref<1x!tpu.dma_semaphore, #tpu.memory_space<semaphore_mem>> -> memref<!tpu.dma_semaphore, #tpu.memory_space<semaphore_mem>>
      tpu.wait_indirect_dma semaphore(%dma_wait3A_332 : memref<!tpu.dma_semaphore, #tpu.memory_space<semaphore_mem>>) src(%dma_wait3A_330 : memref<10240x64xf32, #tpu.memory_space<vmem_shared>>) dst(%arg9 : memref<128x64xf32, #tpu.memory_space<vmem>>)
      %dma_start3A_333 = arith.constant 0 : i32
      %dma_start3A_334 = arith.constant 0 : i32
      %dma_start3A_335 = tpu.memref_slice %arg8[%add3A_301, %dma_start3A_334] : memref<81x128xi32, #tpu.memory_space<vmem>> -> memref<1x128xi32, #tpu.memory_space<vmem>>
      %dma_start3A_336 = tpu.memref_squeeze %dma_start3A_335 : memref<1x128xi32, #tpu.memory_space<vmem>> -> memref<128xi32, #tpu.memory_space<vmem>>
      %dma_start3A_337 = arith.constant 0 : i32
      %dma_start3A_338 = arith.constant 0 : i32
      %dma_start3A_339 = tpu.memref_slice %arg13[%dma_start3A_337, %dma_start3A_338] : memref<10240x64xf32, #tpu.memory_space<vmem_shared>> -> memref<10240x64xf32, #tpu.memory_space<vmem_shared>>
      %dma_start3A_340 = tpu.memref_slice %arg15[%dma_start3A_333] : memref<3x!tpu.dma_semaphore, #tpu.memory_space<semaphore_mem>> -> memref<1x!tpu.dma_semaphore, #tpu.memory_space<semaphore_mem>>
      %dma_start3A_341 = tpu.memref_squeeze %dma_start3A_340 : memref<1x!tpu.dma_semaphore, #tpu.memory_space<semaphore_mem>> -> memref<!tpu.dma_semaphore, #tpu.memory_space<semaphore_mem>>
      tpu.enqueue_indirect_dma source(%arg9 : memref<128x64xf32, #tpu.memory_space<vmem>>) target(%dma_start3A_339 : memref<10240x64xf32, #tpu.memory_space<vmem_shared>>) offsets(%dma_start3A_336 : memref<128xi32, #tpu.memory_space<vmem>>) semaphore(%dma_start3A_341 : memref<!tpu.dma_semaphore, #tpu.memory_space<semaphore_mem>>) {add = true}
      %mul3A_342 = arith.constant 3 : i32
      %mul3A_343 = arith.muli %mul3A_342, %scan3A_251 : i32
      %add3A_344 = arith.constant 2 : i32
      %add3A_345 = arith.addi %mul3A_343, %add3A_344 : i32
      %add3A_346 = arith.constant 2 : i32
      %add3A_347 = arith.addi %add3A_345, %add3A_346 : i32
      %sub3A_348 = arith.constant 2 : i32
      %sub3A_349 = arith.subi %add3A_347, %sub3A_348 : i32
      %dma_wait3A_350 = arith.constant 2 : i32
      %dma_wait3A_351 = arith.constant 0 : i32
      %dma_wait3A_352 = tpu.memref_slice %arg8[%sub3A_349, %dma_wait3A_351] : memref<81x128xi32, #tpu.memory_space<vmem>> -> memref<1x128xi32, #tpu.memory_space<vmem>>
      %dma_wait3A_353 = tpu.memref_squeeze %dma_wait3A_352 : memref<1x128xi32, #tpu.memory_space<vmem>> -> memref<128xi32, #tpu.memory_space<vmem>>
      %dma_wait3A_354 = arith.constant 0 : i32
      %dma_wait3A_355 = arith.constant 0 : i32
      %dma_wait3A_356 = tpu.memref_slice %arg13[%dma_wait3A_354, %dma_wait3A_355] : memref<10240x64xf32, #tpu.memory_space<vmem_shared>> -> memref<10240x64xf32, #tpu.memory_space<vmem_shared>>
      %dma_wait3A_357 = tpu.memref_slice %arg15[%dma_wait3A_350] : memref<3x!tpu.dma_semaphore, #tpu.memory_space<semaphore_mem>> -> memref<1x!tpu.dma_semaphore, #tpu.memory_space<semaphore_mem>>
      %dma_wait3A_358 = tpu.memref_squeeze %dma_wait3A_357 : memref<1x!tpu.dma_semaphore, #tpu.memory_space<semaphore_mem>> -> memref<!tpu.dma_semaphore, #tpu.memory_space<semaphore_mem>>
      tpu.wait_indirect_dma semaphore(%dma_wait3A_358 : memref<!tpu.dma_semaphore, #tpu.memory_space<semaphore_mem>>) src(%arg11 : memref<128x64xf32, #tpu.memory_space<vmem>>) dst(%dma_wait3A_356 : memref<10240x64xf32, #tpu.memory_space<vmem_shared>>)
      %add3A_359 = arith.constant 1 : i32
      %add3A_360 = arith.addi %add3A_347, %add3A_359 : i32
      %dma_start3A_361 = arith.constant 2 : i32
      %dma_start3A_362 = arith.constant 0 : i32
      %dma_start3A_363 = tpu.memref_slice %arg7[%add3A_360, %dma_start3A_362] : memref<81x128xi32, #tpu.memory_space<vmem>> -> memref<1x128xi32, #tpu.memory_space<vmem>>
      %dma_start3A_364 = tpu.memref_squeeze %dma_start3A_363 : memref<1x128xi32, #tpu.memory_space<vmem>> -> memref<128xi32, #tpu.memory_space<vmem>>
      %dma_start3A_365 = arith.constant 0 : i32
      %dma_start3A_366 = arith.constant 0 : i32
      %dma_start3A_367 = tpu.memref_slice %arg12[%dma_start3A_365, %dma_start3A_366] : memref<10240x64xf32, #tpu.memory_space<vmem_shared>> -> memref<10240x64xf32, #tpu.memory_space<vmem_shared>>
      %dma_start3A_368 = tpu.memref_slice %arg14[%dma_start3A_361] : memref<3x!tpu.dma_semaphore, #tpu.memory_space<semaphore_mem>> -> memref<1x!tpu.dma_semaphore, #tpu.memory_space<semaphore_mem>>
      %dma_start3A_369 = tpu.memref_squeeze %dma_start3A_368 : memref<1x!tpu.dma_semaphore, #tpu.memory_space<semaphore_mem>> -> memref<!tpu.dma_semaphore, #tpu.memory_space<semaphore_mem>>
      tpu.enqueue_indirect_dma source(%dma_start3A_367 : memref<10240x64xf32, #tpu.memory_space<vmem_shared>>) target(%arg11 : memref<128x64xf32, #tpu.memory_space<vmem>>) offsets(%dma_start3A_364 : memref<128xi32, #tpu.memory_space<vmem>>) semaphore(%dma_start3A_369 : memref<!tpu.dma_semaphore, #tpu.memory_space<semaphore_mem>>)
      %dma_wait3A_370 = arith.constant 1 : i32
      %dma_wait3A_371 = arith.constant 0 : i32
      %dma_wait3A_372 = tpu.memref_slice %arg7[%add3A_347, %dma_wait3A_371] : memref<81x128xi32, #tpu.memory_space<vmem>> -> memref<1x128xi32, #tpu.memory_space<vmem>>
      %dma_wait3A_373 = tpu.memref_squeeze %dma_wait3A_372 : memref<1x128xi32, #tpu.memory_space<vmem>> -> memref<128xi32, #tpu.memory_space<vmem>>
      %dma_wait3A_374 = arith.constant 0 : i32
      %dma_wait3A_375 = arith.constant 0 : i32
      %dma_wait3A_376 = tpu.memref_slice %arg12[%dma_wait3A_374, %dma_wait3A_375] : memref<10240x64xf32, #tpu.memory_space<vmem_shared>> -> memref<10240x64xf32, #tpu.memory_space<vmem_shared>>
      %dma_wait3A_377 = tpu.memref_slice %arg14[%dma_wait3A_370] : memref<3x!tpu.dma_semaphore, #tpu.memory_space<semaphore_mem>> -> memref<1x!tpu.dma_semaphore, #tpu.memory_space<semaphore_mem>>
      %dma_wait3A_378 = tpu.memref_squeeze %dma_wait3A_377 : memref<1x!tpu.dma_semaphore, #tpu.memory_space<semaphore_mem>> -> memref<!tpu.dma_semaphore, #tpu.memory_space<semaphore_mem>>
      tpu.wait_indirect_dma semaphore(%dma_wait3A_378 : memref<!tpu.dma_semaphore, #tpu.memory_space<semaphore_mem>>) src(%dma_wait3A_376 : memref<10240x64xf32, #tpu.memory_space<vmem_shared>>) dst(%arg10 : memref<128x64xf32, #tpu.memory_space<vmem>>)
      %dma_start3A_379 = arith.constant 1 : i32
      %dma_start3A_380 = arith.constant 0 : i32
      %dma_start3A_381 = tpu.memref_slice %arg8[%add3A_347, %dma_start3A_380] : memref<81x128xi32, #tpu.memory_space<vmem>> -> memref<1x128xi32, #tpu.memory_space<vmem>>
      %dma_start3A_382 = tpu.memref_squeeze %dma_start3A_381 : memref<1x128xi32, #tpu.memory_space<vmem>> -> memref<128xi32, #tpu.memory_space<vmem>>
      %dma_start3A_383 = arith.constant 0 : i32
      %dma_start3A_384 = arith.constant 0 : i32
      %dma_start3A_385 = tpu.memref_slice %arg13[%dma_start3A_383, %dma_start3A_384] : memref<10240x64xf32, #tpu.memory_space<vmem_shared>> -> memref<10240x64xf32, #tpu.memory_space<vmem_shared>>
      %dma_start3A_386 = tpu.memref_slice %arg15[%dma_start3A_379] : memref<3x!tpu.dma_semaphore, #tpu.memory_space<semaphore_mem>> -> memref<1x!tpu.dma_semaphore, #tpu.memory_space<semaphore_mem>>
      %dma_start3A_387 = tpu.memref_squeeze %dma_start3A_386 : memref<1x!tpu.dma_semaphore, #tpu.memory_space<semaphore_mem>> -> memref<!tpu.dma_semaphore, #tpu.memory_space<semaphore_mem>>
      tpu.enqueue_indirect_dma source(%arg10 : memref<128x64xf32, #tpu.memory_space<vmem>>) target(%dma_start3A_385 : memref<10240x64xf32, #tpu.memory_space<vmem_shared>>) offsets(%dma_start3A_382 : memref<128xi32, #tpu.memory_space<vmem>>) semaphore(%dma_start3A_387 : memref<!tpu.dma_semaphore, #tpu.memory_space<semaphore_mem>>) {add = true}
    }
    %scan3A_73 = arith.constant 26 : i32
    %dma_wait3A_74 = arith.constant 78 : i32
    %dma_wait3A_75 = arith.constant 0 : i32
    %dma_wait3A_76 = arith.constant 0 : i32
    %dma_wait3A_77 = tpu.memref_slice %arg8[%dma_wait3A_74, %dma_wait3A_76] : memref<81x128xi32, #tpu.memory_space<vmem>> -> memref<1x128xi32, #tpu.memory_space<vmem>>
    %dma_wait3A_78 = tpu.memref_squeeze %dma_wait3A_77 : memref<1x128xi32, #tpu.memory_space<vmem>> -> memref<128xi32, #tpu.memory_space<vmem>>
    %dma_wait3A_79 = arith.constant 0 : i32
    %dma_wait3A_80 = arith.constant 0 : i32
    %dma_wait3A_81 = tpu.memref_slice %arg13[%dma_wait3A_79, %dma_wait3A_80] : memref<10240x64xf32, #tpu.memory_space<vmem_shared>> -> memref<10240x64xf32, #tpu.memory_space<vmem_shared>>
    %dma_wait3A_82 = tpu.memref_slice %arg15[%dma_wait3A_75] : memref<3x!tpu.dma_semaphore, #tpu.memory_space<semaphore_mem>> -> memref<1x!tpu.dma_semaphore, #tpu.memory_space<semaphore_mem>>
    %dma_wait3A_83 = tpu.memref_squeeze %dma_wait3A_82 : memref<1x!tpu.dma_semaphore, #tpu.memory_space<semaphore_mem>> -> memref<!tpu.dma_semaphore, #tpu.memory_space<semaphore_mem>>
    tpu.wait_indirect_dma semaphore(%dma_wait3A_83 : memref<!tpu.dma_semaphore, #tpu.memory_space<semaphore_mem>>) src(%arg9 : memref<128x64xf32, #tpu.memory_space<vmem>>) dst(%dma_wait3A_81 : memref<10240x64xf32, #tpu.memory_space<vmem_shared>>)
    %dma_wait3A_84 = arith.constant 80 : i32
    %dma_wait3A_85 = arith.constant 2 : i32
    %dma_wait3A_86 = arith.constant 0 : i32
    %dma_wait3A_87 = tpu.memref_slice %arg7[%dma_wait3A_84, %dma_wait3A_86] : memref<81x128xi32, #tpu.memory_space<vmem>> -> memref<1x128xi32, #tpu.memory_space<vmem>>
    %dma_wait3A_88 = tpu.memref_squeeze %dma_wait3A_87 : memref<1x128xi32, #tpu.memory_space<vmem>> -> memref<128xi32, #tpu.memory_space<vmem>>
    %dma_wait3A_89 = arith.constant 0 : i32
    %dma_wait3A_90 = arith.constant 0 : i32
    %dma_wait3A_91 = tpu.memref_slice %arg12[%dma_wait3A_89, %dma_wait3A_90] : memref<10240x64xf32, #tpu.memory_space<vmem_shared>> -> memref<10240x64xf32, #tpu.memory_space<vmem_shared>>
    %dma_wait3A_92 = tpu.memref_slice %arg14[%dma_wait3A_85] : memref<3x!tpu.dma_semaphore, #tpu.memory_space<semaphore_mem>> -> memref<1x!tpu.dma_semaphore, #tpu.memory_space<semaphore_mem>>
    %dma_wait3A_93 = tpu.memref_squeeze %dma_wait3A_92 : memref<1x!tpu.dma_semaphore, #tpu.memory_space<semaphore_mem>> -> memref<!tpu.dma_semaphore, #tpu.memory_space<semaphore_mem>>
    tpu.wait_indirect_dma semaphore(%dma_wait3A_93 : memref<!tpu.dma_semaphore, #tpu.memory_space<semaphore_mem>>) src(%dma_wait3A_91 : memref<10240x64xf32, #tpu.memory_space<vmem_shared>>) dst(%arg11 : memref<128x64xf32, #tpu.memory_space<vmem>>)
    %dma_start3A_94 = arith.constant 80 : i32
    %dma_start3A_95 = arith.constant 2 : i32
    %dma_start3A_96 = arith.constant 0 : i32
    %dma_start3A_97 = tpu.memref_slice %arg8[%dma_start3A_94, %dma_start3A_96] : memref<81x128xi32, #tpu.memory_space<vmem>> -> memref<1x128xi32, #tpu.memory_space<vmem>>
    %dma_start3A_98 = tpu.memref_squeeze %dma_start3A_97 : memref<1x128xi32, #tpu.memory_space<vmem>> -> memref<128xi32, #tpu.memory_space<vmem>>
    %dma_start3A_99 = arith.constant 0 : i32
    %dma_start3A_100 = arith.constant 0 : i32
    %dma_start3A_101 = tpu.memref_slice %arg13[%dma_start3A_99, %dma_start3A_100] : memref<10240x64xf32, #tpu.memory_space<vmem_shared>> -> memref<10240x64xf32, #tpu.memory_space<vmem_shared>>
    %dma_start3A_102 = tpu.memref_slice %arg15[%dma_start3A_95] : memref<3x!tpu.dma_semaphore, #tpu.memory_space<semaphore_mem>> -> memref<1x!tpu.dma_semaphore, #tpu.memory_space<semaphore_mem>>
    %dma_start3A_103 = tpu.memref_squeeze %dma_start3A_102 : memref<1x!tpu.dma_semaphore, #tpu.memory_space<semaphore_mem>> -> memref<!tpu.dma_semaphore, #tpu.memory_space<semaphore_mem>>
    tpu.enqueue_indirect_dma source(%arg11 : memref<128x64xf32, #tpu.memory_space<vmem>>) target(%dma_start3A_101 : memref<10240x64xf32, #tpu.memory_space<vmem_shared>>) offsets(%dma_start3A_98 : memref<128xi32, #tpu.memory_space<vmem>>) semaphore(%dma_start3A_103 : memref<!tpu.dma_semaphore, #tpu.memory_space<semaphore_mem>>) {add = true}
    %dma_wait3A_104 = arith.constant 79 : i32
    %dma_wait3A_105 = arith.constant 1 : i32
    %dma_wait3A_106 = arith.constant 0 : i32
    %dma_wait3A_107 = tpu.memref_slice %arg8[%dma_wait3A_104, %dma_wait3A_106] : memref<81x128xi32, #tpu.memory_space<vmem>> -> memref<1x128xi32, #tpu.memory_space<vmem>>
    %dma_wait3A_108 = tpu.memref_squeeze %dma_wait3A_107 : memref<1x128xi32, #tpu.memory_space<vmem>> -> memref<128xi32, #tpu.memory_space<vmem>>
    %dma_wait3A_109 = arith.constant 0 : i32
    %dma_wait3A_110 = arith.constant 0 : i32
    %dma_wait3A_111 = tpu.memref_slice %arg13[%dma_wait3A_109, %dma_wait3A_110] : memref<10240x64xf32, #tpu.memory_space<vmem_shared>> -> memref<10240x64xf32, #tpu.memory_space<vmem_shared>>
    %dma_wait3A_112 = tpu.memref_slice %arg15[%dma_wait3A_105] : memref<3x!tpu.dma_semaphore, #tpu.memory_space<semaphore_mem>> -> memref<1x!tpu.dma_semaphore, #tpu.memory_space<semaphore_mem>>
    %dma_wait3A_113 = tpu.memref_squeeze %dma_wait3A_112 : memref<1x!tpu.dma_semaphore, #tpu.memory_space<semaphore_mem>> -> memref<!tpu.dma_semaphore, #tpu.memory_space<semaphore_mem>>
    tpu.wait_indirect_dma semaphore(%dma_wait3A_113 : memref<!tpu.dma_semaphore, #tpu.memory_space<semaphore_mem>>) src(%arg10 : memref<128x64xf32, #tpu.memory_space<vmem>>) dst(%dma_wait3A_111 : memref<10240x64xf32, #tpu.memory_space<vmem_shared>>)
    %dma_wait3A_114 = arith.constant 80 : i32
    %dma_wait3A_115 = arith.constant 2 : i32
    %dma_wait3A_116 = arith.constant 0 : i32
    %dma_wait3A_117 = tpu.memref_slice %arg8[%dma_wait3A_114, %dma_wait3A_116] : memref<81x128xi32, #tpu.memory_space<vmem>> -> memref<1x128xi32, #tpu.memory_space<vmem>>
    %dma_wait3A_118 = tpu.memref_squeeze %dma_wait3A_117 : memref<1x128xi32, #tpu.memory_space<vmem>> -> memref<128xi32, #tpu.memory_space<vmem>>
    %dma_wait3A_119 = arith.constant 0 : i32
    %dma_wait3A_120 = arith.constant 0 : i32
    %dma_wait3A_121 = tpu.memref_slice %arg13[%dma_wait3A_119, %dma_wait3A_120] : memref<10240x64xf32, #tpu.memory_space<vmem_shared>> -> memref<10240x64xf32, #tpu.memory_space<vmem_shared>>
    %dma_wait3A_122 = tpu.memref_slice %arg15[%dma_wait3A_115] : memref<3x!tpu.dma_semaphore, #tpu.memory_space<semaphore_mem>> -> memref<1x!tpu.dma_semaphore, #tpu.memory_space<semaphore_mem>>
    %dma_wait3A_123 = tpu.memref_squeeze %dma_wait3A_122 : memref<1x!tpu.dma_semaphore, #tpu.memory_space<semaphore_mem>> -> memref<!tpu.dma_semaphore, #tpu.memory_space<semaphore_mem>>
    tpu.wait_indirect_dma semaphore(%dma_wait3A_123 : memref<!tpu.dma_semaphore, #tpu.memory_space<semaphore_mem>>) src(%arg11 : memref<128x64xf32, #tpu.memory_space<vmem>>) dst(%dma_wait3A_121 : memref<10240x64xf32, #tpu.memory_space<vmem_shared>>)
    "tpu.region"() ({
      %run_scoped3A = tpu.sem_alloc : memref<!tpu.dma_semaphore, #tpu.memory_space<semaphore_mem>>
      %dma_start3A_251 = arith.constant 0 : i32
      %dma_start3A_252 = arith.constant 0 : i32
      %dma_start3A_253 = tpu.memref_slice %arg7[%dma_start3A_251, %dma_start3A_252] : memref<81x128xi32, #tpu.memory_space<vmem>> -> memref<78x128xi32, #tpu.memory_space<vmem>>
      %dma_start3A_254 = arith.constant 81 : i32
      %dma_start3A_255 = arith.constant 0 : i32
      %dma_start3A_256 = tpu.memref_slice %arg2[%arg1, %dma_start3A_254, %dma_start3A_255] : memref<16x159x128xi32, #tpu.memory_space<hbm>> -> memref<1x78x128xi32, #tpu.memory_space<hbm>>
      %dma_start3A_257 = tpu.memref_squeeze %dma_start3A_256 : memref<1x78x128xi32, #tpu.memory_space<hbm>> -> memref<78x128xi32, #tpu.memory_space<hbm>>
      %dma_start3A_258 = arith.constant 0 : i32
      %dma_start3A_259 = arith.constant 0 : i32
      %dma_start3A_260 = tpu.memref_slice %arg7[%dma_start3A_258, %dma_start3A_259] : memref<81x128xi32, #tpu.memory_space<vmem>> -> memref<78x128xi32, #tpu.memory_space<vmem>>
      %dma_start3A_261 = arith.constant 81 : i32
      %dma_start3A_262 = arith.constant 0 : i32
      %dma_start3A_263 = tpu.memref_slice %arg2[%arg1, %dma_start3A_261, %dma_start3A_262] : memref<16x159x128xi32, #tpu.memory_space<hbm>> -> memref<1x78x128xi32, #tpu.memory_space<hbm>>
      %dma_start3A_264 = tpu.memref_squeeze %dma_start3A_263 : memref<1x78x128xi32, #tpu.memory_space<hbm>> -> memref<78x128xi32, #tpu.memory_space<hbm>>
      tpu.enqueue_dma source(%dma_start3A_264 : memref<78x128xi32, #tpu.memory_space<hbm>>) target(%dma_start3A_260 : memref<78x128xi32, #tpu.memory_space<vmem>>) target_semaphore(%run_scoped3A : memref<!tpu.dma_semaphore, #tpu.memory_space<semaphore_mem>>)
      %dma_wait3A_265 = arith.constant 0 : i32
      %dma_wait3A_266 = arith.constant 0 : i32
      %dma_wait3A_267 = tpu.memref_slice %arg7[%dma_wait3A_265, %dma_wait3A_266] : memref<81x128xi32, #tpu.memory_space<vmem>> -> memref<78x128xi32, #tpu.memory_space<vmem>>
      %dma_wait3A_268 = arith.constant 81 : i32
      %dma_wait3A_269 = arith.constant 0 : i32
      %dma_wait3A_270 = tpu.memref_slice %arg2[%arg1, %dma_wait3A_268, %dma_wait3A_269] : memref<16x159x128xi32, #tpu.memory_space<hbm>> -> memref<1x78x128xi32, #tpu.memory_space<hbm>>
      %dma_wait3A_271 = tpu.memref_squeeze %dma_wait3A_270 : memref<1x78x128xi32, #tpu.memory_space<hbm>> -> memref<78x128xi32, #tpu.memory_space<hbm>>
      %dma_wait3A_272 = arith.constant 0 : i32
      %dma_wait3A_273 = arith.constant 0 : i32
      %dma_wait3A_274 = tpu.memref_slice %arg7[%dma_wait3A_272, %dma_wait3A_273] : memref<81x128xi32, #tpu.memory_space<vmem>> -> memref<78x128xi32, #tpu.memory_space<vmem>>
      %dma_wait3A_275 = arith.constant 81 : i32
      %dma_wait3A_276 = arith.constant 0 : i32
      %dma_wait3A_277 = tpu.memref_slice %arg2[%arg1, %dma_wait3A_275, %dma_wait3A_276] : memref<16x159x128xi32, #tpu.memory_space<hbm>> -> memref<1x78x128xi32, #tpu.memory_space<hbm>>
      %dma_wait3A_278 = tpu.memref_squeeze %dma_wait3A_277 : memref<1x78x128xi32, #tpu.memory_space<hbm>> -> memref<78x128xi32, #tpu.memory_space<hbm>>
      tpu.wait_dma2 semaphore(%run_scoped3A : memref<!tpu.dma_semaphore, #tpu.memory_space<semaphore_mem>>) src(%dma_wait3A_278 : memref<78x128xi32, #tpu.memory_space<hbm>>) dst(%dma_wait3A_274 : memref<78x128xi32, #tpu.memory_space<vmem>>)
      tpu.yield
    }) : () -> ()
    "tpu.region"() ({
      %run_scoped3A = tpu.sem_alloc : memref<!tpu.dma_semaphore, #tpu.memory_space<semaphore_mem>>
      %dma_start3A_251 = arith.constant 0 : i32
      %dma_start3A_252 = arith.constant 0 : i32
      %dma_start3A_253 = tpu.memref_slice %arg8[%dma_start3A_251, %dma_start3A_252] : memref<81x128xi32, #tpu.memory_space<vmem>> -> memref<78x128xi32, #tpu.memory_space<vmem>>
      %dma_start3A_254 = arith.constant 81 : i32
      %dma_start3A_255 = arith.constant 0 : i32
      %dma_start3A_256 = tpu.memref_slice %arg3[%arg1, %dma_start3A_254, %dma_start3A_255] : memref<16x159x128xi32, #tpu.memory_space<hbm>> -> memref<1x78x128xi32, #tpu.memory_space<hbm>>
      %dma_start3A_257 = tpu.memref_squeeze %dma_start3A_256 : memref<1x78x128xi32, #tpu.memory_space<hbm>> -> memref<78x128xi32, #tpu.memory_space<hbm>>
      %dma_start3A_258 = arith.constant 0 : i32
      %dma_start3A_259 = arith.constant 0 : i32
      %dma_start3A_260 = tpu.memref_slice %arg8[%dma_start3A_258, %dma_start3A_259] : memref<81x128xi32, #tpu.memory_space<vmem>> -> memref<78x128xi32, #tpu.memory_space<vmem>>
      %dma_start3A_261 = arith.constant 81 : i32
      %dma_start3A_262 = arith.constant 0 : i32
      %dma_start3A_263 = tpu.memref_slice %arg3[%arg1, %dma_start3A_261, %dma_start3A_262] : memref<16x159x128xi32, #tpu.memory_space<hbm>> -> memref<1x78x128xi32, #tpu.memory_space<hbm>>
      %dma_start3A_264 = tpu.memref_squeeze %dma_start3A_263 : memref<1x78x128xi32, #tpu.memory_space<hbm>> -> memref<78x128xi32, #tpu.memory_space<hbm>>
      tpu.enqueue_dma source(%dma_start3A_264 : memref<78x128xi32, #tpu.memory_space<hbm>>) target(%dma_start3A_260 : memref<78x128xi32, #tpu.memory_space<vmem>>) target_semaphore(%run_scoped3A : memref<!tpu.dma_semaphore, #tpu.memory_space<semaphore_mem>>)
      %dma_wait3A_265 = arith.constant 0 : i32
      %dma_wait3A_266 = arith.constant 0 : i32
      %dma_wait3A_267 = tpu.memref_slice %arg8[%dma_wait3A_265, %dma_wait3A_266] : memref<81x128xi32, #tpu.memory_space<vmem>> -> memref<78x128xi32, #tpu.memory_space<vmem>>
      %dma_wait3A_268 = arith.constant 81 : i32
      %dma_wait3A_269 = arith.constant 0 : i32
      %dma_wait3A_270 = tpu.memref_slice %arg3[%arg1, %dma_wait3A_268, %dma_wait3A_269] : memref<16x159x128xi32, #tpu.memory_space<hbm>> -> memref<1x78x128xi32, #tpu.memory_space<hbm>>
      %dma_wait3A_271 = tpu.memref_squeeze %dma_wait3A_270 : memref<1x78x128xi32, #tpu.memory_space<hbm>> -> memref<78x128xi32, #tpu.memory_space<hbm>>
      %dma_wait3A_272 = arith.constant 0 : i32
      %dma_wait3A_273 = arith.constant 0 : i32
      %dma_wait3A_274 = tpu.memref_slice %arg8[%dma_wait3A_272, %dma_wait3A_273] : memref<81x128xi32, #tpu.memory_space<vmem>> -> memref<78x128xi32, #tpu.memory_space<vmem>>
      %dma_wait3A_275 = arith.constant 81 : i32
      %dma_wait3A_276 = arith.constant 0 : i32
      %dma_wait3A_277 = tpu.memref_slice %arg3[%arg1, %dma_wait3A_275, %dma_wait3A_276] : memref<16x159x128xi32, #tpu.memory_space<hbm>> -> memref<1x78x128xi32, #tpu.memory_space<hbm>>
      %dma_wait3A_278 = tpu.memref_squeeze %dma_wait3A_277 : memref<1x78x128xi32, #tpu.memory_space<hbm>> -> memref<78x128xi32, #tpu.memory_space<hbm>>
      tpu.wait_dma2 semaphore(%run_scoped3A : memref<!tpu.dma_semaphore, #tpu.memory_space<semaphore_mem>>) src(%dma_wait3A_278 : memref<78x128xi32, #tpu.memory_space<hbm>>) dst(%dma_wait3A_274 : memref<78x128xi32, #tpu.memory_space<vmem>>)
      tpu.yield
    }) : () -> ()
    %dma_start3A_124 = arith.constant 0 : i32
    %dma_start3A_125 = arith.constant 0 : i32
    %dma_start3A_126 = arith.constant 0 : i32
    %dma_start3A_127 = tpu.memref_slice %arg7[%dma_start3A_124, %dma_start3A_126] : memref<81x128xi32, #tpu.memory_space<vmem>> -> memref<1x128xi32, #tpu.memory_space<vmem>>
    %dma_start3A_128 = tpu.memref_squeeze %dma_start3A_127 : memref<1x128xi32, #tpu.memory_space<vmem>> -> memref<128xi32, #tpu.memory_space<vmem>>
    %dma_start3A_129 = arith.constant 0 : i32
    %dma_start3A_130 = arith.constant 0 : i32
    %dma_start3A_131 = tpu.memref_slice %arg12[%dma_start3A_129, %dma_start3A_130] : memref<10240x64xf32, #tpu.memory_space<vmem_shared>> -> memref<10240x64xf32, #tpu.memory_space<vmem_shared>>
    %dma_start3A_132 = tpu.memref_slice %arg14[%dma_start3A_125] : memref<3x!tpu.dma_semaphore, #tpu.memory_space<semaphore_mem>> -> memref<1x!tpu.dma_semaphore, #tpu.memory_space<semaphore_mem>>
    %dma_start3A_133 = tpu.memref_squeeze %dma_start3A_132 : memref<1x!tpu.dma_semaphore, #tpu.memory_space<semaphore_mem>> -> memref<!tpu.dma_semaphore, #tpu.memory_space<semaphore_mem>>
    tpu.enqueue_indirect_dma source(%dma_start3A_131 : memref<10240x64xf32, #tpu.memory_space<vmem_shared>>) target(%arg9 : memref<128x64xf32, #tpu.memory_space<vmem>>) offsets(%dma_start3A_128 : memref<128xi32, #tpu.memory_space<vmem>>) semaphore(%dma_start3A_133 : memref<!tpu.dma_semaphore, #tpu.memory_space<semaphore_mem>>)
    %dma_start3A_134 = arith.constant 1 : i32
    %dma_start3A_135 = arith.constant 1 : i32
    %dma_start3A_136 = arith.constant 0 : i32
    %dma_start3A_137 = tpu.memref_slice %arg7[%dma_start3A_134, %dma_start3A_136] : memref<81x128xi32, #tpu.memory_space<vmem>> -> memref<1x128xi32, #tpu.memory_space<vmem>>
    %dma_start3A_138 = tpu.memref_squeeze %dma_start3A_137 : memref<1x128xi32, #tpu.memory_space<vmem>> -> memref<128xi32, #tpu.memory_space<vmem>>
    %dma_start3A_139 = arith.constant 0 : i32
    %dma_start3A_140 = arith.constant 0 : i32
    %dma_start3A_141 = tpu.memref_slice %arg12[%dma_start3A_139, %dma_start3A_140] : memref<10240x64xf32, #tpu.memory_space<vmem_shared>> -> memref<10240x64xf32, #tpu.memory_space<vmem_shared>>
    %dma_start3A_142 = tpu.memref_slice %arg14[%dma_start3A_135] : memref<3x!tpu.dma_semaphore, #tpu.memory_space<semaphore_mem>> -> memref<1x!tpu.dma_semaphore, #tpu.memory_space<semaphore_mem>>
    %dma_start3A_143 = tpu.memref_squeeze %dma_start3A_142 : memref<1x!tpu.dma_semaphore, #tpu.memory_space<semaphore_mem>> -> memref<!tpu.dma_semaphore, #tpu.memory_space<semaphore_mem>>
    tpu.enqueue_indirect_dma source(%dma_start3A_141 : memref<10240x64xf32, #tpu.memory_space<vmem_shared>>) target(%arg10 : memref<128x64xf32, #tpu.memory_space<vmem>>) offsets(%dma_start3A_138 : memref<128xi32, #tpu.memory_space<vmem>>) semaphore(%dma_start3A_143 : memref<!tpu.dma_semaphore, #tpu.memory_space<semaphore_mem>>)
    %dma_wait3A_144 = arith.constant 0 : i32
    %dma_wait3A_145 = arith.constant 0 : i32
    %dma_wait3A_146 = arith.constant 0 : i32
    %dma_wait3A_147 = tpu.memref_slice %arg7[%dma_wait3A_144, %dma_wait3A_146] : memref<81x128xi32, #tpu.memory_space<vmem>> -> memref<1x128xi32, #tpu.memory_space<vmem>>
    %dma_wait3A_148 = tpu.memref_squeeze %dma_wait3A_147 : memref<1x128xi32, #tpu.memory_space<vmem>> -> memref<128xi32, #tpu.memory_space<vmem>>
    %dma_wait3A_149 = arith.constant 0 : i32
    %dma_wait3A_150 = arith.constant 0 : i32
    %dma_wait3A_151 = tpu.memref_slice %arg12[%dma_wait3A_149, %dma_wait3A_150] : memref<10240x64xf32, #tpu.memory_space<vmem_shared>> -> memref<10240x64xf32, #tpu.memory_space<vmem_shared>>
    %dma_wait3A_152 = tpu.memref_slice %arg14[%dma_wait3A_145] : memref<3x!tpu.dma_semaphore, #tpu.memory_space<semaphore_mem>> -> memref<1x!tpu.dma_semaphore, #tpu.memory_space<semaphore_mem>>
    %dma_wait3A_153 = tpu.memref_squeeze %dma_wait3A_152 : memref<1x!tpu.dma_semaphore, #tpu.memory_space<semaphore_mem>> -> memref<!tpu.dma_semaphore, #tpu.memory_space<semaphore_mem>>
    tpu.wait_indirect_dma semaphore(%dma_wait3A_153 : memref<!tpu.dma_semaphore, #tpu.memory_space<semaphore_mem>>) src(%dma_wait3A_151 : memref<10240x64xf32, #tpu.memory_space<vmem_shared>>) dst(%arg9 : memref<128x64xf32, #tpu.memory_space<vmem>>)
    %dma_start3A_154 = arith.constant 0 : i32
    %dma_start3A_155 = arith.constant 0 : i32
    %dma_start3A_156 = arith.constant 0 : i32
    %dma_start3A_157 = tpu.memref_slice %arg8[%dma_start3A_154, %dma_start3A_156] : memref<81x128xi32, #tpu.memory_space<vmem>> -> memref<1x128xi32, #tpu.memory_space<vmem>>
    %dma_start3A_158 = tpu.memref_squeeze %dma_start3A_157 : memref<1x128xi32, #tpu.memory_space<vmem>> -> memref<128xi32, #tpu.memory_space<vmem>>
    %dma_start3A_159 = arith.constant 0 : i32
    %dma_start3A_160 = arith.constant 0 : i32
    %dma_start3A_161 = tpu.memref_slice %arg13[%dma_start3A_159, %dma_start3A_160] : memref<10240x64xf32, #tpu.memory_space<vmem_shared>> -> memref<10240x64xf32, #tpu.memory_space<vmem_shared>>
    %dma_start3A_162 = tpu.memref_slice %arg15[%dma_start3A_155] : memref<3x!tpu.dma_semaphore, #tpu.memory_space<semaphore_mem>> -> memref<1x!tpu.dma_semaphore, #tpu.memory_space<semaphore_mem>>
    %dma_start3A_163 = tpu.memref_squeeze %dma_start3A_162 : memref<1x!tpu.dma_semaphore, #tpu.memory_space<semaphore_mem>> -> memref<!tpu.dma_semaphore, #tpu.memory_space<semaphore_mem>>
    tpu.enqueue_indirect_dma source(%arg9 : memref<128x64xf32, #tpu.memory_space<vmem>>) target(%dma_start3A_161 : memref<10240x64xf32, #tpu.memory_space<vmem_shared>>) offsets(%dma_start3A_158 : memref<128xi32, #tpu.memory_space<vmem>>) semaphore(%dma_start3A_163 : memref<!tpu.dma_semaphore, #tpu.memory_space<semaphore_mem>>) {add = true}
    %dma_start3A_164 = arith.constant 2 : i32
    %dma_start3A_165 = arith.constant 2 : i32
    %dma_start3A_166 = arith.constant 0 : i32
    %dma_start3A_167 = tpu.memref_slice %arg7[%dma_start3A_164, %dma_start3A_166] : memref<81x128xi32, #tpu.memory_space<vmem>> -> memref<1x128xi32, #tpu.memory_space<vmem>>
    %dma_start3A_168 = tpu.memref_squeeze %dma_start3A_167 : memref<1x128xi32, #tpu.memory_space<vmem>> -> memref<128xi32, #tpu.memory_space<vmem>>
    %dma_start3A_169 = arith.constant 0 : i32
    %dma_start3A_170 = arith.constant 0 : i32
    %dma_start3A_171 = tpu.memref_slice %arg12[%dma_start3A_169, %dma_start3A_170] : memref<10240x64xf32, #tpu.memory_space<vmem_shared>> -> memref<10240x64xf32, #tpu.memory_space<vmem_shared>>
    %dma_start3A_172 = tpu.memref_slice %arg14[%dma_start3A_165] : memref<3x!tpu.dma_semaphore, #tpu.memory_space<semaphore_mem>> -> memref<1x!tpu.dma_semaphore, #tpu.memory_space<semaphore_mem>>
    %dma_start3A_173 = tpu.memref_squeeze %dma_start3A_172 : memref<1x!tpu.dma_semaphore, #tpu.memory_space<semaphore_mem>> -> memref<!tpu.dma_semaphore, #tpu.memory_space<semaphore_mem>>
    tpu.enqueue_indirect_dma source(%dma_start3A_171 : memref<10240x64xf32, #tpu.memory_space<vmem_shared>>) target(%arg11 : memref<128x64xf32, #tpu.memory_space<vmem>>) offsets(%dma_start3A_168 : memref<128xi32, #tpu.memory_space<vmem>>) semaphore(%dma_start3A_173 : memref<!tpu.dma_semaphore, #tpu.memory_space<semaphore_mem>>)
    %dma_wait3A_174 = arith.constant 1 : i32
    %dma_wait3A_175 = arith.constant 1 : i32
    %dma_wait3A_176 = arith.constant 0 : i32
    %dma_wait3A_177 = tpu.memref_slice %arg7[%dma_wait3A_174, %dma_wait3A_176] : memref<81x128xi32, #tpu.memory_space<vmem>> -> memref<1x128xi32, #tpu.memory_space<vmem>>
    %dma_wait3A_178 = tpu.memref_squeeze %dma_wait3A_177 : memref<1x128xi32, #tpu.memory_space<vmem>> -> memref<128xi32, #tpu.memory_space<vmem>>
    %dma_wait3A_179 = arith.constant 0 : i32
    %dma_wait3A_180 = arith.constant 0 : i32
    %dma_wait3A_181 = tpu.memref_slice %arg12[%dma_wait3A_179, %dma_wait3A_180] : memref<10240x64xf32, #tpu.memory_space<vmem_shared>> -> memref<10240x64xf32, #tpu.memory_space<vmem_shared>>
    %dma_wait3A_182 = tpu.memref_slice %arg14[%dma_wait3A_175] : memref<3x!tpu.dma_semaphore, #tpu.memory_space<semaphore_mem>> -> memref<1x!tpu.dma_semaphore, #tpu.memory_space<semaphore_mem>>
    %dma_wait3A_183 = tpu.memref_squeeze %dma_wait3A_182 : memref<1x!tpu.dma_semaphore, #tpu.memory_space<semaphore_mem>> -> memref<!tpu.dma_semaphore, #tpu.memory_space<semaphore_mem>>
    tpu.wait_indirect_dma semaphore(%dma_wait3A_183 : memref<!tpu.dma_semaphore, #tpu.memory_space<semaphore_mem>>) src(%dma_wait3A_181 : memref<10240x64xf32, #tpu.memory_space<vmem_shared>>) dst(%arg10 : memref<128x64xf32, #tpu.memory_space<vmem>>)
    %dma_start3A_184 = arith.constant 1 : i32
    %dma_start3A_185 = arith.constant 1 : i32
    %dma_start3A_186 = arith.constant 0 : i32
    %dma_start3A_187 = tpu.memref_slice %arg8[%dma_start3A_184, %dma_start3A_186] : memref<81x128xi32, #tpu.memory_space<vmem>> -> memref<1x128xi32, #tpu.memory_space<vmem>>
    %dma_start3A_188 = tpu.memref_squeeze %dma_start3A_187 : memref<1x128xi32, #tpu.memory_space<vmem>> -> memref<128xi32, #tpu.memory_space<vmem>>
    %dma_start3A_189 = arith.constant 0 : i32
    %dma_start3A_190 = arith.constant 0 : i32
    %dma_start3A_191 = tpu.memref_slice %arg13[%dma_start3A_189, %dma_start3A_190] : memref<10240x64xf32, #tpu.memory_space<vmem_shared>> -> memref<10240x64xf32, #tpu.memory_space<vmem_shared>>
    %dma_start3A_192 = tpu.memref_slice %arg15[%dma_start3A_185] : memref<3x!tpu.dma_semaphore, #tpu.memory_space<semaphore_mem>> -> memref<1x!tpu.dma_semaphore, #tpu.memory_space<semaphore_mem>>
    %dma_start3A_193 = tpu.memref_squeeze %dma_start3A_192 : memref<1x!tpu.dma_semaphore, #tpu.memory_space<semaphore_mem>> -> memref<!tpu.dma_semaphore, #tpu.memory_space<semaphore_mem>>
    tpu.enqueue_indirect_dma source(%arg10 : memref<128x64xf32, #tpu.memory_space<vmem>>) target(%dma_start3A_191 : memref<10240x64xf32, #tpu.memory_space<vmem_shared>>) offsets(%dma_start3A_188 : memref<128xi32, #tpu.memory_space<vmem>>) semaphore(%dma_start3A_193 : memref<!tpu.dma_semaphore, #tpu.memory_space<semaphore_mem>>) {add = true}
    %scan3A_194 = arith.constant 0 : i32
    %scan3A_195 = arith.constant 0 : i32
    %scan3A_196 = arith.constant 25 : i32
    %scan3A_197 = arith.addi %scan3A_195, %scan3A_196 : i32
    %scan3A_198 = arith.constant 1 : i32
    scf.for %scan3A_251 = %scan3A_195 to %scan3A_197 step %scan3A_198  : i32 {
      %mul3A_252 = arith.constant 3 : i32
      %mul3A_253 = arith.muli %mul3A_252, %scan3A_251 : i32
      %add3A = arith.constant 2 : i32
      %add3A_254 = arith.addi %mul3A_253, %add3A : i32
      %add3A_255 = arith.constant 0 : i32
      %add3A_256 = arith.addi %add3A_254, %add3A_255 : i32
      %sub3A = arith.constant 2 : i32
      %sub3A_257 = arith.subi %add3A_256, %sub3A : i32
      %dma_wait3A_258 = arith.constant 0 : i32
      %dma_wait3A_259 = arith.constant 0 : i32
      %dma_wait3A_260 = tpu.memref_slice %arg8[%sub3A_257, %dma_wait3A_259] : memref<81x128xi32, #tpu.memory_space<vmem>> -> memref<1x128xi32, #tpu.memory_space<vmem>>
      %dma_wait3A_261 = tpu.memref_squeeze %dma_wait3A_260 : memref<1x128xi32, #tpu.memory_space<vmem>> -> memref<128xi32, #tpu.memory_space<vmem>>
      %dma_wait3A_262 = arith.constant 0 : i32
      %dma_wait3A_263 = arith.constant 0 : i32
      %dma_wait3A_264 = tpu.memref_slice %arg13[%dma_wait3A_262, %dma_wait3A_263] : memref<10240x64xf32, #tpu.memory_space<vmem_shared>> -> memref<10240x64xf32, #tpu.memory_space<vmem_shared>>
      %dma_wait3A_265 = tpu.memref_slice %arg15[%dma_wait3A_258] : memref<3x!tpu.dma_semaphore, #tpu.memory_space<semaphore_mem>> -> memref<1x!tpu.dma_semaphore, #tpu.memory_space<semaphore_mem>>
      %dma_wait3A_266 = tpu.memref_squeeze %dma_wait3A_265 : memref<1x!tpu.dma_semaphore, #tpu.memory_space<semaphore_mem>> -> memref<!tpu.dma_semaphore, #tpu.memory_space<semaphore_mem>>
      tpu.wait_indirect_dma semaphore(%dma_wait3A_266 : memref<!tpu.dma_semaphore, #tpu.memory_space<semaphore_mem>>) src(%arg9 : memref<128x64xf32, #tpu.memory_space<vmem>>) dst(%dma_wait3A_264 : memref<10240x64xf32, #tpu.memory_space<vmem_shared>>)
      %add3A_267 = arith.constant 1 : i32
      %add3A_268 = arith.addi %add3A_256, %add3A_267 : i32
      %dma_start3A_269 = arith.constant 0 : i32
      %dma_start3A_270 = arith.constant 0 : i32
      %dma_start3A_271 = tpu.memref_slice %arg7[%add3A_268, %dma_start3A_270] : memref<81x128xi32, #tpu.memory_space<vmem>> -> memref<1x128xi32, #tpu.memory_space<vmem>>
      %dma_start3A_272 = tpu.memref_squeeze %dma_start3A_271 : memref<1x128xi32, #tpu.memory_space<vmem>> -> memref<128xi32, #tpu.memory_space<vmem>>
      %dma_start3A_273 = arith.constant 0 : i32
      %dma_start3A_274 = arith.constant 0 : i32
      %dma_start3A_275 = tpu.memref_slice %arg12[%dma_start3A_273, %dma_start3A_274] : memref<10240x64xf32, #tpu.memory_space<vmem_shared>> -> memref<10240x64xf32, #tpu.memory_space<vmem_shared>>
      %dma_start3A_276 = tpu.memref_slice %arg14[%dma_start3A_269] : memref<3x!tpu.dma_semaphore, #tpu.memory_space<semaphore_mem>> -> memref<1x!tpu.dma_semaphore, #tpu.memory_space<semaphore_mem>>
      %dma_start3A_277 = tpu.memref_squeeze %dma_start3A_276 : memref<1x!tpu.dma_semaphore, #tpu.memory_space<semaphore_mem>> -> memref<!tpu.dma_semaphore, #tpu.memory_space<semaphore_mem>>
      tpu.enqueue_indirect_dma source(%dma_start3A_275 : memref<10240x64xf32, #tpu.memory_space<vmem_shared>>) target(%arg9 : memref<128x64xf32, #tpu.memory_space<vmem>>) offsets(%dma_start3A_272 : memref<128xi32, #tpu.memory_space<vmem>>) semaphore(%dma_start3A_277 : memref<!tpu.dma_semaphore, #tpu.memory_space<semaphore_mem>>)
      %dma_wait3A_278 = arith.constant 2 : i32
      %dma_wait3A_279 = arith.constant 0 : i32
      %dma_wait3A_280 = tpu.memref_slice %arg7[%add3A_256, %dma_wait3A_279] : memref<81x128xi32, #tpu.memory_space<vmem>> -> memref<1x128xi32, #tpu.memory_space<vmem>>
      %dma_wait3A_281 = tpu.memref_squeeze %dma_wait3A_280 : memref<1x128xi32, #tpu.memory_space<vmem>> -> memref<128xi32, #tpu.memory_space<vmem>>
      %dma_wait3A_282 = arith.constant 0 : i32
      %dma_wait3A_283 = arith.constant 0 : i32
      %dma_wait3A_284 = tpu.memref_slice %arg12[%dma_wait3A_282, %dma_wait3A_283] : memref<10240x64xf32, #tpu.memory_space<vmem_shared>> -> memref<10240x64xf32, #tpu.memory_space<vmem_shared>>
      %dma_wait3A_285 = tpu.memref_slice %arg14[%dma_wait3A_278] : memref<3x!tpu.dma_semaphore, #tpu.memory_space<semaphore_mem>> -> memref<1x!tpu.dma_semaphore, #tpu.memory_space<semaphore_mem>>
      %dma_wait3A_286 = tpu.memref_squeeze %dma_wait3A_285 : memref<1x!tpu.dma_semaphore, #tpu.memory_space<semaphore_mem>> -> memref<!tpu.dma_semaphore, #tpu.memory_space<semaphore_mem>>
      tpu.wait_indirect_dma semaphore(%dma_wait3A_286 : memref<!tpu.dma_semaphore, #tpu.memory_space<semaphore_mem>>) src(%dma_wait3A_284 : memref<10240x64xf32, #tpu.memory_space<vmem_shared>>) dst(%arg11 : memref<128x64xf32, #tpu.memory_space<vmem>>)
      %dma_start3A_287 = arith.constant 2 : i32
      %dma_start3A_288 = arith.constant 0 : i32
      %dma_start3A_289 = tpu.memref_slice %arg8[%add3A_256, %dma_start3A_288] : memref<81x128xi32, #tpu.memory_space<vmem>> -> memref<1x128xi32, #tpu.memory_space<vmem>>
      %dma_start3A_290 = tpu.memref_squeeze %dma_start3A_289 : memref<1x128xi32, #tpu.memory_space<vmem>> -> memref<128xi32, #tpu.memory_space<vmem>>
      %dma_start3A_291 = arith.constant 0 : i32
      %dma_start3A_292 = arith.constant 0 : i32
      %dma_start3A_293 = tpu.memref_slice %arg13[%dma_start3A_291, %dma_start3A_292] : memref<10240x64xf32, #tpu.memory_space<vmem_shared>> -> memref<10240x64xf32, #tpu.memory_space<vmem_shared>>
      %dma_start3A_294 = tpu.memref_slice %arg15[%dma_start3A_287] : memref<3x!tpu.dma_semaphore, #tpu.memory_space<semaphore_mem>> -> memref<1x!tpu.dma_semaphore, #tpu.memory_space<semaphore_mem>>
      %dma_start3A_295 = tpu.memref_squeeze %dma_start3A_294 : memref<1x!tpu.dma_semaphore, #tpu.memory_space<semaphore_mem>> -> memref<!tpu.dma_semaphore, #tpu.memory_space<semaphore_mem>>
      tpu.enqueue_indirect_dma source(%arg11 : memref<128x64xf32, #tpu.memory_space<vmem>>) target(%dma_start3A_293 : memref<10240x64xf32, #tpu.memory_space<vmem_shared>>) offsets(%dma_start3A_290 : memref<128xi32, #tpu.memory_space<vmem>>) semaphore(%dma_start3A_295 : memref<!tpu.dma_semaphore, #tpu.memory_space<semaphore_mem>>) {add = true}
      %mul3A_296 = arith.constant 3 : i32
      %mul3A_297 = arith.muli %mul3A_296, %scan3A_251 : i32
      %add3A_298 = arith.constant 2 : i32
      %add3A_299 = arith.addi %mul3A_297, %add3A_298 : i32
      %add3A_300 = arith.constant 1 : i32
      %add3A_301 = arith.addi %add3A_299, %add3A_300 : i32
      %sub3A_302 = arith.constant 2 : i32
      %sub3A_303 = arith.subi %add3A_301, %sub3A_302 : i32
      %dma_wait3A_304 = arith.constant 1 : i32
      %dma_wait3A_305 = arith.constant 0 : i32
      %dma_wait3A_306 = tpu.memref_slice %arg8[%sub3A_303, %dma_wait3A_305] : memref<81x128xi32, #tpu.memory_space<vmem>> -> memref<1x128xi32, #tpu.memory_space<vmem>>
      %dma_wait3A_307 = tpu.memref_squeeze %dma_wait3A_306 : memref<1x128xi32, #tpu.memory_space<vmem>> -> memref<128xi32, #tpu.memory_space<vmem>>
      %dma_wait3A_308 = arith.constant 0 : i32
      %dma_wait3A_309 = arith.constant 0 : i32
      %dma_wait3A_310 = tpu.memref_slice %arg13[%dma_wait3A_308, %dma_wait3A_309] : memref<10240x64xf32, #tpu.memory_space<vmem_shared>> -> memref<10240x64xf32, #tpu.memory_space<vmem_shared>>
      %dma_wait3A_311 = tpu.memref_slice %arg15[%dma_wait3A_304] : memref<3x!tpu.dma_semaphore, #tpu.memory_space<semaphore_mem>> -> memref<1x!tpu.dma_semaphore, #tpu.memory_space<semaphore_mem>>
      %dma_wait3A_312 = tpu.memref_squeeze %dma_wait3A_311 : memref<1x!tpu.dma_semaphore, #tpu.memory_space<semaphore_mem>> -> memref<!tpu.dma_semaphore, #tpu.memory_space<semaphore_mem>>
      tpu.wait_indirect_dma semaphore(%dma_wait3A_312 : memref<!tpu.dma_semaphore, #tpu.memory_space<semaphore_mem>>) src(%arg10 : memref<128x64xf32, #tpu.memory_space<vmem>>) dst(%dma_wait3A_310 : memref<10240x64xf32, #tpu.memory_space<vmem_shared>>)
      %add3A_313 = arith.constant 1 : i32
      %add3A_314 = arith.addi %add3A_301, %add3A_313 : i32
      %dma_start3A_315 = arith.constant 1 : i32
      %dma_start3A_316 = arith.constant 0 : i32
      %dma_start3A_317 = tpu.memref_slice %arg7[%add3A_314, %dma_start3A_316] : memref<81x128xi32, #tpu.memory_space<vmem>> -> memref<1x128xi32, #tpu.memory_space<vmem>>
      %dma_start3A_318 = tpu.memref_squeeze %dma_start3A_317 : memref<1x128xi32, #tpu.memory_space<vmem>> -> memref<128xi32, #tpu.memory_space<vmem>>
      %dma_start3A_319 = arith.constant 0 : i32
      %dma_start3A_320 = arith.constant 0 : i32
      %dma_start3A_321 = tpu.memref_slice %arg12[%dma_start3A_319, %dma_start3A_320] : memref<10240x64xf32, #tpu.memory_space<vmem_shared>> -> memref<10240x64xf32, #tpu.memory_space<vmem_shared>>
      %dma_start3A_322 = tpu.memref_slice %arg14[%dma_start3A_315] : memref<3x!tpu.dma_semaphore, #tpu.memory_space<semaphore_mem>> -> memref<1x!tpu.dma_semaphore, #tpu.memory_space<semaphore_mem>>
      %dma_start3A_323 = tpu.memref_squeeze %dma_start3A_322 : memref<1x!tpu.dma_semaphore, #tpu.memory_space<semaphore_mem>> -> memref<!tpu.dma_semaphore, #tpu.memory_space<semaphore_mem>>
      tpu.enqueue_indirect_dma source(%dma_start3A_321 : memref<10240x64xf32, #tpu.memory_space<vmem_shared>>) target(%arg10 : memref<128x64xf32, #tpu.memory_space<vmem>>) offsets(%dma_start3A_318 : memref<128xi32, #tpu.memory_space<vmem>>) semaphore(%dma_start3A_323 : memref<!tpu.dma_semaphore, #tpu.memory_space<semaphore_mem>>)
      %dma_wait3A_324 = arith.constant 0 : i32
      %dma_wait3A_325 = arith.constant 0 : i32
      %dma_wait3A_326 = tpu.memref_slice %arg7[%add3A_301, %dma_wait3A_325] : memref<81x128xi32, #tpu.memory_space<vmem>> -> memref<1x128xi32, #tpu.memory_space<vmem>>
      %dma_wait3A_327 = tpu.memref_squeeze %dma_wait3A_326 : memref<1x128xi32, #tpu.memory_space<vmem>> -> memref<128xi32, #tpu.memory_space<vmem>>
      %dma_wait3A_328 = arith.constant 0 : i32
      %dma_wait3A_329 = arith.constant 0 : i32
      %dma_wait3A_330 = tpu.memref_slice %arg12[%dma_wait3A_328, %dma_wait3A_329] : memref<10240x64xf32, #tpu.memory_space<vmem_shared>> -> memref<10240x64xf32, #tpu.memory_space<vmem_shared>>
      %dma_wait3A_331 = tpu.memref_slice %arg14[%dma_wait3A_324] : memref<3x!tpu.dma_semaphore, #tpu.memory_space<semaphore_mem>> -> memref<1x!tpu.dma_semaphore, #tpu.memory_space<semaphore_mem>>
      %dma_wait3A_332 = tpu.memref_squeeze %dma_wait3A_331 : memref<1x!tpu.dma_semaphore, #tpu.memory_space<semaphore_mem>> -> memref<!tpu.dma_semaphore, #tpu.memory_space<semaphore_mem>>
      tpu.wait_indirect_dma semaphore(%dma_wait3A_332 : memref<!tpu.dma_semaphore, #tpu.memory_space<semaphore_mem>>) src(%dma_wait3A_330 : memref<10240x64xf32, #tpu.memory_space<vmem_shared>>) dst(%arg9 : memref<128x64xf32, #tpu.memory_space<vmem>>)
      %dma_start3A_333 = arith.constant 0 : i32
      %dma_start3A_334 = arith.constant 0 : i32
      %dma_start3A_335 = tpu.memref_slice %arg8[%add3A_301, %dma_start3A_334] : memref<81x128xi32, #tpu.memory_space<vmem>> -> memref<1x128xi32, #tpu.memory_space<vmem>>
      %dma_start3A_336 = tpu.memref_squeeze %dma_start3A_335 : memref<1x128xi32, #tpu.memory_space<vmem>> -> memref<128xi32, #tpu.memory_space<vmem>>
      %dma_start3A_337 = arith.constant 0 : i32
      %dma_start3A_338 = arith.constant 0 : i32
      %dma_start3A_339 = tpu.memref_slice %arg13[%dma_start3A_337, %dma_start3A_338] : memref<10240x64xf32, #tpu.memory_space<vmem_shared>> -> memref<10240x64xf32, #tpu.memory_space<vmem_shared>>
      %dma_start3A_340 = tpu.memref_slice %arg15[%dma_start3A_333] : memref<3x!tpu.dma_semaphore, #tpu.memory_space<semaphore_mem>> -> memref<1x!tpu.dma_semaphore, #tpu.memory_space<semaphore_mem>>
      %dma_start3A_341 = tpu.memref_squeeze %dma_start3A_340 : memref<1x!tpu.dma_semaphore, #tpu.memory_space<semaphore_mem>> -> memref<!tpu.dma_semaphore, #tpu.memory_space<semaphore_mem>>
      tpu.enqueue_indirect_dma source(%arg9 : memref<128x64xf32, #tpu.memory_space<vmem>>) target(%dma_start3A_339 : memref<10240x64xf32, #tpu.memory_space<vmem_shared>>) offsets(%dma_start3A_336 : memref<128xi32, #tpu.memory_space<vmem>>) semaphore(%dma_start3A_341 : memref<!tpu.dma_semaphore, #tpu.memory_space<semaphore_mem>>) {add = true}
      %mul3A_342 = arith.constant 3 : i32
      %mul3A_343 = arith.muli %mul3A_342, %scan3A_251 : i32
      %add3A_344 = arith.constant 2 : i32
      %add3A_345 = arith.addi %mul3A_343, %add3A_344 : i32
      %add3A_346 = arith.constant 2 : i32
      %add3A_347 = arith.addi %add3A_345, %add3A_346 : i32
      %sub3A_348 = arith.constant 2 : i32
      %sub3A_349 = arith.subi %add3A_347, %sub3A_348 : i32
      %dma_wait3A_350 = arith.constant 2 : i32
      %dma_wait3A_351 = arith.constant 0 : i32
      %dma_wait3A_352 = tpu.memref_slice %arg8[%sub3A_349, %dma_wait3A_351] : memref<81x128xi32, #tpu.memory_space<vmem>> -> memref<1x128xi32, #tpu.memory_space<vmem>>
      %dma_wait3A_353 = tpu.memref_squeeze %dma_wait3A_352 : memref<1x128xi32, #tpu.memory_space<vmem>> -> memref<128xi32, #tpu.memory_space<vmem>>
      %dma_wait3A_354 = arith.constant 0 : i32
      %dma_wait3A_355 = arith.constant 0 : i32
      %dma_wait3A_356 = tpu.memref_slice %arg13[%dma_wait3A_354, %dma_wait3A_355] : memref<10240x64xf32, #tpu.memory_space<vmem_shared>> -> memref<10240x64xf32, #tpu.memory_space<vmem_shared>>
      %dma_wait3A_357 = tpu.memref_slice %arg15[%dma_wait3A_350] : memref<3x!tpu.dma_semaphore, #tpu.memory_space<semaphore_mem>> -> memref<1x!tpu.dma_semaphore, #tpu.memory_space<semaphore_mem>>
      %dma_wait3A_358 = tpu.memref_squeeze %dma_wait3A_357 : memref<1x!tpu.dma_semaphore, #tpu.memory_space<semaphore_mem>> -> memref<!tpu.dma_semaphore, #tpu.memory_space<semaphore_mem>>
      tpu.wait_indirect_dma semaphore(%dma_wait3A_358 : memref<!tpu.dma_semaphore, #tpu.memory_space<semaphore_mem>>) src(%arg11 : memref<128x64xf32, #tpu.memory_space<vmem>>) dst(%dma_wait3A_356 : memref<10240x64xf32, #tpu.memory_space<vmem_shared>>)
      %add3A_359 = arith.constant 1 : i32
      %add3A_360 = arith.addi %add3A_347, %add3A_359 : i32
      %dma_start3A_361 = arith.constant 2 : i32
      %dma_start3A_362 = arith.constant 0 : i32
      %dma_start3A_363 = tpu.memref_slice %arg7[%add3A_360, %dma_start3A_362] : memref<81x128xi32, #tpu.memory_space<vmem>> -> memref<1x128xi32, #tpu.memory_space<vmem>>
      %dma_start3A_364 = tpu.memref_squeeze %dma_start3A_363 : memref<1x128xi32, #tpu.memory_space<vmem>> -> memref<128xi32, #tpu.memory_space<vmem>>
      %dma_start3A_365 = arith.constant 0 : i32
      %dma_start3A_366 = arith.constant 0 : i32
      %dma_start3A_367 = tpu.memref_slice %arg12[%dma_start3A_365, %dma_start3A_366] : memref<10240x64xf32, #tpu.memory_space<vmem_shared>> -> memref<10240x64xf32, #tpu.memory_space<vmem_shared>>
      %dma_start3A_368 = tpu.memref_slice %arg14[%dma_start3A_361] : memref<3x!tpu.dma_semaphore, #tpu.memory_space<semaphore_mem>> -> memref<1x!tpu.dma_semaphore, #tpu.memory_space<semaphore_mem>>
      %dma_start3A_369 = tpu.memref_squeeze %dma_start3A_368 : memref<1x!tpu.dma_semaphore, #tpu.memory_space<semaphore_mem>> -> memref<!tpu.dma_semaphore, #tpu.memory_space<semaphore_mem>>
      tpu.enqueue_indirect_dma source(%dma_start3A_367 : memref<10240x64xf32, #tpu.memory_space<vmem_shared>>) target(%arg11 : memref<128x64xf32, #tpu.memory_space<vmem>>) offsets(%dma_start3A_364 : memref<128xi32, #tpu.memory_space<vmem>>) semaphore(%dma_start3A_369 : memref<!tpu.dma_semaphore, #tpu.memory_space<semaphore_mem>>)
      %dma_wait3A_370 = arith.constant 1 : i32
      %dma_wait3A_371 = arith.constant 0 : i32
      %dma_wait3A_372 = tpu.memref_slice %arg7[%add3A_347, %dma_wait3A_371] : memref<81x128xi32, #tpu.memory_space<vmem>> -> memref<1x128xi32, #tpu.memory_space<vmem>>
      %dma_wait3A_373 = tpu.memref_squeeze %dma_wait3A_372 : memref<1x128xi32, #tpu.memory_space<vmem>> -> memref<128xi32, #tpu.memory_space<vmem>>
      %dma_wait3A_374 = arith.constant 0 : i32
      %dma_wait3A_375 = arith.constant 0 : i32
      %dma_wait3A_376 = tpu.memref_slice %arg12[%dma_wait3A_374, %dma_wait3A_375] : memref<10240x64xf32, #tpu.memory_space<vmem_shared>> -> memref<10240x64xf32, #tpu.memory_space<vmem_shared>>
      %dma_wait3A_377 = tpu.memref_slice %arg14[%dma_wait3A_370] : memref<3x!tpu.dma_semaphore, #tpu.memory_space<semaphore_mem>> -> memref<1x!tpu.dma_semaphore, #tpu.memory_space<semaphore_mem>>
      %dma_wait3A_378 = tpu.memref_squeeze %dma_wait3A_377 : memref<1x!tpu.dma_semaphore, #tpu.memory_space<semaphore_mem>> -> memref<!tpu.dma_semaphore, #tpu.memory_space<semaphore_mem>>
      tpu.wait_indirect_dma semaphore(%dma_wait3A_378 : memref<!tpu.dma_semaphore, #tpu.memory_space<semaphore_mem>>) src(%dma_wait3A_376 : memref<10240x64xf32, #tpu.memory_space<vmem_shared>>) dst(%arg10 : memref<128x64xf32, #tpu.memory_space<vmem>>)
      %dma_start3A_379 = arith.constant 1 : i32
      %dma_start3A_380 = arith.constant 0 : i32
      %dma_start3A_381 = tpu.memref_slice %arg8[%add3A_347, %dma_start3A_380] : memref<81x128xi32, #tpu.memory_space<vmem>> -> memref<1x128xi32, #tpu.memory_space<vmem>>
      %dma_start3A_382 = tpu.memref_squeeze %dma_start3A_381 : memref<1x128xi32, #tpu.memory_space<vmem>> -> memref<128xi32, #tpu.memory_space<vmem>>
      %dma_start3A_383 = arith.constant 0 : i32
      %dma_start3A_384 = arith.constant 0 : i32
      %dma_start3A_385 = tpu.memref_slice %arg13[%dma_start3A_383, %dma_start3A_384] : memref<10240x64xf32, #tpu.memory_space<vmem_shared>> -> memref<10240x64xf32, #tpu.memory_space<vmem_shared>>
      %dma_start3A_386 = tpu.memref_slice %arg15[%dma_start3A_379] : memref<3x!tpu.dma_semaphore, #tpu.memory_space<semaphore_mem>> -> memref<1x!tpu.dma_semaphore, #tpu.memory_space<semaphore_mem>>
      %dma_start3A_387 = tpu.memref_squeeze %dma_start3A_386 : memref<1x!tpu.dma_semaphore, #tpu.memory_space<semaphore_mem>> -> memref<!tpu.dma_semaphore, #tpu.memory_space<semaphore_mem>>
      tpu.enqueue_indirect_dma source(%arg10 : memref<128x64xf32, #tpu.memory_space<vmem>>) target(%dma_start3A_385 : memref<10240x64xf32, #tpu.memory_space<vmem_shared>>) offsets(%dma_start3A_382 : memref<128xi32, #tpu.memory_space<vmem>>) semaphore(%dma_start3A_387 : memref<!tpu.dma_semaphore, #tpu.memory_space<semaphore_mem>>) {add = true}
    }
    %scan3A_199 = arith.constant 25 : i32
    %dma_wait3A_200 = arith.constant 75 : i32
    %dma_wait3A_201 = arith.constant 0 : i32
    %dma_wait3A_202 = arith.constant 0 : i32
    %dma_wait3A_203 = tpu.memref_slice %arg8[%dma_wait3A_200, %dma_wait3A_202] : memref<81x128xi32, #tpu.memory_space<vmem>> -> memref<1x128xi32, #tpu.memory_space<vmem>>
    %dma_wait3A_204 = tpu.memref_squeeze %dma_wait3A_203 : memref<1x128xi32, #tpu.memory_space<vmem>> -> memref<128xi32, #tpu.memory_space<vmem>>
    %dma_wait3A_205 = arith.constant 0 : i32
    %dma_wait3A_206 = arith.constant 0 : i32
    %dma_wait3A_207 = tpu.memref_slice %arg13[%dma_wait3A_205, %dma_wait3A_206] : memref<10240x64xf32, #tpu.memory_space<vmem_shared>> -> memref<10240x64xf32, #tpu.memory_space<vmem_shared>>
    %dma_wait3A_208 = tpu.memref_slice %arg15[%dma_wait3A_201] : memref<3x!tpu.dma_semaphore, #tpu.memory_space<semaphore_mem>> -> memref<1x!tpu.dma_semaphore, #tpu.memory_space<semaphore_mem>>
    %dma_wait3A_209 = tpu.memref_squeeze %dma_wait3A_208 : memref<1x!tpu.dma_semaphore, #tpu.memory_space<semaphore_mem>> -> memref<!tpu.dma_semaphore, #tpu.memory_space<semaphore_mem>>
    tpu.wait_indirect_dma semaphore(%dma_wait3A_209 : memref<!tpu.dma_semaphore, #tpu.memory_space<semaphore_mem>>) src(%arg9 : memref<128x64xf32, #tpu.memory_space<vmem>>) dst(%dma_wait3A_207 : memref<10240x64xf32, #tpu.memory_space<vmem_shared>>)
    %dma_wait3A_210 = arith.constant 77 : i32
    %dma_wait3A_211 = arith.constant 2 : i32
    %dma_wait3A_212 = arith.constant 0 : i32
    %dma_wait3A_213 = tpu.memref_slice %arg7[%dma_wait3A_210, %dma_wait3A_212] : memref<81x128xi32, #tpu.memory_space<vmem>> -> memref<1x128xi32, #tpu.memory_space<vmem>>
    %dma_wait3A_214 = tpu.memref_squeeze %dma_wait3A_213 : memref<1x128xi32, #tpu.memory_space<vmem>> -> memref<128xi32, #tpu.memory_space<vmem>>
    %dma_wait3A_215 = arith.constant 0 : i32
    %dma_wait3A_216 = arith.constant 0 : i32
    %dma_wait3A_217 = tpu.memref_slice %arg12[%dma_wait3A_215, %dma_wait3A_216] : memref<10240x64xf32, #tpu.memory_space<vmem_shared>> -> memref<10240x64xf32, #tpu.memory_space<vmem_shared>>
    %dma_wait3A_218 = tpu.memref_slice %arg14[%dma_wait3A_211] : memref<3x!tpu.dma_semaphore, #tpu.memory_space<semaphore_mem>> -> memref<1x!tpu.dma_semaphore, #tpu.memory_space<semaphore_mem>>
    %dma_wait3A_219 = tpu.memref_squeeze %dma_wait3A_218 : memref<1x!tpu.dma_semaphore, #tpu.memory_space<semaphore_mem>> -> memref<!tpu.dma_semaphore, #tpu.memory_space<semaphore_mem>>
    tpu.wait_indirect_dma semaphore(%dma_wait3A_219 : memref<!tpu.dma_semaphore, #tpu.memory_space<semaphore_mem>>) src(%dma_wait3A_217 : memref<10240x64xf32, #tpu.memory_space<vmem_shared>>) dst(%arg11 : memref<128x64xf32, #tpu.memory_space<vmem>>)
    %dma_start3A_220 = arith.constant 77 : i32
    %dma_start3A_221 = arith.constant 2 : i32
    %dma_start3A_222 = arith.constant 0 : i32
    %dma_start3A_223 = tpu.memref_slice %arg8[%dma_start3A_220, %dma_start3A_222] : memref<81x128xi32, #tpu.memory_space<vmem>> -> memref<1x128xi32, #tpu.memory_space<vmem>>
    %dma_start3A_224 = tpu.memref_squeeze %dma_start3A_223 : memref<1x128xi32, #tpu.memory_space<vmem>> -> memref<128xi32, #tpu.memory_space<vmem>>
    %dma_start3A_225 = arith.constant 0 : i32
    %dma_start3A_226 = arith.constant 0 : i32
    %dma_start3A_227 = tpu.memref_slice %arg13[%dma_start3A_225, %dma_start3A_226] : memref<10240x64xf32, #tpu.memory_space<vmem_shared>> -> memref<10240x64xf32, #tpu.memory_space<vmem_shared>>
    %dma_start3A_228 = tpu.memref_slice %arg15[%dma_start3A_221] : memref<3x!tpu.dma_semaphore, #tpu.memory_space<semaphore_mem>> -> memref<1x!tpu.dma_semaphore, #tpu.memory_space<semaphore_mem>>
    %dma_start3A_229 = tpu.memref_squeeze %dma_start3A_228 : memref<1x!tpu.dma_semaphore, #tpu.memory_space<semaphore_mem>> -> memref<!tpu.dma_semaphore, #tpu.memory_space<semaphore_mem>>
    tpu.enqueue_indirect_dma source(%arg11 : memref<128x64xf32, #tpu.memory_space<vmem>>) target(%dma_start3A_227 : memref<10240x64xf32, #tpu.memory_space<vmem_shared>>) offsets(%dma_start3A_224 : memref<128xi32, #tpu.memory_space<vmem>>) semaphore(%dma_start3A_229 : memref<!tpu.dma_semaphore, #tpu.memory_space<semaphore_mem>>) {add = true}
    %dma_wait3A_230 = arith.constant 76 : i32
    %dma_wait3A_231 = arith.constant 1 : i32
    %dma_wait3A_232 = arith.constant 0 : i32
    %dma_wait3A_233 = tpu.memref_slice %arg8[%dma_wait3A_230, %dma_wait3A_232] : memref<81x128xi32, #tpu.memory_space<vmem>> -> memref<1x128xi32, #tpu.memory_space<vmem>>
    %dma_wait3A_234 = tpu.memref_squeeze %dma_wait3A_233 : memref<1x128xi32, #tpu.memory_space<vmem>> -> memref<128xi32, #tpu.memory_space<vmem>>
    %dma_wait3A_235 = arith.constant 0 : i32
    %dma_wait3A_236 = arith.constant 0 : i32
    %dma_wait3A_237 = tpu.memref_slice %arg13[%dma_wait3A_235, %dma_wait3A_236] : memref<10240x64xf32, #tpu.memory_space<vmem_shared>> -> memref<10240x64xf32, #tpu.memory_space<vmem_shared>>
    %dma_wait3A_238 = tpu.memref_slice %arg15[%dma_wait3A_231] : memref<3x!tpu.dma_semaphore, #tpu.memory_space<semaphore_mem>> -> memref<1x!tpu.dma_semaphore, #tpu.memory_space<semaphore_mem>>
    %dma_wait3A_239 = tpu.memref_squeeze %dma_wait3A_238 : memref<1x!tpu.dma_semaphore, #tpu.memory_space<semaphore_mem>> -> memref<!tpu.dma_semaphore, #tpu.memory_space<semaphore_mem>>
    tpu.wait_indirect_dma semaphore(%dma_wait3A_239 : memref<!tpu.dma_semaphore, #tpu.memory_space<semaphore_mem>>) src(%arg10 : memref<128x64xf32, #tpu.memory_space<vmem>>) dst(%dma_wait3A_237 : memref<10240x64xf32, #tpu.memory_space<vmem_shared>>)
    %dma_wait3A_240 = arith.constant 77 : i32
    %dma_wait3A_241 = arith.constant 2 : i32
    %dma_wait3A_242 = arith.constant 0 : i32
    %dma_wait3A_243 = tpu.memref_slice %arg8[%dma_wait3A_240, %dma_wait3A_242] : memref<81x128xi32, #tpu.memory_space<vmem>> -> memref<1x128xi32, #tpu.memory_space<vmem>>
    %dma_wait3A_244 = tpu.memref_squeeze %dma_wait3A_243 : memref<1x128xi32, #tpu.memory_space<vmem>> -> memref<128xi32, #tpu.memory_space<vmem>>
    %dma_wait3A_245 = arith.constant 0 : i32
    %dma_wait3A_246 = arith.constant 0 : i32
    %dma_wait3A_247 = tpu.memref_slice %arg13[%dma_wait3A_245, %dma_wait3A_246] : memref<10240x64xf32, #tpu.memory_space<vmem_shared>> -> memref<10240x64xf32, #tpu.memory_space<vmem_shared>>
    %dma_wait3A_248 = tpu.memref_slice %arg15[%dma_wait3A_241] : memref<3x!tpu.dma_semaphore, #tpu.memory_space<semaphore_mem>> -> memref<1x!tpu.dma_semaphore, #tpu.memory_space<semaphore_mem>>
    %dma_wait3A_249 = tpu.memref_squeeze %dma_wait3A_248 : memref<1x!tpu.dma_semaphore, #tpu.memory_space<semaphore_mem>> -> memref<!tpu.dma_semaphore, #tpu.memory_space<semaphore_mem>>
    tpu.wait_indirect_dma semaphore(%dma_wait3A_249 : memref<!tpu.dma_semaphore, #tpu.memory_space<semaphore_mem>>) src(%arg11 : memref<128x64xf32, #tpu.memory_space<vmem>>) dst(%dma_wait3A_247 : memref<10240x64xf32, #tpu.memory_space<vmem_shared>>)
    %barrier3A_250 = arith.constant 0 : index
    tpu.barrier barrier_id(%barrier3A_250)
    "tpu.region"() ({
      %run_scoped3A = tpu.sem_alloc : memref<!tpu.dma_semaphore, #tpu.memory_space<semaphore_mem>>
      %dma_start3A_251 = arith.constant 0 : i32
      %dma_start3A_252 = tpu.memref_slice %arg6[%arg0, %mul3A_0, %dma_start3A_251] : memref<2x10240x64xf32, #tpu.memory_space<hbm>> -> memref<1x640x64xf32, #tpu.memory_space<hbm>>
      %dma_start3A_253 = tpu.memref_squeeze %dma_start3A_252 : memref<1x640x64xf32, #tpu.memory_space<hbm>> -> memref<640x64xf32, #tpu.memory_space<hbm>>
      %dma_start3A_254 = arith.constant 0 : i32
      %dma_start3A_255 = tpu.memref_slice %arg13[%mul3A_0, %dma_start3A_254] : memref<10240x64xf32, #tpu.memory_space<vmem_shared>> -> memref<640x64xf32, #tpu.memory_space<vmem_shared>>
      tpu.enqueue_dma source(%dma_start3A_255 : memref<640x64xf32, #tpu.memory_space<vmem_shared>>) target(%dma_start3A_253 : memref<640x64xf32, #tpu.memory_space<hbm>>) target_semaphore(%run_scoped3A : memref<!tpu.dma_semaphore, #tpu.memory_space<semaphore_mem>>)
      %dma_wait3A_256 = arith.constant 0 : i32
      %dma_wait3A_257 = tpu.memref_slice %arg6[%arg0, %mul3A_0, %dma_wait3A_256] : memref<2x10240x64xf32, #tpu.memory_space<hbm>> -> memref<1x640x64xf32, #tpu.memory_space<hbm>>
      %dma_wait3A_258 = tpu.memref_squeeze %dma_wait3A_257 : memref<1x640x64xf32, #tpu.memory_space<hbm>> -> memref<640x64xf32, #tpu.memory_space<hbm>>
      %dma_wait3A_259 = arith.constant 0 : i32
      %dma_wait3A_260 = tpu.memref_slice %arg13[%mul3A_0, %dma_wait3A_259] : memref<10240x64xf32, #tpu.memory_space<vmem_shared>> -> memref<640x64xf32, #tpu.memory_space<vmem_shared>>
      tpu.wait_dma2 semaphore(%run_scoped3A : memref<!tpu.dma_semaphore, #tpu.memory_space<semaphore_mem>>) src(%dma_wait3A_260 : memref<640x64xf32, #tpu.memory_space<vmem_shared>>) dst(%dma_wait3A_258 : memref<640x64xf32, #tpu.memory_space<hbm>>)
      tpu.yield
    }) : () -> ()
    return
  }
}

module attributes {stable_mosaic.version = 14 : i64} {
  func.func @_tc0_body(%arg0: memref<10240x128xf32, #tpu.memory_space<vmem>>, %arg1: memref<128x128xf32, #tpu.memory_space<vmem>>, %arg2: memref<10240x128xf32, #tpu.memory_space<vmem>>) attributes {dimension_semantics = [], scalar_prefetch = 0 : i64, scratch_operands = 0 : i64, tpu.core_type = #tpu.core_type<tc>} {
    %get3A = arith.constant 0 : index
    %get3A_0 = arith.constant 0 : index
    %get3A_1 = vector.load %arg0[%get3A, %get3A_0] : memref<10240x128xf32, #tpu.memory_space<vmem>>, vector<10240x128xf32>
    %get3A_2 = arith.constant 0 : index
    %get3A_3 = arith.constant 0 : index
    %get3A_4 = vector.load %arg1[%get3A_2, %get3A_3] : memref<128x128xf32, #tpu.memory_space<vmem>>, vector<128x128xf32>
    %dot_general3A = arith.constant dense<0.000000e+00> : vector<10240x128xf32>
    %dot_general3A_5 = tpu.matmul %get3A_1, %get3A_4, %dot_general3A {dimension_numbers = #tpu.dot_dimension_numbers<[1], [0], [0], [1], [0, 0, 1, 1], [], []>, transpose_lhs_hint = false} : vector<10240x128xf32>, vector<128x128xf32>, vector<10240x128xf32> -> vector<10240x128xf32>
    %swap3A = arith.constant 0 : index
    %swap3A_6 = arith.constant 0 : index
    %swap3A_7 = vector.load %arg2[%swap3A, %swap3A_6] : memref<10240x128xf32, #tpu.memory_space<vmem>>, vector<10240x128xf32>
    tpu.vector_store %arg2[%swap3A, %swap3A_6], %dot_general3A_5 {strides = array<i32>} : memref<10240x128xf32, #tpu.memory_space<vmem>>, vector<10240x128xf32>,
    return
  }
}

module attributes {stable_mosaic.version = 14 : i64} {
  func.func @_tc1_body(%arg0: memref<2x10240xf32, #tpu.memory_space<vmem>>, %arg1: memref<10240x128xf32, #tpu.memory_space<vmem>>, %arg2: memref<10240xf32, #tpu.memory_space<vmem>>, %arg3: memref<2x10240x64xf32, #tpu.memory_space<vmem>>) attributes {dimension_semantics = [], scalar_prefetch = 0 : i64, scratch_operands = 0 : i64, tpu.core_type = #tpu.core_type<tc>} {
    %get3A = arith.constant 0 : index
    %get3A_0 = arith.constant 0 : index
    %get3A_1 = vector.load %arg0[%get3A, %get3A_0] : memref<2x10240xf32, #tpu.memory_space<vmem>>, vector<1x10240xf32>
    %get3A_2 = vector.shape_cast %get3A_1 : vector<1x10240xf32> to vector<10240xf32>
    %get3A_3 = arith.constant 1 : index
    %get3A_4 = arith.constant 0 : index
    %get3A_5 = vector.load %arg0[%get3A_3, %get3A_4] : memref<2x10240xf32, #tpu.memory_space<vmem>>, vector<1x10240xf32>
    %get3A_6 = vector.shape_cast %get3A_5 : vector<1x10240xf32> to vector<10240xf32>
    %add3A = arith.addf %get3A_2, %get3A_6 : vector<10240xf32>
    %add3A_7 = arith.constant 1.000000e+00 : f32
    %add3A_8 = vector.broadcast %add3A_7 : f32 to vector<10240xf32>
    %add3A_9 = arith.addf %add3A, %add3A_8 : vector<10240xf32>
    %rsqrt3A = math.rsqrt %add3A_9 : vector<10240xf32>
    %swap3A = arith.constant 0 : index
    %swap3A_10 = vector.load %arg2[%swap3A] : memref<10240xf32, #tpu.memory_space<vmem>>, vector<10240xf32>
    tpu.vector_store %arg2[%swap3A], %rsqrt3A {strides = array<i32>} : memref<10240xf32, #tpu.memory_space<vmem>>, vector<10240xf32>,
    %get3A_11 = arith.constant 0 : index
    %get3A_12 = arith.constant 0 : index
    %get3A_13 = vector.load %arg1[%get3A_11, %get3A_12] : memref<10240x128xf32, #tpu.memory_space<vmem>>, vector<10240x128xf32>
    %broadcast_in_dim3A = vector.shape_cast %rsqrt3A : vector<10240xf32> to vector<10240x1xf32>
    %mul3A = vector.broadcast %broadcast_in_dim3A : vector<10240x1xf32> to vector<10240x128xf32>
    %mul3A_14 = arith.mulf %get3A_13, %mul3A : vector<10240x128xf32>
    %slice3A = vector.extract_strided_slice %mul3A_14 {offsets = [0, 0], sizes = [10240, 64], strides = [1, 1]} : vector<10240x128xf32> to vector<10240x64xf32>
    %slice3A_15 = vector.extract_strided_slice %mul3A_14 {offsets = [0, 64], sizes = [10240, 64], strides = [1, 1]} : vector<10240x128xf32> to vector<10240x64xf32>
    %stack3A = vector.shape_cast %slice3A : vector<10240x64xf32> to vector<1x10240x64xf32>
    %stack3A_16 = vector.shape_cast %slice3A_15 : vector<10240x64xf32> to vector<1x10240x64xf32>
    %stack3A_17 = tpu.concatenate %stack3A, %stack3A_16 in 0 : vector<1x10240x64xf32>, vector<1x10240x64xf32> -> vector<2x10240x64xf32>
    %swap3A_18 = arith.constant 0 : index
    %swap3A_19 = arith.constant 0 : index
    %swap3A_20 = arith.constant 0 : index
    %swap3A_21 = vector.load %arg3[%swap3A_18, %swap3A_19, %swap3A_20] : memref<2x10240x64xf32, #tpu.memory_space<vmem>>, vector<2x10240x64xf32>
    tpu.vector_store %arg3[%swap3A_18, %swap3A_19, %swap3A_20], %stack3A_17 {strides = array<i32>} : memref<2x10240x64xf32, #tpu.memory_space<vmem>>, vector<2x10240x64xf32>,
    return
  }
}

module attributes {stable_mosaic.version = 14 : i64} {
  func.func @_tc2_body(%arg0: memref<2x10240x64xf32, #tpu.memory_space<vmem>>, %arg1: memref<2x10240x64xf32, #tpu.memory_space<vmem>>, %arg2: memref<10240xf32, #tpu.memory_space<vmem>>, %arg3: memref<128xf32, #tpu.memory_space<vmem>>, %arg4: memref<128x128xf32, #tpu.memory_space<vmem>>, %arg5: memref<2x10240x64xf32, #tpu.memory_space<vmem>>) attributes {dimension_semantics = [], scalar_prefetch = 0 : i64, scratch_operands = 0 : i64, tpu.core_type = #tpu.core_type<tc>} {
    %get3A = arith.constant 0 : index
    %get3A_0 = arith.constant 0 : index
    %get3A_1 = arith.constant 0 : index
    %get3A_2 = vector.load %arg0[%get3A, %get3A_0, %get3A_1] : memref<2x10240x64xf32, #tpu.memory_space<vmem>>, vector<2x10240x64xf32>
    %get3A_3 = arith.constant 0 : index
    %get3A_4 = arith.constant 0 : index
    %get3A_5 = arith.constant 0 : index
    %get3A_6 = vector.load %arg1[%get3A_3, %get3A_4, %get3A_5] : memref<2x10240x64xf32, #tpu.memory_space<vmem>>, vector<2x10240x64xf32>
    %add3A = arith.addf %get3A_2, %get3A_6 : vector<2x10240x64xf32>
    %slice3A = vector.extract_strided_slice %add3A {offsets = [0, 0, 0], sizes = [1, 10240, 64], strides = [1, 1, 1]} : vector<2x10240x64xf32> to vector<1x10240x64xf32>
    %squeeze3A = vector.shape_cast %slice3A : vector<1x10240x64xf32> to vector<10240x64xf32>
    %slice3A_7 = vector.extract_strided_slice %add3A {offsets = [1, 0, 0], sizes = [1, 10240, 64], strides = [1, 1, 1]} : vector<2x10240x64xf32> to vector<1x10240x64xf32>
    %squeeze3A_8 = vector.shape_cast %slice3A_7 : vector<1x10240x64xf32> to vector<10240x64xf32>
    %concatenate3A = tpu.concatenate %squeeze3A, %squeeze3A_8 in 1 : vector<10240x64xf32>, vector<10240x64xf32> -> vector<10240x128xf32>
    %get3A_9 = arith.constant 0 : index
    %get3A_10 = vector.load %arg2[%get3A_9] : memref<10240xf32, #tpu.memory_space<vmem>>, vector<10240xf32>
    %broadcast_in_dim3A = vector.shape_cast %get3A_10 : vector<10240xf32> to vector<10240x1xf32>
    %mul3A = vector.broadcast %broadcast_in_dim3A : vector<10240x1xf32> to vector<10240x128xf32>
    %mul3A_11 = arith.mulf %concatenate3A, %mul3A : vector<10240x128xf32>
    %get3A_12 = arith.constant 0 : index
    %get3A_13 = vector.load %arg3[%get3A_12] : memref<128xf32, #tpu.memory_space<vmem>>, vector<128xf32>
    %broadcast_in_dim3A_14 = vector.shape_cast %get3A_13 : vector<128xf32> to vector<1x128xf32>
    %add3A_15 = vector.broadcast %broadcast_in_dim3A_14 : vector<1x128xf32> to vector<10240x128xf32>
    %add3A_16 = arith.addf %mul3A_11, %add3A_15 : vector<10240x128xf32>
    %max3A = arith.constant 0.000000e+00 : f32
    %max3A_17 = vector.broadcast %max3A : f32 to vector<10240x128xf32>
    %max3A_18 = arith.maximumf %add3A_16, %max3A_17 : vector<10240x128xf32>
    %get3A_19 = arith.constant 0 : index
    %get3A_20 = arith.constant 0 : index
    %get3A_21 = vector.load %arg4[%get3A_19, %get3A_20] : memref<128x128xf32, #tpu.memory_space<vmem>>, vector<128x128xf32>
    %dot_general3A = arith.constant dense<0.000000e+00> : vector<10240x128xf32>
    %dot_general3A_22 = tpu.matmul %max3A_18, %get3A_21, %dot_general3A {dimension_numbers = #tpu.dot_dimension_numbers<[1], [0], [0], [1], [0, 0, 1, 1], [], []>, transpose_lhs_hint = false} : vector<10240x128xf32>, vector<128x128xf32>, vector<10240x128xf32> -> vector<10240x128xf32>
    %broadcast_in_dim3A_23 = vector.shape_cast %get3A_10 : vector<10240xf32> to vector<10240x1xf32>
    %mul3A_24 = vector.broadcast %broadcast_in_dim3A_23 : vector<10240x1xf32> to vector<10240x128xf32>
    %mul3A_25 = arith.mulf %dot_general3A_22, %mul3A_24 : vector<10240x128xf32>
    %slice3A_26 = vector.extract_strided_slice %mul3A_25 {offsets = [0, 0], sizes = [10240, 64], strides = [1, 1]} : vector<10240x128xf32> to vector<10240x64xf32>
    %slice3A_27 = vector.extract_strided_slice %mul3A_25 {offsets = [0, 64], sizes = [10240, 64], strides = [1, 1]} : vector<10240x128xf32> to vector<10240x64xf32>
    %stack3A = vector.shape_cast %slice3A_26 : vector<10240x64xf32> to vector<1x10240x64xf32>
    %stack3A_28 = vector.shape_cast %slice3A_27 : vector<10240x64xf32> to vector<1x10240x64xf32>
    %stack3A_29 = tpu.concatenate %stack3A, %stack3A_28 in 0 : vector<1x10240x64xf32>, vector<1x10240x64xf32> -> vector<2x10240x64xf32>
    %swap3A = arith.constant 0 : index
    %swap3A_30 = arith.constant 0 : index
    %swap3A_31 = arith.constant 0 : index
    %swap3A_32 = vector.load %arg5[%swap3A, %swap3A_30, %swap3A_31] : memref<2x10240x64xf32, #tpu.memory_space<vmem>>, vector<2x10240x64xf32>
    tpu.vector_store %arg5[%swap3A, %swap3A_30, %swap3A_31], %stack3A_29 {strides = array<i32>} : memref<2x10240x64xf32, #tpu.memory_space<vmem>>, vector<2x10240x64xf32>,
    return
  }
}

module attributes {stable_mosaic.version = 14 : i64} {
  func.func @_tc3_body(%arg0: memref<2x10240x64xf32, #tpu.memory_space<vmem>>, %arg1: memref<2x10240x64xf32, #tpu.memory_space<vmem>>, %arg2: memref<10240xf32, #tpu.memory_space<vmem>>, %arg3: memref<128xf32, #tpu.memory_space<vmem>>, %arg4: memref<10240xi32, #tpu.memory_space<vmem>>, %arg5: memref<128x32xf32, #tpu.memory_space<vmem>>, %arg6: memref<32xf32, #tpu.memory_space<vmem>>, %arg7: memref<128x32xf32, #tpu.memory_space<vmem>>) attributes {dimension_semantics = [], scalar_prefetch = 0 : i64, scratch_operands = 0 : i64, tpu.core_type = #tpu.core_type<tc>} {
    %get3A = arith.constant 0 : index
    %get3A_0 = arith.constant 0 : index
    %get3A_1 = arith.constant 0 : index
    %get3A_2 = vector.load %arg0[%get3A, %get3A_0, %get3A_1] : memref<2x10240x64xf32, #tpu.memory_space<vmem>>, vector<2x10240x64xf32>
    %get3A_3 = arith.constant 0 : index
    %get3A_4 = arith.constant 0 : index
    %get3A_5 = arith.constant 0 : index
    %get3A_6 = vector.load %arg1[%get3A_3, %get3A_4, %get3A_5] : memref<2x10240x64xf32, #tpu.memory_space<vmem>>, vector<2x10240x64xf32>
    %add3A = arith.addf %get3A_2, %get3A_6 : vector<2x10240x64xf32>
    %slice3A = vector.extract_strided_slice %add3A {offsets = [0, 0, 0], sizes = [1, 10240, 64], strides = [1, 1, 1]} : vector<2x10240x64xf32> to vector<1x10240x64xf32>
    %squeeze3A = vector.shape_cast %slice3A : vector<1x10240x64xf32> to vector<10240x64xf32>
    %slice3A_7 = vector.extract_strided_slice %add3A {offsets = [1, 0, 0], sizes = [1, 10240, 64], strides = [1, 1, 1]} : vector<2x10240x64xf32> to vector<1x10240x64xf32>
    %squeeze3A_8 = vector.shape_cast %slice3A_7 : vector<1x10240x64xf32> to vector<10240x64xf32>
    %concatenate3A = tpu.concatenate %squeeze3A, %squeeze3A_8 in 1 : vector<10240x64xf32>, vector<10240x64xf32> -> vector<10240x128xf32>
    %get3A_9 = arith.constant 0 : index
    %get3A_10 = vector.load %arg2[%get3A_9] : memref<10240xf32, #tpu.memory_space<vmem>>, vector<10240xf32>
    %broadcast_in_dim3A = vector.shape_cast %get3A_10 : vector<10240xf32> to vector<10240x1xf32>
    %mul3A = vector.broadcast %broadcast_in_dim3A : vector<10240x1xf32> to vector<10240x128xf32>
    %mul3A_11 = arith.mulf %concatenate3A, %mul3A : vector<10240x128xf32>
    %get3A_12 = arith.constant 0 : index
    %get3A_13 = vector.load %arg3[%get3A_12] : memref<128xf32, #tpu.memory_space<vmem>>, vector<128xf32>
    %broadcast_in_dim3A_14 = vector.shape_cast %get3A_13 : vector<128xf32> to vector<1x128xf32>
    %add3A_15 = vector.broadcast %broadcast_in_dim3A_14 : vector<1x128xf32> to vector<10240x128xf32>
    %add3A_16 = arith.addf %mul3A_11, %add3A_15 : vector<10240x128xf32>
    %max3A = arith.constant 0.000000e+00 : f32
    %max3A_17 = vector.broadcast %max3A : f32 to vector<10240x128xf32>
    %max3A_18 = arith.maximumf %add3A_16, %max3A_17 : vector<10240x128xf32>
    %iota3A = tpu.iota {dimensions = array<i32: 0>} : vector<128x10240xi32>
    %get3A_19 = arith.constant 0 : index
    %get3A_20 = vector.load %arg4[%get3A_19] : memref<10240xi32, #tpu.memory_space<vmem>>, vector<10240xi32>
    %broadcast_in_dim3A_21 = vector.shape_cast %get3A_20 : vector<10240xi32> to vector<1x10240xi32>
    %eq3A = vector.broadcast %broadcast_in_dim3A_21 : vector<1x10240xi32> to vector<128x10240xi32>
    %eq3A_22 = arith.cmpi eq, %eq3A, %iota3A : vector<128x10240xi32>
    %convert_element_type3A = arith.extui %eq3A_22 : vector<128x10240xi1> to vector<128x10240xi32>
    %convert_element_type3A_23 = arith.sitofp %convert_element_type3A : vector<128x10240xi32> to vector<128x10240xf32>
    %dot_general3A = arith.constant dense<0.000000e+00> : vector<128x128xf32>
    %dot_general3A_24 = tpu.matmul %convert_element_type3A_23, %max3A_18, %dot_general3A {dimension_numbers = #tpu.dot_dimension_numbers<[1], [0], [0], [1], [0, 0, 1, 1], [], []>, transpose_lhs_hint = false} : vector<128x10240xf32>, vector<10240x128xf32>, vector<128x128xf32> -> vector<128x128xf32>
    %reduce_sum3A = arith.constant dense<0.000000e+00> : vector<128xf32>
    %reduce_sum3A_25 = vector.multi_reduction <add>, %convert_element_type3A_23, %reduce_sum3A [1] : vector<128x10240xf32> to vector<128xf32>
    %max3A_26 = arith.constant 1.000000e+00 : f32
    %max3A_27 = vector.broadcast %max3A_26 : f32 to vector<128xf32>
    %max3A_28 = arith.maximumf %reduce_sum3A_25, %max3A_27 : vector<128xf32>
    %broadcast_in_dim3A_29 = vector.shape_cast %max3A_28 : vector<128xf32> to vector<128x1xf32>
    %div3A = vector.broadcast %broadcast_in_dim3A_29 : vector<128x1xf32> to vector<128x128xf32>
    %div3A_30 = arith.divf %dot_general3A_24, %div3A : vector<128x128xf32>
    %get3A_31 = arith.constant 0 : index
    %get3A_32 = arith.constant 0 : index
    %get3A_33 = vector.load %arg5[%get3A_31, %get3A_32] : memref<128x32xf32, #tpu.memory_space<vmem>>, vector<128x32xf32>
    %dot_general3A_34 = arith.constant dense<0.000000e+00> : vector<128x32xf32>
    %dot_general3A_35 = tpu.matmul %div3A_30, %get3A_33, %dot_general3A_34 {dimension_numbers = #tpu.dot_dimension_numbers<[1], [0], [0], [1], [0, 0, 1, 1], [], []>, transpose_lhs_hint = false} : vector<128x128xf32>, vector<128x32xf32>, vector<128x32xf32> -> vector<128x32xf32>
    %get3A_36 = arith.constant 0 : index
    %get3A_37 = vector.load %arg6[%get3A_36] : memref<32xf32, #tpu.memory_space<vmem>>, vector<32xf32>
    %broadcast_in_dim3A_38 = vector.shape_cast %get3A_37 : vector<32xf32> to vector<1x32xf32>
    %add3A_39 = vector.broadcast %broadcast_in_dim3A_38 : vector<1x32xf32> to vector<128x32xf32>
    %add3A_40 = arith.addf %dot_general3A_35, %add3A_39 : vector<128x32xf32>
    %swap3A = arith.constant 0 : index
    %swap3A_41 = arith.constant 0 : index
    %swap3A_42 = vector.load %arg7[%swap3A, %swap3A_41] : memref<128x32xf32, #tpu.memory_space<vmem>>, vector<128x32xf32>
    tpu.vector_store %arg7[%swap3A, %swap3A_41], %add3A_40 {strides = array<i32>} : memref<128x32xf32, #tpu.memory_space<vmem>>, vector<128x32xf32>,
    return
  }
}

</mosaic_0001>

<sc_bundles>
// kernel: kernel.12.cloned.1.call-start
scs
__scs_entry_jumppad:
0x0: {  	(pc) =	sbr.rel $0x88, $3  }
0x1: {  	(tag) =	ssettag $0x0;
	lr =	simm.s32 $0x1  }
0x2: {  	[smem:$0x3F98] =	sst lr;
	_ =	strace $0xD0000000  }
0x3: {  	_ = 	snop  }
0x4: {  	_ = 	snop  }
0x5: {  	_ = 	snop  }
0x6: {  	_ = 	snop  }
0x7: {  	_ = 	snop  }
__scs_overlays_trampoline_lowered:
0x8: {  	[smem:$0x3FA7] =	sst s0  }
0x9: {  	[smem:$0x3FA8] =	sst s1  }
0xa: {  	[smem:$0x3FA9] =	sst s2  }
0xb: {  	[smem:$0x3FAA] =	sst s3  }
0xc: {  	[smem:$0x3FAB] =	sst s4  }
0xd: {  	[smem:$0x3FAC] =	sst s5  }
0xe: {  	[smem:$0x3FAD] =	sst s6  }
0xf: {  	[smem:$0x3FAE] =	sst s7  }
0x10: {  	[smem:$0x3FAF] =	sst s8  }
0x11: {  	[smem:$0x3FB0] =	sst s9;
	s0 =	simm.s32 @!p0 $0x0  }
0x12: {  	s1 =	sld [smem:$0x3F96];
	s0 =	simm.s32 @p0 $0x1  }
0x13: {  	[smem:$0x3FB1] =	sst s0;
	s0 =	simm.s32 @!p1 $0x0  }
0x14: {  	s2 =	sld [smem:$0x3F95];
	s0 =	simm.s32 @p1 $0x1  }
0x15: {  	[smem:$0x3FB2] =	sst s0;
	s0 =	simm.s32 @!p2 $0x0  }
0x16: {  	s3 =	sld [smem:$0x3FDB];
	s0 =	simm.s32 @p2 $0x1  }
0x17: {  	s4 =	simm.s32 $0x1BF5;
	[smem:$0x3FB4] =	sst s0  }
0x18: {  	s0 =	sld [smem:$0x3F97];
	_ =	swait.ge [sflag:s4], $0x0  }
0x19: {  	s7 =	sld [smem:$0x3F98]  }
0x1a: {  	s8 =	sadd.s32 $0xFFFFE003, lr  }
0x1b: {  	s9 =	sadd.s32 $0xFFFFFEF7, lr;
	s5 =	simm.s32 $0xFFFFFFFF;
	p2 =	slt.u32 s8, $0xFFFFF086  }
0x1c: {  	p1 =	slt.u32 s9, $0xF7A;
	s5 =	simm.s32 @!p2 $0x0  }
0x1d: {  	s5 =	simm.s32 @p1 $0x1;
	p0 =	seq.s32 s7, s2  }
0x1e: {  	s7 =	smul.u32 @!p0 $0xF7A, s2;
	p2 =	seq.s32 @!p0 s5, $0x0  }
0x1f: {  	s9 =	smul.u32 $0xF7A, s1;
	s8 =	simm.s32 @!p0 $0x1BF5;
	p2 =	por !p2, p0  }
0x20: {  	[sflag:s8] =	ssyncset.s32 @!p0 $0xFFFFF086;
	s6 =	sadd.s32 @!p0 s3, s7;
	s7 =	simm.s32 @!p0 $0x108  }
0x21: {  	s3 =	sadd.s32 s3, s9;
	s6 =	sadd.s32 @!p0 $0x88, s6;
	s7 =	simm.s32 @p2 $0x1082  }
0x22: {  	[simem:s7], [sflag:s8] =	dma.local @!p0 [hbm:s6], $0xF7A  }
0x23: {  	s9 =	sor.u32 $0xD0000000, s2;
	s6 =	simm.s32 $0x108;
	_ =	swait.ge @!p0 [sflag:s8], $0x0  }
0x24: {  	s3 =	sadd.s32 $0x88, s3;
	s6 =	simm.s32 @!p1 $0x1082;
	[sflag:s4] =	ssyncset.s32 $0xFFFFF086  }
0x25: {  	[simem:s6], [sflag:s4] =	dma.local [hbm:s3], $0xF7A  }
0x26: {  	[smem:$0x3F98] =	sst s1;
	(tag) =	ssettag s2;
	_ =	strace s9  }
0x27: {  	s1 =	sld [smem:$0x3FA8]  }
0x28: {  	s2 =	sld [smem:$0x3FA9]  }
0x29: {  	s4 =	sld [smem:$0x3FAB]  }
0x2a: {  	p0 =	seq.s32 s5, $0x0;
	s5 =	sld [smem:$0x3FAC]  }
0x2b: {  	s6 =	sld [smem:$0x3FAD]  }
0x2c: {  	s7 =	sld [smem:$0x3FAE]  }
0x2d: {  	s3 =	simm.s32 $0x108;
	s8 =	sld [smem:$0x3FAF]  }
0x2e: {  	s3 =	simm.s32 @!p0 $0x1082;
	s9 =	sld [smem:$0x3FB0]  }
0x2f: {  	lr =	sadd.s32 s0, s3;
	s0 =	sld [smem:$0x3FA7]  }
0x30: {  	s3 =	sld [smem:$0x3FAA]  }
0x31: {  	[smem:$0x3FB3] =	sst s10  }
0x32: {  	s10 =	sld [smem:$0x3FB1];
	_ =	sdelay $0x3  }
0x33: {  	p0 =	seq.s32 s10, $0x1;
	s10 =	sld [smem:$0x3FB3];
	_ =	sdelay $0x3  }
0x34: {  	[smem:$0x3FB3] =	sst s10  }
0x35: {  	s10 =	sld [smem:$0x3FB2];
	_ =	sdelay $0x3  }
0x36: {  	p1 =	seq.s32 s10, $0x1;
	s10 =	sld [smem:$0x3FB3];
	_ =	sdelay $0x3  }
0x37: {  	[smem:$0x3FB3] =	sst s10  }
0x38: {  	s10 =	sld [smem:$0x3FB4]  }
0x39: {  	_ = 	snop;
	(pc) =	sbr.ind lr, $3  }
0x3a: {  	_ = 	snop  }
0x3b: {  	_ = 	snop  }
0x3c: {  	p2 =	seq.s32 s10, $0x1;
	s10 =	sld [smem:$0x3FB3]  }
0x3d: {  	_ =	shalt  }
0x3e: {  	_ =	shalt  }
0x3f: {  	_ =	shalt  }
0x40: {  	_ =	shalt  }
0x41: {  	_ =	shalt  }
0x42: {  	_ =	shalt  }
0x43: {  	_ =	shalt  }
0x44: {  	_ =	shalt  }
0x45: {  	_ =	shalt  }
0x46: {  	_ =	shalt  }
0x47: {  	_ =	shalt  }
0x48: {  	_ =	shalt  }
0x49: {  	_ =	shalt  }
0x4a: {  	_ =	shalt  }
0x4b: {  	_ =	shalt  }
0x4c: {  	_ =	shalt  }
0x4d: {  	_ =	shalt  }
0x4e: {  	_ =	shalt  }
0x4f: {  	_ =	shalt  }
0x50: {  	_ =	shalt  }
0x51: {  	_ =	shalt  }
0x52: {  	_ =	shalt  }
0x53: {  	_ =	shalt  }
0x54: {  	_ =	shalt  }
0x55: {  	_ =	shalt  }
0x56: {  	_ =	shalt  }
0x57: {  	_ =	shalt  }
0x58: {  	_ =	shalt  }
0x59: {  	_ =	shalt  }
0x5a: {  	_ =	shalt  }
0x5b: {  	_ =	shalt  }
0x5c: {  	_ =	shalt  }
0x5d: {  	_ =	shalt  }
0x5e: {  	_ =	shalt  }
0x5f: {  	_ =	shalt  }
0x60: {  	_ =	shalt  }
0x61: {  	_ =	shalt  }
0x62: {  	_ =	shalt  }
0x63: {  	_ =	shalt  }
0x64: {  	_ =	shalt  }
0x65: {  	_ =	shalt  }
0x66: {  	_ =	shalt  }
0x67: {  	_ =	shalt  }
0x68: {  	_ =	shalt  }
0x69: {  	_ =	shalt  }
0x6a: {  	_ =	shalt  }
0x6b: {  	_ =	shalt  }
0x6c: {  	_ =	shalt  }
0x6d: {  	_ =	shalt  }
0x6e: {  	_ =	shalt  }
0x6f: {  	_ =	shalt  }
0x70: {  	_ =	shalt  }
0x71: {  	_ =	shalt  }
0x72: {  	_ =	shalt  }
0x73: {  	_ =	shalt  }
0x74: {  	_ =	shalt  }
0x75: {  	_ =	shalt  }
0x76: {  	_ =	shalt  }
0x77: {  	_ =	shalt  }
0x78: {  	_ =	shalt  }
0x79: {  	_ =	shalt  }
0x7a: {  	_ =	shalt  }
0x7b: {  	_ =	shalt  }
0x7c: {  	_ =	shalt  }
0x7d: {  	_ =	shalt  }
0x7e: {  	_ =	shalt  }
0x7f: {  	_ =	shalt  }
0x80: {  	_ =	shalt  }
0x81: {  	_ =	shalt  }
0x82: {  	_ =	shalt  }
0x83: {  	_ =	shalt  }
0x84: {  	_ =	shalt  }
0x85: {  	_ =	shalt  }
0x86: {  	_ =	shalt  }
0x87: {  	_ =	shalt  }
.Lfunc_end0:
.L_simem_size_0:
called_computation.1_lowered:
.L_overlay_start_0:
0x88: {  	s2 =	sld [smem:$0x3FD9]  }
0x89: {  	s3 =	sld [smem:$0x3FFE];
	_ =	sdelay $0x1  }
0x8a: {  	s1 =	srdreg.scid  }
0x8b: {  	s0 =	sand.u32 $0x1, s1  }
0x8c: {  	s16 =	sshll.u32 s0, $0xA;
	s2 =	sadd.s32 s3, s2  }
0x8d: {  	s2 =	sadd.s32 s2, s16  }
0x8e: {  	[smem:$0x3FBF] =	sst s2  }
0x8f: {  	_ = 	snop  }
0x90: {  	(tm) =	ssettm $0x1  }
0x91: {  	s17 =	sld [smem:$0x3FFB];
	_ =	sdelay $0x3  }
0x92: {  	_ =	strace s17  }
0x93: {  	s2 =	sld [smem:$0x3FFC];
	_ =	sdelay $0x3  }
0x94: {  	_ =	strace s2  }
0x95: {  	s2 =	sld [smem:$0x3FFD];
	_ =	sdelay $0x3  }
0x96: {  	_ =	strace s2  }
0x97: {  	_ =	strace $0x8FFFFFFF  }
0x98: {  	s18 =	sld [smem:$0x3FDB];
	_ =	sdelay $0x1  }
0x99: {  	s19 =	simm.s32 $_scs_section_size  }
0x9a: {  	s4 =	simm.s32 $_size__tile_overlayer_lowered;
	s5 =	simm.s32 $_tile_overlayer_lowered  }
0x9b: {  	s22 =	simm.s32 $0x1BFF;
	s21 =	sshll.u32 s5, $0x1;
	s2 =	sadd.s32 s19, s18  }
0x9c: {  	s6 =	simm.s32 $0x0;
	s20 =	sshll.u32 s4, $0x1;
	s4 =	sadd.s32 s21, s2  }
0x9d: {  	[timem:s6], [sflag:s22] =	dma.local [hbm:s4], s20  }
0x9e: {  	_ =	swait.ge [sflag:s22], s20  }
0x9f: {  	s3 =	ssub.s32 $0x0, s20;
	[sflag:s22] =	ssyncset.done $0x0  }
0xa0: {  	[sflag:s22] =	ssyncadd.s32 s3;
	_ =	sdelay $0x1  }
0xa1: {  	s23 =	simm.s32 $0x1B8B  }
0xa2: {  	_ =	swait.ge [sflag:s23], $0x1  }
0xa3: {  	[sflag:s23] =	ssyncset.done $0x0  }
0xa4: {  	s25 =	simm.s32 $0x1B8E;
	s24 =	sld [smem:$0x3FFE];
	[sflag:s23] =	ssyncadd.s32 $0xFFFFFFFF  }
0xa5: {  	s26 =	simm.s32 $execute0_lowered;
	[smem:$0x3FD2] =	sst s25  }
0xa6: {  	s4 =	sshll.u32 s26, $0x1;
	_ =	strace $0x80000049;
	[dreg:$0x1] =	wrdreg $0xFFFFFFFF  }
0xa7: {  	s28 =	simm.s32 $_size_execute0_lowered;
	s2 =	sadd.s32 s2, s4;
	[dreg:$0x0] =	wrdreg $0x0  }
0xa8: {  	s4 =	sshll.u32 s28, $0x1;
	[dreg:$0x2] =	wrdreg s2  }
0xa9: {  	[dreg:$0x3] =	wrdreg s4  }
0xaa: {  	[dreg:$0x4] =	wrdreg $0xC0  }
0xab: {  	_ =	task [dreg:s6], $0x5FFFF  }
0xac: {  	[dreg:$0x1] =	wrdreg $0xFFFFFFFF  }
0xad: {  	[dreg:$0x0] =	wrdreg $0x60  }
0xae: {  	[dreg:$0x2] =	wrdreg s24  }
0xaf: {  	[dreg:$0x3] =	wrdreg $0xB1000  }
0xb0: {  	[dreg:$0x4] =	wrdreg $0x151000  }
0xb1: {  	[dreg:$0x5] =	wrdreg $0x9  }
0xb2: {  	_ =	task.clear_ibuf [dreg:s6], $0x6FFFF;
	_ =	strace $0x90000049  }
0xb3: {  	s29 =	simm.s32 $0x9;
	_ =	strace $0x8000004B  }
0xb4: {  	_ =	swait.ge [sflag:s29], $0x1  }
0xb5: {  	[sflag:s29] =	ssyncadd.s32 $0xFFFFFFFF  }
0xb6: {  	_ =	strace $0x9000004B  }
0xb7: {  	_ =	sfence  }
0xb8: {  	s30 =	sld [smem:$0x0];
	_ =	sdelay $0x2  }
0xb9: {  	s31 =	sshll.u32 s1, $0xD;
	s1 =	sshrl.u32 s1, $0x2  }
0xba: {  	s3 =	sand.u32 $0x4000, s31;
	s1 =	sadd.s32 s1, s30  }
0xbb: {  	s0 =	sor.u32 s3, s0;
	s1 =	sshll.u32 s1, $0x11  }
0xbc: {  	s0 =	sor.u32 s1, s0  }
0xbd: {  	s0 =	sadd.s32 $0x8F2B, s0  }
0xbe: {  	[sflag:s0] =	ssyncadd.remote.s32 $0x1  }
0xbf: {  	_ =	sfence.sel $0xFFFF  }
0xc0: {  	[dreg:$0x0] =	wrdreg $0xFFFFFFFF;
	(pc) =	sbr.abs _section_cstart, $3  }
0xc1: {  	[dreg:$0x1] =	wrdreg $0xFFFFFFFF  }
0xc2: {  	_ =	task.clear_ibuf [dreg:s6], $0x2FFFF;
	_ =	strace $0x9FFFFFFF  }
0xc3: {  	(tm) =	ssettm $0x7FFFFFFF  }
tec
execute0_lowered:
.L_overlay_start_1:
0x0: {  	(tag) =	ssettag $0x1  }
0x1: {  	s0 =	rddreg [dreg:$0x0]  }
0x2: {  	s1 =	rddreg [dreg:$0x1]  }
0x3: {  	s2 =	rddreg [dreg:$0x2];
	s3 =	srdreg.scid  }
0x4: {  	s4 =	simm.s32 $0x0;
	s7 =	stileid.u32;
	s15 =	simm.s32 $0x7  }
0x5: {  	s17 =	simm.s32 $0x2880;
	s18 =	simm.s32 $0x80;
	s19 =	simm.s32 $0x5100  }
0x6: {  	s20 =	simm.s32 $0x7100;
	s21 =	simm.s32 $0x1;
	s22 =	simm.s32 $0x100  }
0x7: {  	s23 =	simm.s32 $0x9100;
	s24 =	simm.s32 $0x2;
	s25 =	simm.s32 $0x2900  }
0x8: {  	s28 =	simm.s32 $0x3;
	s29 =	simm.s32 $0x5;
	s30 =	simm.s32 $0x6  }
0x9: {  	s3 =	sand.u32 $0x1, s3;
	[smem:$0x7FF] =	sst s4;
	s8 =	smul.u32 $0xA000, s7  }
0xa: {  	s10 =	sadd.s32 $0x16A00, s0;
	s11 =	sadd.s32 $0xCA00, s0;
	s9 =	smul.u32 $0x4F80, s7  }
0xb: {  	s26 =	sadd.s32 $0x2000, s0;
	s7 =	sshll.u32 s7, $0x6;
	s5 =	smul.u32 $0xA0000, s3  }
0xc: {  	_ =	strace $0x8000004A;
	[dreg:$0x4] =	wrdreg s26;
	s3 =	ssub.s32 $0x2, s3  }
0xd: {  	s7 =	sor.u32 $0x1C07, s7;
	s26 =	simm.s32 $0x4;
	s31 =	sshrl.u32 s3, $0x1  }
0xe: {  	s14 =	sadd.s32 s8, s1;
	s9 =	sshrl.u32 s9, $0x3;
	s16 =	sadd.s32 s8, s2  }
0xf: {  	s6 =	sadd.s32 s8, s5;
	s3 =	ssub.s32 s3, s31;
	s8 =	sadd.s32 s10, s9  }
0x10: {  	s12 =	sadd.s32 $0x510, s9;
	s9 =	sadd.s32 s11, s9;
	s14 =	sshrl.u32 s14, $0x3  }
0x11: {  	s16 =	sshrl.u32 s16, $0x3;
	s6 =	sshrl.u32 s6, $0x3;
	s10 =	sadd.s32 s10, s12  }
0x12: {  	s11 =	sadd.s32 s11, s12;
	s13 =	smax.u32 s3, $0x1;
	s0 =	sadd.s32 s6, s0  }
0x13: {  	s3 =	simm.s32 $0x0;
	s6 =	sadd.s32 $0x70A00, s0;
	s12 =	sadd.s32 $0x98A00, s0  }
.LBB2_1:
0x14: {  	[spmem:s14], [sflag:s7] =	dma.local [hbm:s6], $0x1400  }
0x15: {  	_ =	swait.ge [sflag:s15], $0x1400  }
0x16: {  	[sflag:s15] =	ssyncset.done $0x0  }
0x17: {  	s0 =	rddreg [dreg:$0x4];
	[sflag:s15] =	ssyncadd.s32 $0xFFFFEC00  }
0x18: {  	[spmem:s16], [sflag:s7] =	dma.local [hbm:s0], $0x1400  }
0x19: {  	_ =	swait.ge [sflag:s15], $0x1400  }
0x1a: {  	[sflag:s15] =	ssyncset.done $0x0  }
0x1b: {  	[sflag:s15] =	ssyncadd.s32 $0xFFFFEC00  }
0x1c: {  	[bflag:$0x0] =	sbarrier.arrive $0xFFFF  }
0x1d: {  	[tilespmem:s4], [sflag:$0x7] =	stream.linear.gather [hbm4b:s8+s4], $0x2880, $0x38;
	[tilespmem:$0x1F100] =	vst v63  }
0x1e: {  	_ =	swait.ge [sflag:s15], $0x2880  }
0x1f: {  	[sflag:s15] =	ssyncset.done $0x0  }
0x20: {  	[sflag:s15] =	ssyncadd.s32 $0xFFFFD780  }
0x21: {  	[tilespmem:s17], [sflag:$0x7] =	stream.linear.gather [hbm4b:s9+s4], $0x2880, $0x38;
	[tilespmem:$0x1F100] =	vst v63  }
0x22: {  	_ =	swait.ge [sflag:s15], $0x2880  }
0x23: {  	[sflag:s15] =	ssyncset.done $0x0  }
0x24: {  	[sflag:s15] =	ssyncadd.s32 $0xFFFFD780  }
0x25: {  	[tilespmem:s19], [sflag:$0x1] =	stream.indirect.gather [spmem:s1], $0x40, s4, s18, $0xb8;
	[tilespmem:$0x1F100] =	vst v63  }
0x26: {  	_ = 	snop  }
0x27: {  	[tilespmem:s20], [sflag:$0x2] =	stream.indirect.gather [spmem:s1], $0x40, s18, s18, $0xb8;
	[tilespmem:$0x1F100] =	vst v63  }
0x28: {  	_ =	swait.ge [sflag:s21], $0x2000  }
0x29: {  	[sflag:s21] =	ssyncset.done $0x0  }
0x2a: {  	[sflag:s21] =	ssyncadd.s32 $0xFFFFE000  }
0x2b: {  	[spmem:s2] =	stream.indirect.scatter.add.f32 [tilespmem:s19], [sflag:$0x4], $0x40, s17, s18, $0xb8;
	[tilespmem:$0x1F100] =	vst v63  }
0x2c: {  	_ = 	snop  }
0x2d: {  	[tilespmem:s23], [sflag:$0x3] =	stream.indirect.gather [spmem:s1], $0x40, s22, s18, $0xb8;
	[tilespmem:$0x1F100] =	vst v63  }
0x2e: {  	_ =	swait.ge [sflag:s24], $0x2000  }
0x2f: {  	[sflag:s24] =	ssyncset.done $0x0  }
0x30: {  	[sflag:s24] =	ssyncadd.s32 $0xFFFFE000  }
0x31: {  	[spmem:s2] =	stream.indirect.scatter.add.f32 [tilespmem:s20], [sflag:$0x5], $0x40, s25, s18, $0xb8;
	[tilespmem:$0x1F100] =	vst v63  }
0x32: {  	_ =	swait.ge [sflag:s26], $0x2000  }
0x33: {  	[sflag:s26] =	ssyncset.done $0x0  }
0x34: {  	s5 =	simm.s32 $0x180;
	[sflag:s26] =	ssyncadd.s32 $0xFFFFE000  }
0x35: {  	[tilespmem:s19], [sflag:$0x1] =	stream.indirect.gather [spmem:s1], $0x40, s5, s18, $0xb8;
	[tilespmem:$0x1F100] =	vst v63  }
0x36: {  	_ =	swait.ge [sflag:s28], $0x2000  }
0x37: {  	[sflag:s28] =	ssyncset.done $0x0  }
0x38: {  	s5 =	simm.s32 $0x2980;
	[sflag:s28] =	ssyncadd.s32 $0xFFFFE000  }
0x39: {  	[spmem:s2] =	stream.indirect.scatter.add.f32 [tilespmem:s23], [sflag:$0x6], $0x40, s5, s18, $0xb8;
	[tilespmem:$0x1F100] =	vst v63  }
0x3a: {  	_ =	swait.ge [sflag:s29], $0x2000  }
0x3b: {  	[sflag:s29] =	ssyncset.done $0x0  }
0x3c: {  	s5 =	simm.s32 $0x200;
	[sflag:s29] =	ssyncadd.s32 $0xFFFFE000  }
0x3d: {  	[tilespmem:s20], [sflag:$0x2] =	stream.indirect.gather [spmem:s1], $0x40, s5, s18, $0xb8;
	[tilespmem:$0x1F100] =	vst v63  }
0x3e: {  	_ =	swait.ge [sflag:s21], $0x2000  }
0x3f: {  	[sflag:s21] =	ssyncset.done $0x0  }
0x40: {  	s5 =	simm.s32 $0x2A00;
	[sflag:s21] =	ssyncadd.s32 $0xFFFFE000  }
0x41: {  	[spmem:s2] =	stream.indirect.scatter.add.f32 [tilespmem:s19], [sflag:$0x4], $0x40, s5, s18, $0xb8;
	[tilespmem:$0x1F100] =	vst v63  }
0x42: {  	_ =	swait.ge [sflag:s30], $0x2000  }
0x43: {  	[sflag:s30] =	ssyncset.done $0x0  }
0x44: {  	s5 =	simm.s32 $0x280;
	[sflag:s30] =	ssyncadd.s32 $0xFFFFE000  }
0x45: {  	[tilespmem:s23], [sflag:$0x3] =	stream.indirect.gather [spmem:s1], $0x40, s5, s18, $0xb8;
	[tilespmem:$0x1F100] =	vst v63  }
0x46: {  	_ =	swait.ge [sflag:s24], $0x2000  }
0x47: {  	[sflag:s24] =	ssyncset.done $0x0  }
0x48: {  	s31 =	simm.s32 $0x600;
	s0 =	simm.s32 $0x2A80;
	[sflag:s24] =	ssyncadd.s32 $0xFFFFE000  }
.LBB2_2:
0x49: {  	[spmem:s2] =	stream.indirect.scatter.add.f32 [tilespmem:s20], [sflag:$0x5], $0x40, s0, s18, $0xb8;
	[tilespmem:$0x1F100] =	vst v63  }
0x4a: {  	s0 =	smov.u32 s31  }
0x4b: {  	p0 =	sne.s32 s31, $0x9600;
	s31 =	sadd.s32 $0x600, s31;
	_ =	swait.ge [sflag:s26], $0x2000  }
0x4c: {  	s0 =	sshra.s32 s0, $0x2;
	[sflag:s26] =	ssyncset.done $0x0  }
0x4d: {  	s5 =	sadd.s32 $0x180, s0;
	[sflag:s26] =	ssyncadd.s32 $0xFFFFE000  }
0x4e: {  	[tilespmem:s19], [sflag:$0x1] =	stream.indirect.gather [spmem:s1], $0x40, s5, s18, $0xb8;
	[tilespmem:$0x1F100] =	vst v63  }
0x4f: {  	_ =	swait.ge [sflag:s28], $0x2000  }
0x50: {  	[sflag:s28] =	ssyncset.done $0x0  }
0x51: {  	s5 =	sadd.s32 $0x2980, s0;
	[sflag:s28] =	ssyncadd.s32 $0xFFFFE000  }
0x52: {  	[spmem:s2] =	stream.indirect.scatter.add.f32 [tilespmem:s23], [sflag:$0x6], $0x40, s5, s18, $0xb8;
	[tilespmem:$0x1F100] =	vst v63  }
0x53: {  	_ =	swait.ge [sflag:s29], $0x2000  }
0x54: {  	[sflag:s29] =	ssyncset.done $0x0  }
0x55: {  	s5 =	sadd.s32 $0x200, s0;
	[sflag:s29] =	ssyncadd.s32 $0xFFFFE000  }
0x56: {  	[tilespmem:s20], [sflag:$0x2] =	stream.indirect.gather [spmem:s1], $0x40, s5, s18, $0xb8;
	[tilespmem:$0x1F100] =	vst v63  }
0x57: {  	_ =	swait.ge [sflag:s21], $0x2000  }
0x58: {  	[sflag:s21] =	ssyncset.done $0x0  }
0x59: {  	s5 =	sadd.s32 $0x2A00, s0;
	[sflag:s21] =	ssyncadd.s32 $0xFFFFE000  }
0x5a: {  	[spmem:s2] =	stream.indirect.scatter.add.f32 [tilespmem:s19], [sflag:$0x4], $0x40, s5, s18, $0xb8;
	[tilespmem:$0x1F100] =	vst v63  }
0x5b: {  	_ =	swait.ge [sflag:s30], $0x2000  }
0x5c: {  	[sflag:s30] =	ssyncset.done $0x0  }
.Ltmp0:
0x5d: {  	s5 =	sadd.s32 $0x280, s0;
	[sflag:s30] =	ssyncadd.s32 $0xFFFFE000;
	(pc) =	sbr.rel @p0 .LBB2_2-.Ltmp0, $4  }
0x5e: {  	[tilespmem:s23], [sflag:$0x3] =	stream.indirect.gather [spmem:s1], $0x40, s5, s18, $0xb8;
	[tilespmem:$0x1F100] =	vst v63  }
0x5f: {  	_ =	swait.ge [sflag:s24], $0x2000  }
0x60: {  	[sflag:s24] =	ssyncset.done $0x0  }
0x61: {  	s0 =	sadd.s32 $0x2A80, s0;
	[sflag:s24] =	ssyncadd.s32 $0xFFFFE000  }
0x62: {  	[spmem:s2] =	stream.indirect.scatter.add.f32 [tilespmem:s20], [sflag:$0x5], $0x40, s0, s18, $0xb8;
	[tilespmem:$0x1F100] =	vst v63  }
0x63: {  	_ =	swait.ge [sflag:s26], $0x2000  }
0x64: {  	[sflag:s26] =	ssyncset.done $0x0  }
0x65: {  	[sflag:s26] =	ssyncadd.s32 $0xFFFFE000  }
0x66: {  	_ =	swait.ge [sflag:s28], $0x2000  }
0x67: {  	[sflag:s28] =	ssyncset.done $0x0  }
0x68: {  	s5 =	simm.s32 $0x5080;
	[sflag:s28] =	ssyncadd.s32 $0xFFFFE000  }
0x69: {  	[spmem:s2] =	stream.indirect.scatter.add.f32 [tilespmem:s23], [sflag:$0x6], $0x40, s5, s18, $0xb8;
	[tilespmem:$0x1F100] =	vst v63  }
0x6a: {  	_ =	swait.ge [sflag:s29], $0x2000  }
0x6b: {  	[sflag:s29] =	ssyncset.done $0x0  }
0x6c: {  	[sflag:s29] =	ssyncadd.s32 $0xFFFFE000  }
0x6d: {  	_ =	swait.ge [sflag:s30], $0x2000  }
0x6e: {  	[sflag:s30] =	ssyncset.done $0x0  }
0x6f: {  	s5 =	simm.s32 $0x0;
	[sflag:s30] =	ssyncadd.s32 $0xFFFFE000  }
0x70: {  	[tilespmem:s5], [sflag:$0x7] =	stream.linear.gather [hbm4b:s10+s5], $0x2700, $0x38;
	[tilespmem:$0x1F100] =	vst v63  }
0x71: {  	_ =	swait.ge [sflag:s15], $0x2700  }
0x72: {  	[sflag:s15] =	ssyncset.done $0x0  }
0x73: {  	[sflag:s15] =	ssyncadd.s32 $0xFFFFD900  }
0x74: {  	[tilespmem:s17], [sflag:$0x7] =	stream.linear.gather [hbm4b:s11+s5], $0x2700, $0x38;
	[tilespmem:$0x1F100] =	vst v63  }
0x75: {  	_ =	swait.ge [sflag:s15], $0x2700  }
0x76: {  	[sflag:s15] =	ssyncset.done $0x0  }
0x77: {  	[sflag:s15] =	ssyncadd.s32 $0xFFFFD900  }
0x78: {  	[tilespmem:s19], [sflag:$0x1] =	stream.indirect.gather [spmem:s1], $0x40, s5, s18, $0xb8;
	[tilespmem:$0x1F100] =	vst v63  }
0x79: {  	_ = 	snop  }
0x7a: {  	[tilespmem:s20], [sflag:$0x2] =	stream.indirect.gather [spmem:s1], $0x40, s18, s18, $0xb8;
	[tilespmem:$0x1F100] =	vst v63  }
0x7b: {  	_ =	swait.ge [sflag:s21], $0x2000  }
0x7c: {  	[sflag:s21] =	ssyncset.done $0x0  }
0x7d: {  	[sflag:s21] =	ssyncadd.s32 $0xFFFFE000  }
0x7e: {  	[spmem:s2] =	stream.indirect.scatter.add.f32 [tilespmem:s19], [sflag:$0x4], $0x40, s17, s18, $0xb8;
	[tilespmem:$0x1F100] =	vst v63  }
0x7f: {  	_ = 	snop  }
0x80: {  	[tilespmem:s23], [sflag:$0x3] =	stream.indirect.gather [spmem:s1], $0x40, s22, s18, $0xb8;
	[tilespmem:$0x1F100] =	vst v63  }
0x81: {  	_ =	swait.ge [sflag:s24], $0x2000  }
0x82: {  	[sflag:s24] =	ssyncset.done $0x0  }
0x83: {  	[sflag:s24] =	ssyncadd.s32 $0xFFFFE000  }
0x84: {  	[spmem:s2] =	stream.indirect.scatter.add.f32 [tilespmem:s20], [sflag:$0x5], $0x40, s25, s18, $0xb8;
	[tilespmem:$0x1F100] =	vst v63  }
0x85: {  	_ =	swait.ge [sflag:s26], $0x2000  }
0x86: {  	[sflag:s26] =	ssyncset.done $0x0  }
0x87: {  	s5 =	simm.s32 $0x180;
	[sflag:s26] =	ssyncadd.s32 $0xFFFFE000  }
0x88: {  	[tilespmem:s19], [sflag:$0x1] =	stream.indirect.gather [spmem:s1], $0x40, s5, s18, $0xb8;
	[tilespmem:$0x1F100] =	vst v63  }
0x89: {  	_ =	swait.ge [sflag:s28], $0x2000  }
0x8a: {  	[sflag:s28] =	ssyncset.done $0x0  }
0x8b: {  	s5 =	simm.s32 $0x2980;
	[sflag:s28] =	ssyncadd.s32 $0xFFFFE000  }
0x8c: {  	[spmem:s2] =	stream.indirect.scatter.add.f32 [tilespmem:s23], [sflag:$0x6], $0x40, s5, s18, $0xb8;
	[tilespmem:$0x1F100] =	vst v63  }
0x8d: {  	_ =	swait.ge [sflag:s29], $0x2000  }
0x8e: {  	[sflag:s29] =	ssyncset.done $0x0  }
0x8f: {  	s5 =	simm.s32 $0x200;
	[sflag:s29] =	ssyncadd.s32 $0xFFFFE000  }
0x90: {  	[tilespmem:s20], [sflag:$0x2] =	stream.indirect.gather [spmem:s1], $0x40, s5, s18, $0xb8;
	[tilespmem:$0x1F100] =	vst v63  }
0x91: {  	_ =	swait.ge [sflag:s21], $0x2000  }
0x92: {  	[sflag:s21] =	ssyncset.done $0x0  }
0x93: {  	s5 =	simm.s32 $0x2A00;
	[sflag:s21] =	ssyncadd.s32 $0xFFFFE000  }
0x94: {  	[spmem:s2] =	stream.indirect.scatter.add.f32 [tilespmem:s19], [sflag:$0x4], $0x40, s5, s18, $0xb8;
	[tilespmem:$0x1F100] =	vst v63  }
0x95: {  	_ =	swait.ge [sflag:s30], $0x2000  }
0x96: {  	[sflag:s30] =	ssyncset.done $0x0  }
0x97: {  	s5 =	simm.s32 $0x280;
	[sflag:s30] =	ssyncadd.s32 $0xFFFFE000  }
0x98: {  	[tilespmem:s23], [sflag:$0x3] =	stream.indirect.gather [spmem:s1], $0x40, s5, s18, $0xb8;
	[tilespmem:$0x1F100] =	vst v63  }
0x99: {  	_ =	swait.ge [sflag:s24], $0x2000  }
0x9a: {  	[sflag:s24] =	ssyncset.done $0x0  }
0x9b: {  	s31 =	simm.s32 $0x600;
	s0 =	simm.s32 $0x2A80;
	[sflag:s24] =	ssyncadd.s32 $0xFFFFE000  }
.LBB2_4:
0x9c: {  	[spmem:s2] =	stream.indirect.scatter.add.f32 [tilespmem:s20], [sflag:$0x5], $0x40, s0, s18, $0xb8;
	[tilespmem:$0x1F100] =	vst v63  }
0x9d: {  	s0 =	smov.u32 s31  }
0x9e: {  	p0 =	sne.s32 s31, $0x9000;
	s31 =	sadd.s32 $0x600, s31;
	_ =	swait.ge [sflag:s26], $0x2000  }
0x9f: {  	s0 =	sshra.s32 s0, $0x2;
	[sflag:s26] =	ssyncset.done $0x0  }
0xa0: {  	s5 =	sadd.s32 $0x180, s0;
	[sflag:s26] =	ssyncadd.s32 $0xFFFFE000  }
0xa1: {  	[tilespmem:s19], [sflag:$0x1] =	stream.indirect.gather [spmem:s1], $0x40, s5, s18, $0xb8;
	[tilespmem:$0x1F100] =	vst v63  }
0xa2: {  	_ =	swait.ge [sflag:s28], $0x2000  }
0xa3: {  	[sflag:s28] =	ssyncset.done $0x0  }
0xa4: {  	s5 =	sadd.s32 $0x2980, s0;
	[sflag:s28] =	ssyncadd.s32 $0xFFFFE000  }
0xa5: {  	[spmem:s2] =	stream.indirect.scatter.add.f32 [tilespmem:s23], [sflag:$0x6], $0x40, s5, s18, $0xb8;
	[tilespmem:$0x1F100] =	vst v63  }
0xa6: {  	_ =	swait.ge [sflag:s29], $0x2000  }
0xa7: {  	[sflag:s29] =	ssyncset.done $0x0  }
0xa8: {  	s5 =	sadd.s32 $0x200, s0;
	[sflag:s29] =	ssyncadd.s32 $0xFFFFE000  }
0xa9: {  	[tilespmem:s20], [sflag:$0x2] =	stream.indirect.gather [spmem:s1], $0x40, s5, s18, $0xb8;
	[tilespmem:$0x1F100] =	vst v63  }
0xaa: {  	_ =	swait.ge [sflag:s21], $0x2000  }
0xab: {  	[sflag:s21] =	ssyncset.done $0x0  }
0xac: {  	s5 =	sadd.s32 $0x2A00, s0;
	[sflag:s21] =	ssyncadd.s32 $0xFFFFE000  }
0xad: {  	[spmem:s2] =	stream.indirect.scatter.add.f32 [tilespmem:s19], [sflag:$0x4], $0x40, s5, s18, $0xb8;
	[tilespmem:$0x1F100] =	vst v63  }
0xae: {  	_ =	swait.ge [sflag:s30], $0x2000  }
0xaf: {  	[sflag:s30] =	ssyncset.done $0x0  }
.Ltmp1:
0xb0: {  	s5 =	sadd.s32 $0x280, s0;
	[sflag:s30] =	ssyncadd.s32 $0xFFFFE000;
	(pc) =	sbr.rel @p0 .LBB2_4-.Ltmp1, $4  }
0xb1: {  	[tilespmem:s23], [sflag:$0x3] =	stream.indirect.gather [spmem:s1], $0x40, s5, s18, $0xb8;
	[tilespmem:$0x1F100] =	vst v63  }
0xb2: {  	_ =	swait.ge [sflag:s24], $0x2000  }
0xb3: {  	[sflag:s24] =	ssyncset.done $0x0  }
0xb4: {  	s0 =	sadd.s32 $0x2A80, s0;
	[sflag:s24] =	ssyncadd.s32 $0xFFFFE000  }
0xb5: {  	[spmem:s2] =	stream.indirect.scatter.add.f32 [tilespmem:s20], [sflag:$0x5], $0x40, s0, s18, $0xb8;
	[tilespmem:$0x1F100] =	vst v63  }
0xb6: {  	_ =	swait.ge [sflag:s26], $0x2000  }
0xb7: {  	[sflag:s26] =	ssyncset.done $0x0  }
0xb8: {  	[sflag:s26] =	ssyncadd.s32 $0xFFFFE000  }
0xb9: {  	_ =	swait.ge [sflag:s28], $0x2000  }
0xba: {  	[sflag:s28] =	ssyncset.done $0x0  }
0xbb: {  	s31 =	simm.s32 $0x4F00;
	[sflag:s28] =	ssyncadd.s32 $0xFFFFE000  }
0xbc: {  	[spmem:s2] =	stream.indirect.scatter.add.f32 [tilespmem:s23], [sflag:$0x6], $0x40, s31, s18, $0xb8;
	[tilespmem:$0x1F100] =	vst v63  }
0xbd: {  	_ =	swait.ge [sflag:s29], $0x2000  }
0xbe: {  	[sflag:s29] =	ssyncset.done $0x0  }
0xbf: {  	[sflag:s29] =	ssyncadd.s32 $0xFFFFE000  }
0xc0: {  	_ =	swait.ge [sflag:s30], $0x2000  }
0xc1: {  	s3 =	sadd.s32 $0x1, s3;
	[sflag:s30] =	ssyncset.done $0x0  }
0xc2: {  	p0 =	sne.s32 s3, s13;
	[sflag:s30] =	ssyncadd.s32 $0xFFFFE000  }
.Ltmp2:
0xc3: {  	[bflag:$0x0] =	sbarrier.arrive $0xFFFF;
	(pc) =	sbr.rel @p0 .LBB2_1-.Ltmp2, $4  }
0xc4: {  	[hbm:s12], [sflag:s7] =	dma.local [spmem:s16], $0x1400  }
0xc5: {  	_ =	swait.ge [sflag:s15], $0x1400  }
0xc6: {  	[sflag:s15] =	ssyncset.done $0x0  }
0xc7: {  	[sflag:s15] =	ssyncadd.s32 $0xFFFFEC00  }
0xc8: {  	_ =	sfence.sel $0x180000  }
0xc9: {  	[bflag:$0x0] =	sbarrier.arrive $0xFFFF  }
0xca: {  	_ =	strace $0x9000004A  }
0xcb: {  	s0 =	stileid.u32;
	[bflag:$0x2] =	sbarrier.arrive $0xFFFF  }
0xcc: {  	p0 =	sne.s32 s0, $0x0;
	s0 =	rddreg [dreg:$0x3]  }
0xcd: {  	s0 =	sadd.s32 @!p0 $0x100000, s0  }
0xce: {  	[sflag:s0] =	ssyncadd.tile.s32 @!p0 $0x1;
	_ =	shalt  }
.Lfunc_end2:
_tile_overlayer_lowered:
.L_overlay_start_2:
0xcf: {  	(tag) =	ssettag $0x2  }
0xd0: {  	s0 =	rddreg [dreg:$0x0];
	s2 =	stileid.u32  }
0xd1: {  	s1 =	rddreg [dreg:$0x1];
	p0 =	sne.s32 s2, $0x0  }
0xd2: {  	s3 =	rddreg [dreg:$0x2];
	[bflag:$0x3] =	sbarrier.arrive $0xFFFF;
	s2 =	simm.s32 @!p0 $0x1C07  }
0xd3: {  	[timem:s3], [sflag:s2] =	dma.local @!p0 [hbm:s0], s1  }
0xd4: {  	s0 =	simm.s32 @!p0 $0x7  }
0xd5: {  	_ =	swait.ge @!p0 [sflag:s0], s1  }
0xd6: {  	s1 =	ssub.s32 @!p0 $0x0, s1;
	[sflag:s0] =	ssyncset.done @!p0 $0x0  }
0xd7: {  	[sflag:s0] =	ssyncadd.s32 @!p0 s1  }
0xd8: {  	[bflag:$0x3] =	sbarrier.arrive $0xFFFF  }
0xd9: {  	_ =	shalt  }

// kernel: kernel.15.cloned.1.call-start
scs
__scs_entry_jumppad:
0x0: {  	(pc) =	sbr.rel $0x88, $3  }
0x1: {  	(tag) =	ssettag $0x0;
	lr =	simm.s32 $0x1  }
0x2: {  	[smem:$0x3F98] =	sst lr;
	_ =	strace $0xD0000000  }
0x3: {  	_ = 	snop  }
0x4: {  	_ = 	snop  }
0x5: {  	_ = 	snop  }
0x6: {  	_ = 	snop  }
0x7: {  	_ = 	snop  }
__scs_overlays_trampoline_lowered:
0x8: {  	[smem:$0x3FA7] =	sst s0  }
0x9: {  	[smem:$0x3FA8] =	sst s1  }
0xa: {  	[smem:$0x3FA9] =	sst s2  }
0xb: {  	[smem:$0x3FAA] =	sst s3  }
0xc: {  	[smem:$0x3FAB] =	sst s4  }
0xd: {  	[smem:$0x3FAC] =	sst s5  }
0xe: {  	[smem:$0x3FAD] =	sst s6  }
0xf: {  	[smem:$0x3FAE] =	sst s7  }
0x10: {  	[smem:$0x3FAF] =	sst s8  }
0x11: {  	[smem:$0x3FB0] =	sst s9;
	s0 =	simm.s32 @!p0 $0x0  }
0x12: {  	s1 =	sld [smem:$0x3F96];
	s0 =	simm.s32 @p0 $0x1  }
0x13: {  	[smem:$0x3FB1] =	sst s0;
	s0 =	simm.s32 @!p1 $0x0  }
0x14: {  	s2 =	sld [smem:$0x3F95];
	s0 =	simm.s32 @p1 $0x1  }
0x15: {  	[smem:$0x3FB2] =	sst s0;
	s0 =	simm.s32 @!p2 $0x0  }
0x16: {  	s3 =	sld [smem:$0x3FDB];
	s0 =	simm.s32 @p2 $0x1  }
0x17: {  	s4 =	simm.s32 $0x1BF5;
	[smem:$0x3FB4] =	sst s0  }
0x18: {  	s0 =	sld [smem:$0x3F97];
	_ =	swait.ge [sflag:s4], $0x0  }
0x19: {  	s7 =	sld [smem:$0x3F98]  }
0x1a: {  	s8 =	sadd.s32 $0xFFFFE003, lr  }
0x1b: {  	s9 =	sadd.s32 $0xFFFFFEF7, lr;
	s5 =	simm.s32 $0xFFFFFFFF;
	p2 =	slt.u32 s8, $0xFFFFF086  }
0x1c: {  	p1 =	slt.u32 s9, $0xF7A;
	s5 =	simm.s32 @!p2 $0x0  }
0x1d: {  	s5 =	simm.s32 @p1 $0x1;
	p0 =	seq.s32 s7, s2  }
0x1e: {  	s7 =	smul.u32 @!p0 $0xF7A, s2;
	p2 =	seq.s32 @!p0 s5, $0x0  }
0x1f: {  	s9 =	smul.u32 $0xF7A, s1;
	s8 =	simm.s32 @!p0 $0x1BF5;
	p2 =	por !p2, p0  }
0x20: {  	[sflag:s8] =	ssyncset.s32 @!p0 $0xFFFFF086;
	s6 =	sadd.s32 @!p0 s3, s7;
	s7 =	simm.s32 @!p0 $0x108  }
0x21: {  	s3 =	sadd.s32 s3, s9;
	s6 =	sadd.s32 @!p0 $0x88, s6;
	s7 =	simm.s32 @p2 $0x1082  }
0x22: {  	[simem:s7], [sflag:s8] =	dma.local @!p0 [hbm:s6], $0xF7A  }
0x23: {  	s9 =	sor.u32 $0xD0000000, s2;
	s6 =	simm.s32 $0x108;
	_ =	swait.ge @!p0 [sflag:s8], $0x0  }
0x24: {  	s3 =	sadd.s32 $0x88, s3;
	s6 =	simm.s32 @!p1 $0x1082;
	[sflag:s4] =	ssyncset.s32 $0xFFFFF086  }
0x25: {  	[simem:s6], [sflag:s4] =	dma.local [hbm:s3], $0xF7A  }
0x26: {  	[smem:$0x3F98] =	sst s1;
	(tag) =	ssettag s2;
	_ =	strace s9  }
0x27: {  	s1 =	sld [smem:$0x3FA8]  }
0x28: {  	s2 =	sld [smem:$0x3FA9]  }
0x29: {  	s4 =	sld [smem:$0x3FAB]  }
0x2a: {  	p0 =	seq.s32 s5, $0x0;
	s5 =	sld [smem:$0x3FAC]  }
0x2b: {  	s6 =	sld [smem:$0x3FAD]  }
0x2c: {  	s7 =	sld [smem:$0x3FAE]  }
0x2d: {  	s3 =	simm.s32 $0x108;
	s8 =	sld [smem:$0x3FAF]  }
0x2e: {  	s3 =	simm.s32 @!p0 $0x1082;
	s9 =	sld [smem:$0x3FB0]  }
0x2f: {  	lr =	sadd.s32 s0, s3;
	s0 =	sld [smem:$0x3FA7]  }
0x30: {  	s3 =	sld [smem:$0x3FAA]  }
0x31: {  	[smem:$0x3FB3] =	sst s10  }
0x32: {  	s10 =	sld [smem:$0x3FB1];
	_ =	sdelay $0x3  }
0x33: {  	p0 =	seq.s32 s10, $0x1;
	s10 =	sld [smem:$0x3FB3];
	_ =	sdelay $0x3  }
0x34: {  	[smem:$0x3FB3] =	sst s10  }
0x35: {  	s10 =	sld [smem:$0x3FB2];
	_ =	sdelay $0x3  }
0x36: {  	p1 =	seq.s32 s10, $0x1;
	s10 =	sld [smem:$0x3FB3];
	_ =	sdelay $0x3  }
0x37: {  	[smem:$0x3FB3] =	sst s10  }
0x38: {  	s10 =	sld [smem:$0x3FB4]  }
0x39: {  	_ = 	snop;
	(pc) =	sbr.ind lr, $3  }
0x3a: {  	_ = 	snop  }
0x3b: {  	_ = 	snop  }
0x3c: {  	p2 =	seq.s32 s10, $0x1;
	s10 =	sld [smem:$0x3FB3]  }
0x3d: {  	_ =	shalt  }
0x3e: {  	_ =	shalt  }
0x3f: {  	_ =	shalt  }
0x40: {  	_ =	shalt  }
0x41: {  	_ =	shalt  }
0x42: {  	_ =	shalt  }
0x43: {  	_ =	shalt  }
0x44: {  	_ =	shalt  }
0x45: {  	_ =	shalt  }
0x46: {  	_ =	shalt  }
0x47: {  	_ =	shalt  }
0x48: {  	_ =	shalt  }
0x49: {  	_ =	shalt  }
0x4a: {  	_ =	shalt  }
0x4b: {  	_ =	shalt  }
0x4c: {  	_ =	shalt  }
0x4d: {  	_ =	shalt  }
0x4e: {  	_ =	shalt  }
0x4f: {  	_ =	shalt  }
0x50: {  	_ =	shalt  }
0x51: {  	_ =	shalt  }
0x52: {  	_ =	shalt  }
0x53: {  	_ =	shalt  }
0x54: {  	_ =	shalt  }
0x55: {  	_ =	shalt  }
0x56: {  	_ =	shalt  }
0x57: {  	_ =	shalt  }
0x58: {  	_ =	shalt  }
0x59: {  	_ =	shalt  }
0x5a: {  	_ =	shalt  }
0x5b: {  	_ =	shalt  }
0x5c: {  	_ =	shalt  }
0x5d: {  	_ =	shalt  }
0x5e: {  	_ =	shalt  }
0x5f: {  	_ =	shalt  }
0x60: {  	_ =	shalt  }
0x61: {  	_ =	shalt  }
0x62: {  	_ =	shalt  }
0x63: {  	_ =	shalt  }
0x64: {  	_ =	shalt  }
0x65: {  	_ =	shalt  }
0x66: {  	_ =	shalt  }
0x67: {  	_ =	shalt  }
0x68: {  	_ =	shalt  }
0x69: {  	_ =	shalt  }
0x6a: {  	_ =	shalt  }
0x6b: {  	_ =	shalt  }
0x6c: {  	_ =	shalt  }
0x6d: {  	_ =	shalt  }
0x6e: {  	_ =	shalt  }
0x6f: {  	_ =	shalt  }
0x70: {  	_ =	shalt  }
0x71: {  	_ =	shalt  }
0x72: {  	_ =	shalt  }
0x73: {  	_ =	shalt  }
0x74: {  	_ =	shalt  }
0x75: {  	_ =	shalt  }
0x76: {  	_ =	shalt  }
0x77: {  	_ =	shalt  }
0x78: {  	_ =	shalt  }
0x79: {  	_ =	shalt  }
0x7a: {  	_ =	shalt  }
0x7b: {  	_ =	shalt  }
0x7c: {  	_ =	shalt  }
0x7d: {  	_ =	shalt  }
0x7e: {  	_ =	shalt  }
0x7f: {  	_ =	shalt  }
0x80: {  	_ =	shalt  }
0x81: {  	_ =	shalt  }
0x82: {  	_ =	shalt  }
0x83: {  	_ =	shalt  }
0x84: {  	_ =	shalt  }
0x85: {  	_ =	shalt  }
0x86: {  	_ =	shalt  }
0x87: {  	_ =	shalt  }
.Lfunc_end0:
.L_simem_size_0:
called_computation.2_lowered:
.L_overlay_start_0:
0x88: {  	s2 =	sld [smem:$0x3FD9]  }
0x89: {  	s3 =	sld [smem:$0x3FFE];
	_ =	sdelay $0x1  }
0x8a: {  	s1 =	srdreg.scid  }
0x8b: {  	s0 =	sand.u32 $0x1, s1  }
0x8c: {  	s16 =	sshll.u32 s0, $0xA;
	s2 =	sadd.s32 s3, s2  }
0x8d: {  	s2 =	sadd.s32 s2, s16  }
0x8e: {  	[smem:$0x3FBF] =	sst s2  }
0x8f: {  	_ = 	snop  }
0x90: {  	(tm) =	ssettm $0x1  }
0x91: {  	s17 =	sld [smem:$0x3FFB];
	_ =	sdelay $0x3  }
0x92: {  	_ =	strace s17  }
0x93: {  	s2 =	sld [smem:$0x3FFC];
	_ =	sdelay $0x3  }
0x94: {  	_ =	strace s2  }
0x95: {  	s2 =	sld [smem:$0x3FFD];
	_ =	sdelay $0x3  }
0x96: {  	_ =	strace s2  }
0x97: {  	_ =	strace $0x8FFFFFFF  }
0x98: {  	s18 =	sld [smem:$0x3FDB];
	_ =	sdelay $0x1  }
0x99: {  	s19 =	simm.s32 $_scs_section_size  }
0x9a: {  	s4 =	simm.s32 $_size__tile_overlayer_lowered;
	s5 =	simm.s32 $_tile_overlayer_lowered  }
0x9b: {  	s22 =	simm.s32 $0x1BFF;
	s21 =	sshll.u32 s5, $0x1;
	s2 =	sadd.s32 s19, s18  }
0x9c: {  	s6 =	simm.s32 $0x0;
	s20 =	sshll.u32 s4, $0x1;
	s4 =	sadd.s32 s21, s2  }
0x9d: {  	[timem:s6], [sflag:s22] =	dma.local [hbm:s4], s20  }
0x9e: {  	_ =	swait.ge [sflag:s22], s20  }
0x9f: {  	s3 =	ssub.s32 $0x0, s20;
	[sflag:s22] =	ssyncset.done $0x0  }
0xa0: {  	[sflag:s22] =	ssyncadd.s32 s3;
	_ =	sdelay $0x1  }
0xa1: {  	s23 =	simm.s32 $0x1B8B  }
0xa2: {  	_ =	swait.ge [sflag:s23], $0x1  }
0xa3: {  	[sflag:s23] =	ssyncset.done $0x0  }
0xa4: {  	s25 =	simm.s32 $0x1B8E;
	s24 =	sld [smem:$0x3FFE];
	[sflag:s23] =	ssyncadd.s32 $0xFFFFFFFF  }
0xa5: {  	s26 =	simm.s32 $execute0_lowered;
	[smem:$0x3FD2] =	sst s25  }
0xa6: {  	s4 =	sshll.u32 s26, $0x1;
	_ =	strace $0x8000004C;
	[dreg:$0x1] =	wrdreg $0xFFFFFFFF  }
0xa7: {  	s28 =	simm.s32 $_size_execute0_lowered;
	s2 =	sadd.s32 s2, s4;
	[dreg:$0x0] =	wrdreg $0x0  }
0xa8: {  	s4 =	sshll.u32 s28, $0x1;
	[dreg:$0x2] =	wrdreg s2  }
0xa9: {  	[dreg:$0x3] =	wrdreg s4  }
0xaa: {  	[dreg:$0x4] =	wrdreg $0xC0  }
0xab: {  	_ =	task [dreg:s6], $0x5FFFF  }
0xac: {  	[dreg:$0x1] =	wrdreg $0xFFFFFFFF  }
0xad: {  	[dreg:$0x0] =	wrdreg $0x60  }
0xae: {  	[dreg:$0x2] =	wrdreg s24  }
0xaf: {  	[dreg:$0x3] =	wrdreg $0xB1000  }
0xb0: {  	[dreg:$0x4] =	wrdreg $0x151000  }
0xb1: {  	[dreg:$0x5] =	wrdreg $0x9  }
0xb2: {  	_ =	task.clear_ibuf [dreg:s6], $0x6FFFF;
	_ =	strace $0x9000004C  }
0xb3: {  	s29 =	simm.s32 $0x9;
	_ =	strace $0x8000004E  }
0xb4: {  	_ =	swait.ge [sflag:s29], $0x1  }
0xb5: {  	[sflag:s29] =	ssyncadd.s32 $0xFFFFFFFF  }
0xb6: {  	_ =	strace $0x9000004E  }
0xb7: {  	_ =	sfence  }
0xb8: {  	s30 =	sld [smem:$0x0];
	_ =	sdelay $0x2  }
0xb9: {  	s31 =	sshll.u32 s1, $0xD;
	s1 =	sshrl.u32 s1, $0x2  }
0xba: {  	s3 =	sand.u32 $0x4000, s31;
	s1 =	sadd.s32 s1, s30  }
0xbb: {  	s0 =	sor.u32 s3, s0;
	s1 =	sshll.u32 s1, $0x11  }
0xbc: {  	s0 =	sor.u32 s1, s0  }
0xbd: {  	s0 =	sadd.s32 $0x8F2B, s0  }
0xbe: {  	[sflag:s0] =	ssyncadd.remote.s32 $0x1  }
0xbf: {  	_ =	sfence.sel $0xFFFF  }
0xc0: {  	[dreg:$0x0] =	wrdreg $0xFFFFFFFF;
	(pc) =	sbr.abs _section_cstart, $3  }
0xc1: {  	[dreg:$0x1] =	wrdreg $0xFFFFFFFF  }
0xc2: {  	_ =	task.clear_ibuf [dreg:s6], $0x2FFFF;
	_ =	strace $0x9FFFFFFF  }
0xc3: {  	(tm) =	ssettm $0x7FFFFFFF  }
tec
execute0_lowered:
.L_overlay_start_1:
0x0: {  	(tag) =	ssettag $0x1  }
0x1: {  	s0 =	rddreg [dreg:$0x0]  }
0x2: {  	s1 =	rddreg [dreg:$0x1]  }
0x3: {  	s2 =	rddreg [dreg:$0x2];
	s3 =	srdreg.scid  }
0x4: {  	s4 =	simm.s32 $0x0;
	s7 =	stileid.u32;
	s15 =	simm.s32 $0x7  }
0x5: {  	s17 =	simm.s32 $0x2880;
	s18 =	simm.s32 $0x80;
	s19 =	simm.s32 $0x5100  }
0x6: {  	s20 =	simm.s32 $0x7100;
	s21 =	simm.s32 $0x1;
	s22 =	simm.s32 $0x100  }
0x7: {  	s23 =	simm.s32 $0x9100;
	s24 =	simm.s32 $0x2;
	s25 =	simm.s32 $0x2900  }
0x8: {  	s28 =	simm.s32 $0x3;
	s29 =	simm.s32 $0x5;
	s30 =	simm.s32 $0x6  }
0x9: {  	s3 =	sand.u32 $0x1, s3;
	[smem:$0x7FF] =	sst s4;
	s8 =	smul.u32 $0xA000, s7  }
0xa: {  	s10 =	sadd.s32 $0x16A00, s0;
	s11 =	sadd.s32 $0xCA00, s0;
	s9 =	smul.u32 $0x4F80, s7  }
0xb: {  	s26 =	sadd.s32 $0x2000, s0;
	s7 =	sshll.u32 s7, $0x6;
	s5 =	smul.u32 $0xA0000, s3  }
0xc: {  	_ =	strace $0x8000004D;
	[dreg:$0x4] =	wrdreg s26;
	s3 =	ssub.s32 $0x2, s3  }
0xd: {  	s7 =	sor.u32 $0x1C07, s7;
	s26 =	simm.s32 $0x4;
	s31 =	sshrl.u32 s3, $0x1  }
0xe: {  	s14 =	sadd.s32 s8, s1;
	s9 =	sshrl.u32 s9, $0x3;
	s16 =	sadd.s32 s8, s2  }
0xf: {  	s6 =	sadd.s32 s8, s5;
	s3 =	ssub.s32 s3, s31;
	s8 =	sadd.s32 s10, s9  }
0x10: {  	s12 =	sadd.s32 $0x510, s9;
	s9 =	sadd.s32 s11, s9;
	s14 =	sshrl.u32 s14, $0x3  }
0x11: {  	s16 =	sshrl.u32 s16, $0x3;
	s6 =	sshrl.u32 s6, $0x3;
	s10 =	sadd.s32 s10, s12  }
0x12: {  	s11 =	sadd.s32 s11, s12;
	s13 =	smax.u32 s3, $0x1;
	s0 =	sadd.s32 s6, s0  }
0x13: {  	s3 =	simm.s32 $0x0;
	s6 =	sadd.s32 $0x20A00, s0;
	s12 =	sadd.s32 $0x48A00, s0  }
.LBB2_1:
0x14: {  	[spmem:s14], [sflag:s7] =	dma.local [hbm:s6], $0x1400  }
0x15: {  	_ =	swait.ge [sflag:s15], $0x1400  }
0x16: {  	[sflag:s15] =	ssyncset.done $0x0  }
0x17: {  	s0 =	rddreg [dreg:$0x4];
	[sflag:s15] =	ssyncadd.s32 $0xFFFFEC00  }
0x18: {  	[spmem:s16], [sflag:s7] =	dma.local [hbm:s0], $0x1400  }
0x19: {  	_ =	swait.ge [sflag:s15], $0x1400  }
0x1a: {  	[sflag:s15] =	ssyncset.done $0x0  }
0x1b: {  	[sflag:s15] =	ssyncadd.s32 $0xFFFFEC00  }
0x1c: {  	[bflag:$0x0] =	sbarrier.arrive $0xFFFF  }
0x1d: {  	[tilespmem:s4], [sflag:$0x7] =	stream.linear.gather [hbm4b:s8+s4], $0x2880, $0x38;
	[tilespmem:$0x1F100] =	vst v63  }
0x1e: {  	_ =	swait.ge [sflag:s15], $0x2880  }
0x1f: {  	[sflag:s15] =	ssyncset.done $0x0  }
0x20: {  	[sflag:s15] =	ssyncadd.s32 $0xFFFFD780  }
0x21: {  	[tilespmem:s17], [sflag:$0x7] =	stream.linear.gather [hbm4b:s9+s4], $0x2880, $0x38;
	[tilespmem:$0x1F100] =	vst v63  }
0x22: {  	_ =	swait.ge [sflag:s15], $0x2880  }
0x23: {  	[sflag:s15] =	ssyncset.done $0x0  }
0x24: {  	[sflag:s15] =	ssyncadd.s32 $0xFFFFD780  }
0x25: {  	[tilespmem:s19], [sflag:$0x1] =	stream.indirect.gather [spmem:s1], $0x40, s4, s18, $0xb8;
	[tilespmem:$0x1F100] =	vst v63  }
0x26: {  	_ = 	snop  }
0x27: {  	[tilespmem:s20], [sflag:$0x2] =	stream.indirect.gather [spmem:s1], $0x40, s18, s18, $0xb8;
	[tilespmem:$0x1F100] =	vst v63  }
0x28: {  	_ =	swait.ge [sflag:s21], $0x2000  }
0x29: {  	[sflag:s21] =	ssyncset.done $0x0  }
0x2a: {  	[sflag:s21] =	ssyncadd.s32 $0xFFFFE000  }
0x2b: {  	[spmem:s2] =	stream.indirect.scatter.add.f32 [tilespmem:s19], [sflag:$0x4], $0x40, s17, s18, $0xb8;
	[tilespmem:$0x1F100] =	vst v63  }
0x2c: {  	_ = 	snop  }
0x2d: {  	[tilespmem:s23], [sflag:$0x3] =	stream.indirect.gather [spmem:s1], $0x40, s22, s18, $0xb8;
	[tilespmem:$0x1F100] =	vst v63  }
0x2e: {  	_ =	swait.ge [sflag:s24], $0x2000  }
0x2f: {  	[sflag:s24] =	ssyncset.done $0x0  }
0x30: {  	[sflag:s24] =	ssyncadd.s32 $0xFFFFE000  }
0x31: {  	[spmem:s2] =	stream.indirect.scatter.add.f32 [tilespmem:s20], [sflag:$0x5], $0x40, s25, s18, $0xb8;
	[tilespmem:$0x1F100] =	vst v63  }
0x32: {  	_ =	swait.ge [sflag:s26], $0x2000  }
0x33: {  	[sflag:s26] =	ssyncset.done $0x0  }
0x34: {  	s5 =	simm.s32 $0x180;
	[sflag:s26] =	ssyncadd.s32 $0xFFFFE000  }
0x35: {  	[tilespmem:s19], [sflag:$0x1] =	stream.indirect.gather [spmem:s1], $0x40, s5, s18, $0xb8;
	[tilespmem:$0x1F100] =	vst v63  }
0x36: {  	_ =	swait.ge [sflag:s28], $0x2000  }
0x37: {  	[sflag:s28] =	ssyncset.done $0x0  }
0x38: {  	s5 =	simm.s32 $0x2980;
	[sflag:s28] =	ssyncadd.s32 $0xFFFFE000  }
0x39: {  	[spmem:s2] =	stream.indirect.scatter.add.f32 [tilespmem:s23], [sflag:$0x6], $0x40, s5, s18, $0xb8;
	[tilespmem:$0x1F100] =	vst v63  }
0x3a: {  	_ =	swait.ge [sflag:s29], $0x2000  }
0x3b: {  	[sflag:s29] =	ssyncset.done $0x0  }
0x3c: {  	s5 =	simm.s32 $0x200;
	[sflag:s29] =	ssyncadd.s32 $0xFFFFE000  }
0x3d: {  	[tilespmem:s20], [sflag:$0x2] =	stream.indirect.gather [spmem:s1], $0x40, s5, s18, $0xb8;
	[tilespmem:$0x1F100] =	vst v63  }
0x3e: {  	_ =	swait.ge [sflag:s21], $0x2000  }
0x3f: {  	[sflag:s21] =	ssyncset.done $0x0  }
0x40: {  	s5 =	simm.s32 $0x2A00;
	[sflag:s21] =	ssyncadd.s32 $0xFFFFE000  }
0x41: {  	[spmem:s2] =	stream.indirect.scatter.add.f32 [tilespmem:s19], [sflag:$0x4], $0x40, s5, s18, $0xb8;
	[tilespmem:$0x1F100] =	vst v63  }
0x42: {  	_ =	swait.ge [sflag:s30], $0x2000  }
0x43: {  	[sflag:s30] =	ssyncset.done $0x0  }
0x44: {  	s5 =	simm.s32 $0x280;
	[sflag:s30] =	ssyncadd.s32 $0xFFFFE000  }
0x45: {  	[tilespmem:s23], [sflag:$0x3] =	stream.indirect.gather [spmem:s1], $0x40, s5, s18, $0xb8;
	[tilespmem:$0x1F100] =	vst v63  }
0x46: {  	_ =	swait.ge [sflag:s24], $0x2000  }
0x47: {  	[sflag:s24] =	ssyncset.done $0x0  }
0x48: {  	s31 =	simm.s32 $0x600;
	s0 =	simm.s32 $0x2A80;
	[sflag:s24] =	ssyncadd.s32 $0xFFFFE000  }
.LBB2_2:
0x49: {  	[spmem:s2] =	stream.indirect.scatter.add.f32 [tilespmem:s20], [sflag:$0x5], $0x40, s0, s18, $0xb8;
	[tilespmem:$0x1F100] =	vst v63  }
0x4a: {  	s0 =	smov.u32 s31  }
0x4b: {  	p0 =	sne.s32 s31, $0x9600;
	s31 =	sadd.s32 $0x600, s31;
	_ =	swait.ge [sflag:s26], $0x2000  }
0x4c: {  	s0 =	sshra.s32 s0, $0x2;
	[sflag:s26] =	ssyncset.done $0x0  }
0x4d: {  	s5 =	sadd.s32 $0x180, s0;
	[sflag:s26] =	ssyncadd.s32 $0xFFFFE000  }
0x4e: {  	[tilespmem:s19], [sflag:$0x1] =	stream.indirect.gather [spmem:s1], $0x40, s5, s18, $0xb8;
	[tilespmem:$0x1F100] =	vst v63  }
0x4f: {  	_ =	swait.ge [sflag:s28], $0x2000  }
0x50: {  	[sflag:s28] =	ssyncset.done $0x0  }
0x51: {  	s5 =	sadd.s32 $0x2980, s0;
	[sflag:s28] =	ssyncadd.s32 $0xFFFFE000  }
0x52: {  	[spmem:s2] =	stream.indirect.scatter.add.f32 [tilespmem:s23], [sflag:$0x6], $0x40, s5, s18, $0xb8;
	[tilespmem:$0x1F100] =	vst v63  }
0x53: {  	_ =	swait.ge [sflag:s29], $0x2000  }
0x54: {  	[sflag:s29] =	ssyncset.done $0x0  }
0x55: {  	s5 =	sadd.s32 $0x200, s0;
	[sflag:s29] =	ssyncadd.s32 $0xFFFFE000  }
0x56: {  	[tilespmem:s20], [sflag:$0x2] =	stream.indirect.gather [spmem:s1], $0x40, s5, s18, $0xb8;
	[tilespmem:$0x1F100] =	vst v63  }
0x57: {  	_ =	swait.ge [sflag:s21], $0x2000  }
0x58: {  	[sflag:s21] =	ssyncset.done $0x0  }
0x59: {  	s5 =	sadd.s32 $0x2A00, s0;
	[sflag:s21] =	ssyncadd.s32 $0xFFFFE000  }
0x5a: {  	[spmem:s2] =	stream.indirect.scatter.add.f32 [tilespmem:s19], [sflag:$0x4], $0x40, s5, s18, $0xb8;
	[tilespmem:$0x1F100] =	vst v63  }
0x5b: {  	_ =	swait.ge [sflag:s30], $0x2000  }
0x5c: {  	[sflag:s30] =	ssyncset.done $0x0  }
.Ltmp0:
0x5d: {  	s5 =	sadd.s32 $0x280, s0;
	[sflag:s30] =	ssyncadd.s32 $0xFFFFE000;
	(pc) =	sbr.rel @p0 .LBB2_2-.Ltmp0, $4  }
0x5e: {  	[tilespmem:s23], [sflag:$0x3] =	stream.indirect.gather [spmem:s1], $0x40, s5, s18, $0xb8;
	[tilespmem:$0x1F100] =	vst v63  }
0x5f: {  	_ =	swait.ge [sflag:s24], $0x2000  }
0x60: {  	[sflag:s24] =	ssyncset.done $0x0  }
0x61: {  	s0 =	sadd.s32 $0x2A80, s0;
	[sflag:s24] =	ssyncadd.s32 $0xFFFFE000  }
0x62: {  	[spmem:s2] =	stream.indirect.scatter.add.f32 [tilespmem:s20], [sflag:$0x5], $0x40, s0, s18, $0xb8;
	[tilespmem:$0x1F100] =	vst v63  }
0x63: {  	_ =	swait.ge [sflag:s26], $0x2000  }
0x64: {  	[sflag:s26] =	ssyncset.done $0x0  }
0x65: {  	[sflag:s26] =	ssyncadd.s32 $0xFFFFE000  }
0x66: {  	_ =	swait.ge [sflag:s28], $0x2000  }
0x67: {  	[sflag:s28] =	ssyncset.done $0x0  }
0x68: {  	s5 =	simm.s32 $0x5080;
	[sflag:s28] =	ssyncadd.s32 $0xFFFFE000  }
0x69: {  	[spmem:s2] =	stream.indirect.scatter.add.f32 [tilespmem:s23], [sflag:$0x6], $0x40, s5, s18, $0xb8;
	[tilespmem:$0x1F100] =	vst v63  }
0x6a: {  	_ =	swait.ge [sflag:s29], $0x2000  }
0x6b: {  	[sflag:s29] =	ssyncset.done $0x0  }
0x6c: {  	[sflag:s29] =	ssyncadd.s32 $0xFFFFE000  }
0x6d: {  	_ =	swait.ge [sflag:s30], $0x2000  }
0x6e: {  	[sflag:s30] =	ssyncset.done $0x0  }
0x6f: {  	s5 =	simm.s32 $0x0;
	[sflag:s30] =	ssyncadd.s32 $0xFFFFE000  }
0x70: {  	[tilespmem:s5], [sflag:$0x7] =	stream.linear.gather [hbm4b:s10+s5], $0x2700, $0x38;
	[tilespmem:$0x1F100] =	vst v63  }
0x71: {  	_ =	swait.ge [sflag:s15], $0x2700  }
0x72: {  	[sflag:s15] =	ssyncset.done $0x0  }
0x73: {  	[sflag:s15] =	ssyncadd.s32 $0xFFFFD900  }
0x74: {  	[tilespmem:s17], [sflag:$0x7] =	stream.linear.gather [hbm4b:s11+s5], $0x2700, $0x38;
	[tilespmem:$0x1F100] =	vst v63  }
0x75: {  	_ =	swait.ge [sflag:s15], $0x2700  }
0x76: {  	[sflag:s15] =	ssyncset.done $0x0  }
0x77: {  	[sflag:s15] =	ssyncadd.s32 $0xFFFFD900  }
0x78: {  	[tilespmem:s19], [sflag:$0x1] =	stream.indirect.gather [spmem:s1], $0x40, s5, s18, $0xb8;
	[tilespmem:$0x1F100] =	vst v63  }
0x79: {  	_ = 	snop  }
0x7a: {  	[tilespmem:s20], [sflag:$0x2] =	stream.indirect.gather [spmem:s1], $0x40, s18, s18, $0xb8;
	[tilespmem:$0x1F100] =	vst v63  }
0x7b: {  	_ =	swait.ge [sflag:s21], $0x2000  }
0x7c: {  	[sflag:s21] =	ssyncset.done $0x0  }
0x7d: {  	[sflag:s21] =	ssyncadd.s32 $0xFFFFE000  }
0x7e: {  	[spmem:s2] =	stream.indirect.scatter.add.f32 [tilespmem:s19], [sflag:$0x4], $0x40, s17, s18, $0xb8;
	[tilespmem:$0x1F100] =	vst v63  }
0x7f: {  	_ = 	snop  }
0x80: {  	[tilespmem:s23], [sflag:$0x3] =	stream.indirect.gather [spmem:s1], $0x40, s22, s18, $0xb8;
	[tilespmem:$0x1F100] =	vst v63  }
0x81: {  	_ =	swait.ge [sflag:s24], $0x2000  }
0x82: {  	[sflag:s24] =	ssyncset.done $0x0  }
0x83: {  	[sflag:s24] =	ssyncadd.s32 $0xFFFFE000  }
0x84: {  	[spmem:s2] =	stream.indirect.scatter.add.f32 [tilespmem:s20], [sflag:$0x5], $0x40, s25, s18, $0xb8;
	[tilespmem:$0x1F100] =	vst v63  }
0x85: {  	_ =	swait.ge [sflag:s26], $0x2000  }
0x86: {  	[sflag:s26] =	ssyncset.done $0x0  }
0x87: {  	s5 =	simm.s32 $0x180;
	[sflag:s26] =	ssyncadd.s32 $0xFFFFE000  }
0x88: {  	[tilespmem:s19], [sflag:$0x1] =	stream.indirect.gather [spmem:s1], $0x40, s5, s18, $0xb8;
	[tilespmem:$0x1F100] =	vst v63  }
0x89: {  	_ =	swait.ge [sflag:s28], $0x2000  }
0x8a: {  	[sflag:s28] =	ssyncset.done $0x0  }
0x8b: {  	s5 =	simm.s32 $0x2980;
	[sflag:s28] =	ssyncadd.s32 $0xFFFFE000  }
0x8c: {  	[spmem:s2] =	stream.indirect.scatter.add.f32 [tilespmem:s23], [sflag:$0x6], $0x40, s5, s18, $0xb8;
	[tilespmem:$0x1F100] =	vst v63  }
0x8d: {  	_ =	swait.ge [sflag:s29], $0x2000  }
0x8e: {  	[sflag:s29] =	ssyncset.done $0x0  }
0x8f: {  	s5 =	simm.s32 $0x200;
	[sflag:s29] =	ssyncadd.s32 $0xFFFFE000  }
0x90: {  	[tilespmem:s20], [sflag:$0x2] =	stream.indirect.gather [spmem:s1], $0x40, s5, s18, $0xb8;
	[tilespmem:$0x1F100] =	vst v63  }
0x91: {  	_ =	swait.ge [sflag:s21], $0x2000  }
0x92: {  	[sflag:s21] =	ssyncset.done $0x0  }
0x93: {  	s5 =	simm.s32 $0x2A00;
	[sflag:s21] =	ssyncadd.s32 $0xFFFFE000  }
0x94: {  	[spmem:s2] =	stream.indirect.scatter.add.f32 [tilespmem:s19], [sflag:$0x4], $0x40, s5, s18, $0xb8;
	[tilespmem:$0x1F100] =	vst v63  }
0x95: {  	_ =	swait.ge [sflag:s30], $0x2000  }
0x96: {  	[sflag:s30] =	ssyncset.done $0x0  }
0x97: {  	s5 =	simm.s32 $0x280;
	[sflag:s30] =	ssyncadd.s32 $0xFFFFE000  }
0x98: {  	[tilespmem:s23], [sflag:$0x3] =	stream.indirect.gather [spmem:s1], $0x40, s5, s18, $0xb8;
	[tilespmem:$0x1F100] =	vst v63  }
0x99: {  	_ =	swait.ge [sflag:s24], $0x2000  }
0x9a: {  	[sflag:s24] =	ssyncset.done $0x0  }
0x9b: {  	s31 =	simm.s32 $0x600;
	s0 =	simm.s32 $0x2A80;
	[sflag:s24] =	ssyncadd.s32 $0xFFFFE000  }
.LBB2_4:
0x9c: {  	[spmem:s2] =	stream.indirect.scatter.add.f32 [tilespmem:s20], [sflag:$0x5], $0x40, s0, s18, $0xb8;
	[tilespmem:$0x1F100] =	vst v63  }
0x9d: {  	s0 =	smov.u32 s31  }
0x9e: {  	p0 =	sne.s32 s31, $0x9000;
	s31 =	sadd.s32 $0x600, s31;
	_ =	swait.ge [sflag:s26], $0x2000  }
0x9f: {  	s0 =	sshra.s32 s0, $0x2;
	[sflag:s26] =	ssyncset.done $0x0  }
0xa0: {  	s5 =	sadd.s32 $0x180, s0;
	[sflag:s26] =	ssyncadd.s32 $0xFFFFE000  }
0xa1: {  	[tilespmem:s19], [sflag:$0x1] =	stream.indirect.gather [spmem:s1], $0x40, s5, s18, $0xb8;
	[tilespmem:$0x1F100] =	vst v63  }
0xa2: {  	_ =	swait.ge [sflag:s28], $0x2000  }
0xa3: {  	[sflag:s28] =	ssyncset.done $0x0  }
0xa4: {  	s5 =	sadd.s32 $0x2980, s0;
	[sflag:s28] =	ssyncadd.s32 $0xFFFFE000  }
0xa5: {  	[spmem:s2] =	stream.indirect.scatter.add.f32 [tilespmem:s23], [sflag:$0x6], $0x40, s5, s18, $0xb8;
	[tilespmem:$0x1F100] =	vst v63  }
0xa6: {  	_ =	swait.ge [sflag:s29], $0x2000  }
0xa7: {  	[sflag:s29] =	ssyncset.done $0x0  }
0xa8: {  	s5 =	sadd.s32 $0x200, s0;
	[sflag:s29] =	ssyncadd.s32 $0xFFFFE000  }
0xa9: {  	[tilespmem:s20], [sflag:$0x2] =	stream.indirect.gather [spmem:s1], $0x40, s5, s18, $0xb8;
	[tilespmem:$0x1F100] =	vst v63  }
0xaa: {  	_ =	swait.ge [sflag:s21], $0x2000  }
0xab: {  	[sflag:s21] =	ssyncset.done $0x0  }
0xac: {  	s5 =	sadd.s32 $0x2A00, s0;
	[sflag:s21] =	ssyncadd.s32 $0xFFFFE000  }
0xad: {  	[spmem:s2] =	stream.indirect.scatter.add.f32 [tilespmem:s19], [sflag:$0x4], $0x40, s5, s18, $0xb8;
	[tilespmem:$0x1F100] =	vst v63  }
0xae: {  	_ =	swait.ge [sflag:s30], $0x2000  }
0xaf: {  	[sflag:s30] =	ssyncset.done $0x0  }
.Ltmp1:
0xb0: {  	s5 =	sadd.s32 $0x280, s0;
	[sflag:s30] =	ssyncadd.s32 $0xFFFFE000;
	(pc) =	sbr.rel @p0 .LBB2_4-.Ltmp1, $4  }
0xb1: {  	[tilespmem:s23], [sflag:$0x3] =	stream.indirect.gather [spmem:s1], $0x40, s5, s18, $0xb8;
	[tilespmem:$0x1F100] =	vst v63  }
0xb2: {  	_ =	swait.ge [sflag:s24], $0x2000  }
0xb3: {  	[sflag:s24] =	ssyncset.done $0x0  }
0xb4: {  	s0 =	sadd.s32 $0x2A80, s0;
	[sflag:s24] =	ssyncadd.s32 $0xFFFFE000  }
0xb5: {  	[spmem:s2] =	stream.indirect.scatter.add.f32 [tilespmem:s20], [sflag:$0x5], $0x40, s0, s18, $0xb8;
	[tilespmem:$0x1F100] =	vst v63  }
0xb6: {  	_ =	swait.ge [sflag:s26], $0x2000  }
0xb7: {  	[sflag:s26] =	ssyncset.done $0x0  }
0xb8: {  	[sflag:s26] =	ssyncadd.s32 $0xFFFFE000  }
0xb9: {  	_ =	swait.ge [sflag:s28], $0x2000  }
0xba: {  	[sflag:s28] =	ssyncset.done $0x0  }
0xbb: {  	s31 =	simm.s32 $0x4F00;
	[sflag:s28] =	ssyncadd.s32 $0xFFFFE000  }
0xbc: {  	[spmem:s2] =	stream.indirect.scatter.add.f32 [tilespmem:s23], [sflag:$0x6], $0x40, s31, s18, $0xb8;
	[tilespmem:$0x1F100] =	vst v63  }
0xbd: {  	_ =	swait.ge [sflag:s29], $0x2000  }
0xbe: {  	[sflag:s29] =	ssyncset.done $0x0  }
0xbf: {  	[sflag:s29] =	ssyncadd.s32 $0xFFFFE000  }
0xc0: {  	_ =	swait.ge [sflag:s30], $0x2000  }
0xc1: {  	s3 =	sadd.s32 $0x1, s3;
	[sflag:s30] =	ssyncset.done $0x0  }
0xc2: {  	p0 =	sne.s32 s3, s13;
	[sflag:s30] =	ssyncadd.s32 $0xFFFFE000  }
.Ltmp2:
0xc3: {  	[bflag:$0x0] =	sbarrier.arrive $0xFFFF;
	(pc) =	sbr.rel @p0 .LBB2_1-.Ltmp2, $4  }
0xc4: {  	[hbm:s12], [sflag:s7] =	dma.local [spmem:s16], $0x1400  }
0xc5: {  	_ =	swait.ge [sflag:s15], $0x1400  }
0xc6: {  	[sflag:s15] =	ssyncset.done $0x0  }
0xc7: {  	[sflag:s15] =	ssyncadd.s32 $0xFFFFEC00  }
0xc8: {  	_ =	sfence.sel $0x180000  }
0xc9: {  	[bflag:$0x0] =	sbarrier.arrive $0xFFFF  }
0xca: {  	_ =	strace $0x9000004D  }
0xcb: {  	s0 =	stileid.u32;
	[bflag:$0x2] =	sbarrier.arrive $0xFFFF  }
0xcc: {  	p0 =	sne.s32 s0, $0x0;
	s0 =	rddreg [dreg:$0x3]  }
0xcd: {  	s0 =	sadd.s32 @!p0 $0x100000, s0  }
0xce: {  	[sflag:s0] =	ssyncadd.tile.s32 @!p0 $0x1;
	_ =	shalt  }
.Lfunc_end2:
_tile_overlayer_lowered:
.L_overlay_start_2:
0xcf: {  	(tag) =	ssettag $0x2  }
0xd0: {  	s0 =	rddreg [dreg:$0x0];
	s2 =	stileid.u32  }
0xd1: {  	s1 =	rddreg [dreg:$0x1];
	p0 =	sne.s32 s2, $0x0  }
0xd2: {  	s3 =	rddreg [dreg:$0x2];
	[bflag:$0x3] =	sbarrier.arrive $0xFFFF;
	s2 =	simm.s32 @!p0 $0x1C07  }
0xd3: {  	[timem:s3], [sflag:s2] =	dma.local @!p0 [hbm:s0], s1  }
0xd4: {  	s0 =	simm.s32 @!p0 $0x7  }
0xd5: {  	_ =	swait.ge @!p0 [sflag:s0], s1  }
0xd6: {  	s1 =	ssub.s32 @!p0 $0x0, s1;
	[sflag:s0] =	ssyncset.done @!p0 $0x0  }
0xd7: {  	[sflag:s0] =	ssyncadd.s32 @!p0 s1  }
0xd8: {  	[bflag:$0x3] =	sbarrier.arrive $0xFFFF  }
0xd9: {  	_ =	shalt  }

// kernel: kernel.9.cloned.1.call-start
scs
__scs_entry_jumppad:
0x0: {  	(pc) =	sbr.rel $0x88, $3  }
0x1: {  	(tag) =	ssettag $0x0;
	lr =	simm.s32 $0x1  }
0x2: {  	[smem:$0x3F98] =	sst lr;
	_ =	strace $0xD0000000  }
0x3: {  	_ = 	snop  }
0x4: {  	_ = 	snop  }
0x5: {  	_ = 	snop  }
0x6: {  	_ = 	snop  }
0x7: {  	_ = 	snop  }
__scs_overlays_trampoline_lowered:
0x8: {  	[smem:$0x3FA7] =	sst s0  }
0x9: {  	[smem:$0x3FA8] =	sst s1  }
0xa: {  	[smem:$0x3FA9] =	sst s2  }
0xb: {  	[smem:$0x3FAA] =	sst s3  }
0xc: {  	[smem:$0x3FAB] =	sst s4  }
0xd: {  	[smem:$0x3FAC] =	sst s5  }
0xe: {  	[smem:$0x3FAD] =	sst s6  }
0xf: {  	[smem:$0x3FAE] =	sst s7  }
0x10: {  	[smem:$0x3FAF] =	sst s8  }
0x11: {  	[smem:$0x3FB0] =	sst s9;
	s0 =	simm.s32 @!p0 $0x0  }
0x12: {  	s1 =	sld [smem:$0x3F96];
	s0 =	simm.s32 @p0 $0x1  }
0x13: {  	[smem:$0x3FB1] =	sst s0;
	s0 =	simm.s32 @!p1 $0x0  }
0x14: {  	s2 =	sld [smem:$0x3F95];
	s0 =	simm.s32 @p1 $0x1  }
0x15: {  	[smem:$0x3FB2] =	sst s0;
	s0 =	simm.s32 @!p2 $0x0  }
0x16: {  	s3 =	sld [smem:$0x3FDB];
	s0 =	simm.s32 @p2 $0x1  }
0x17: {  	s4 =	simm.s32 $0x1BF5;
	[smem:$0x3FB4] =	sst s0  }
0x18: {  	s0 =	sld [smem:$0x3F97];
	_ =	swait.ge [sflag:s4], $0x0  }
0x19: {  	s7 =	sld [smem:$0x3F98]  }
0x1a: {  	s8 =	sadd.s32 $0xFFFFE003, lr  }
0x1b: {  	s9 =	sadd.s32 $0xFFFFFEF7, lr;
	s5 =	simm.s32 $0xFFFFFFFF;
	p2 =	slt.u32 s8, $0xFFFFF086  }
0x1c: {  	p1 =	slt.u32 s9, $0xF7A;
	s5 =	simm.s32 @!p2 $0x0  }
0x1d: {  	s5 =	simm.s32 @p1 $0x1;
	p0 =	seq.s32 s7, s2  }
0x1e: {  	s7 =	smul.u32 @!p0 $0xF7A, s2;
	p2 =	seq.s32 @!p0 s5, $0x0  }
0x1f: {  	s9 =	smul.u32 $0xF7A, s1;
	s8 =	simm.s32 @!p0 $0x1BF5;
	p2 =	por !p2, p0  }
0x20: {  	[sflag:s8] =	ssyncset.s32 @!p0 $0xFFFFF086;
	s6 =	sadd.s32 @!p0 s3, s7;
	s7 =	simm.s32 @!p0 $0x108  }
0x21: {  	s3 =	sadd.s32 s3, s9;
	s6 =	sadd.s32 @!p0 $0x88, s6;
	s7 =	simm.s32 @p2 $0x1082  }
0x22: {  	[simem:s7], [sflag:s8] =	dma.local @!p0 [hbm:s6], $0xF7A  }
0x23: {  	s9 =	sor.u32 $0xD0000000, s2;
	s6 =	simm.s32 $0x108;
	_ =	swait.ge @!p0 [sflag:s8], $0x0  }
0x24: {  	s3 =	sadd.s32 $0x88, s3;
	s6 =	simm.s32 @!p1 $0x1082;
	[sflag:s4] =	ssyncset.s32 $0xFFFFF086  }
0x25: {  	[simem:s6], [sflag:s4] =	dma.local [hbm:s3], $0xF7A  }
0x26: {  	[smem:$0x3F98] =	sst s1;
	(tag) =	ssettag s2;
	_ =	strace s9  }
0x27: {  	s1 =	sld [smem:$0x3FA8]  }
0x28: {  	s2 =	sld [smem:$0x3FA9]  }
0x29: {  	s4 =	sld [smem:$0x3FAB]  }
0x2a: {  	p0 =	seq.s32 s5, $0x0;
	s5 =	sld [smem:$0x3FAC]  }
0x2b: {  	s6 =	sld [smem:$0x3FAD]  }
0x2c: {  	s7 =	sld [smem:$0x3FAE]  }
0x2d: {  	s3 =	simm.s32 $0x108;
	s8 =	sld [smem:$0x3FAF]  }
0x2e: {  	s3 =	simm.s32 @!p0 $0x1082;
	s9 =	sld [smem:$0x3FB0]  }
0x2f: {  	lr =	sadd.s32 s0, s3;
	s0 =	sld [smem:$0x3FA7]  }
0x30: {  	s3 =	sld [smem:$0x3FAA]  }
0x31: {  	[smem:$0x3FB3] =	sst s10  }
0x32: {  	s10 =	sld [smem:$0x3FB1];
	_ =	sdelay $0x3  }
0x33: {  	p0 =	seq.s32 s10, $0x1;
	s10 =	sld [smem:$0x3FB3];
	_ =	sdelay $0x3  }
0x34: {  	[smem:$0x3FB3] =	sst s10  }
0x35: {  	s10 =	sld [smem:$0x3FB2];
	_ =	sdelay $0x3  }
0x36: {  	p1 =	seq.s32 s10, $0x1;
	s10 =	sld [smem:$0x3FB3];
	_ =	sdelay $0x3  }
0x37: {  	[smem:$0x3FB3] =	sst s10  }
0x38: {  	s10 =	sld [smem:$0x3FB4]  }
0x39: {  	_ = 	snop;
	(pc) =	sbr.ind lr, $3  }
0x3a: {  	_ = 	snop  }
0x3b: {  	_ = 	snop  }
0x3c: {  	p2 =	seq.s32 s10, $0x1;
	s10 =	sld [smem:$0x3FB3]  }
0x3d: {  	_ =	shalt  }
0x3e: {  	_ =	shalt  }
0x3f: {  	_ =	shalt  }
0x40: {  	_ =	shalt  }
0x41: {  	_ =	shalt  }
0x42: {  	_ =	shalt  }
0x43: {  	_ =	shalt  }
0x44: {  	_ =	shalt  }
0x45: {  	_ =	shalt  }
0x46: {  	_ =	shalt  }
0x47: {  	_ =	shalt  }
0x48: {  	_ =	shalt  }
0x49: {  	_ =	shalt  }
0x4a: {  	_ =	shalt  }
0x4b: {  	_ =	shalt  }
0x4c: {  	_ =	shalt  }
0x4d: {  	_ =	shalt  }
0x4e: {  	_ =	shalt  }
0x4f: {  	_ =	shalt  }
0x50: {  	_ =	shalt  }
0x51: {  	_ =	shalt  }
0x52: {  	_ =	shalt  }
0x53: {  	_ =	shalt  }
0x54: {  	_ =	shalt  }
0x55: {  	_ =	shalt  }
0x56: {  	_ =	shalt  }
0x57: {  	_ =	shalt  }
0x58: {  	_ =	shalt  }
0x59: {  	_ =	shalt  }
0x5a: {  	_ =	shalt  }
0x5b: {  	_ =	shalt  }
0x5c: {  	_ =	shalt  }
0x5d: {  	_ =	shalt  }
0x5e: {  	_ =	shalt  }
0x5f: {  	_ =	shalt  }
0x60: {  	_ =	shalt  }
0x61: {  	_ =	shalt  }
0x62: {  	_ =	shalt  }
0x63: {  	_ =	shalt  }
0x64: {  	_ =	shalt  }
0x65: {  	_ =	shalt  }
0x66: {  	_ =	shalt  }
0x67: {  	_ =	shalt  }
0x68: {  	_ =	shalt  }
0x69: {  	_ =	shalt  }
0x6a: {  	_ =	shalt  }
0x6b: {  	_ =	shalt  }
0x6c: {  	_ =	shalt  }
0x6d: {  	_ =	shalt  }
0x6e: {  	_ =	shalt  }
0x6f: {  	_ =	shalt  }
0x70: {  	_ =	shalt  }
0x71: {  	_ =	shalt  }
0x72: {  	_ =	shalt  }
0x73: {  	_ =	shalt  }
0x74: {  	_ =	shalt  }
0x75: {  	_ =	shalt  }
0x76: {  	_ =	shalt  }
0x77: {  	_ =	shalt  }
0x78: {  	_ =	shalt  }
0x79: {  	_ =	shalt  }
0x7a: {  	_ =	shalt  }
0x7b: {  	_ =	shalt  }
0x7c: {  	_ =	shalt  }
0x7d: {  	_ =	shalt  }
0x7e: {  	_ =	shalt  }
0x7f: {  	_ =	shalt  }
0x80: {  	_ =	shalt  }
0x81: {  	_ =	shalt  }
0x82: {  	_ =	shalt  }
0x83: {  	_ =	shalt  }
0x84: {  	_ =	shalt  }
0x85: {  	_ =	shalt  }
0x86: {  	_ =	shalt  }
0x87: {  	_ =	shalt  }
.Lfunc_end0:
.L_simem_size_0:
called_computation_lowered:
.L_overlay_start_0:
0x88: {  	s2 =	sld [smem:$0x3FD9]  }
0x89: {  	s3 =	sld [smem:$0x3FFE];
	_ =	sdelay $0x1  }
0x8a: {  	s1 =	srdreg.scid  }
0x8b: {  	s0 =	sand.u32 $0x1, s1  }
0x8c: {  	s17 =	sshll.u32 s0, $0xA;
	s2 =	sadd.s32 s3, s2  }
0x8d: {  	s2 =	sadd.s32 s2, s17  }
0x8e: {  	[smem:$0x3FBF] =	sst s2  }
0x8f: {  	_ = 	snop  }
0x90: {  	s2 =	sld [smem:$0x3FD0];
	(tm) =	ssettm $0x1  }
0x91: {  	s18 =	sld [smem:$0x3FFB];
	_ =	sdelay $0x3  }
0x92: {  	_ =	strace s18  }
0x93: {  	s3 =	sld [smem:$0x3FFC];
	_ =	sdelay $0x3  }
0x94: {  	_ =	strace s3  }
0x95: {  	s3 =	sld [smem:$0x3FFD];
	_ =	sdelay $0x3  }
0x96: {  	_ =	strace s3  }
0x97: {  	_ =	strace $0x8FFFFFFF  }
0x98: {  	s19 =	sld [smem:$0x3FDB];
	_ =	sdelay $0x1  }
0x99: {  	s4 =	simm.s32 $_scs_section_size  }
0x9a: {  	s5 =	simm.s32 $_size__tile_overlayer_lowered;
	s6 =	simm.s32 $_tile_overlayer_lowered  }
0x9b: {  	s22 =	simm.s32 $0x1BFF;
	s21 =	sshll.u32 s6, $0x1;
	s3 =	sadd.s32 s4, s19  }
0x9c: {  	s7 =	simm.s32 $0x0;
	s20 =	sshll.u32 s5, $0x1;
	s5 =	sadd.s32 s21, s3  }
0x9d: {  	[timem:s7], [sflag:s22] =	dma.local [hbm:s5], s20  }
0x9e: {  	_ =	swait.ge [sflag:s22], s20  }
0x9f: {  	s4 =	ssub.s32 $0x0, s20;
	[sflag:s22] =	ssyncset.done $0x0  }
0xa0: {  	[sflag:s22] =	ssyncadd.s32 s4;
	_ =	sdelay $0x1  }
0xa1: {  	s23 =	simm.s32 $0x1B8B  }
0xa2: {  	_ =	swait.ge [sflag:s23], $0x1  }
0xa3: {  	[sflag:s23] =	ssyncset.done $0x0  }
0xa4: {  	s25 =	simm.s32 $0x1B8E;
	s24 =	sld [smem:$0x3FFE];
	[sflag:s23] =	ssyncadd.s32 $0xFFFFFFFF  }
0xa5: {  	s26 =	simm.s32 $execute0_lowered;
	[smem:$0x3FD2] =	sst s25  }
0xa6: {  	s5 =	sshll.u32 s26, $0x1;
	_ =	strace $0x80000046;
	[dreg:$0x1] =	wrdreg $0xFFFFFFFF  }
0xa7: {  	s28 =	simm.s32 $_size_execute0_lowered;
	s3 =	sadd.s32 s3, s5;
	[dreg:$0x0] =	wrdreg $0x0  }
0xa8: {  	s5 =	sshll.u32 s28, $0x1;
	[dreg:$0x2] =	wrdreg s3  }
0xa9: {  	[dreg:$0x3] =	wrdreg s5  }
0xaa: {  	[dreg:$0x4] =	wrdreg $0xC0  }
0xab: {  	_ =	task [dreg:s7], $0x5FFFF  }
0xac: {  	[dreg:$0x1] =	wrdreg $0xFFFFFFFF  }
0xad: {  	[dreg:$0x0] =	wrdreg $0x60  }
0xae: {  	[dreg:$0x2] =	wrdreg s24  }
0xaf: {  	[dreg:$0x3] =	wrdreg s2  }
0xb0: {  	[dreg:$0x4] =	wrdreg $0x28800  }
0xb1: {  	[dreg:$0x5] =	wrdreg $0x9  }
0xb2: {  	_ =	task.clear_ibuf [dreg:s7], $0x6FFFF;
	_ =	strace $0x90000046  }
0xb3: {  	s29 =	simm.s32 $0x9;
	_ =	strace $0x80000048  }
0xb4: {  	_ =	swait.ge [sflag:s29], $0x1  }
0xb5: {  	[sflag:s29] =	ssyncadd.s32 $0xFFFFFFFF  }
0xb6: {  	_ =	strace $0x90000048  }
0xb7: {  	_ =	sfence  }
0xb8: {  	s30 =	sld [smem:$0x0];
	_ =	sdelay $0x2  }
0xb9: {  	s31 =	sshll.u32 s1, $0xD;
	s1 =	sshrl.u32 s1, $0x2  }
0xba: {  	s3 =	sand.u32 $0x4000, s31;
	s1 =	sadd.s32 s1, s30  }
0xbb: {  	s0 =	sor.u32 s3, s0;
	s1 =	sshll.u32 s1, $0x11  }
0xbc: {  	s0 =	sor.u32 s1, s0  }
0xbd: {  	s0 =	sadd.s32 $0x8F2B, s0  }
0xbe: {  	[sflag:s0] =	ssyncadd.remote.s32 $0x1  }
0xbf: {  	_ =	sfence.sel $0xFFFF  }
0xc0: {  	[dreg:$0x0] =	wrdreg $0xFFFFFFFF;
	(pc) =	sbr.abs _section_cstart, $3  }
0xc1: {  	[dreg:$0x1] =	wrdreg $0xFFFFFFFF  }
0xc2: {  	_ =	task.clear_ibuf [dreg:s7], $0x2FFFF;
	_ =	strace $0x9FFFFFFF  }
0xc3: {  	(tm) =	ssettm $0x7FFFFFFF  }
tec
execute0_lowered:
.L_overlay_start_1:
0x0: {  	(tag) =	ssettag $0x1  }
0x1: {  	s5 =	rddreg [dreg:$0x0]  }
0x2: {  	s1 =	rddreg [dreg:$0x1]  }
0x3: {  	s3 =	rddreg [dreg:$0x2]  }
0x4: {  	s0 =	rddreg [dreg:$0x3]  }
0x5: {  	s4 =	simm.s32 $0x0;
	s6 =	srdreg.scid;
	s2 =	stileid.u32  }
0x6: {  	s11 =	simm.s32 $0x80;
	s12 =	simm.s32 $0x2800;
	s13 =	simm.s32 $0x20  }
0x7: {  	s14 =	simm.s32 $0x10;
	s15 =	simm.s32 $0x0;
	s6 =	sand.u32 $0x1, s6  }
0x8: {  	s7 =	sshll.u32 s2, $0x1;
	s8 =	smul.u32 $0x500, s2;
	[smem:$0x7FF] =	sst s4  }
0x9: {  	s28 =	smul.u32 $0xA00, s2;
	s31 =	sshll.u32 s2, $0x6;
	s7 =	sor.u32 s6, s7  }
0xa: {  	s9 =	sshll.u32 s6, $0x7;
	_ =	strace $0x80000047;
	s6 =	ssub.s32 $0x2, s6  }
0xb: {  	s7 =	smul.u32 $0x500, s7;
	s8 =	sor.u32 s9, s8;
	s29 =	sshrl.u32 s6, $0x1  }
0xc: {  	s30 =	sshrl.u32 s28, $0x2;
	s8 =	sshrl.u32 s8, $0x3;
	s10 =	ssub.s32 s6, s29  }
0xd: {  	s9 =	sadd.s32 s30, s3;
	s7 =	sadd.s32 s7, s5;
	s8 =	sadd.s32 s8, s5  }
0xe: {  	s5 =	sor.u32 $0x1C01, s31;
	s9 =	sshrl.u32 s9, $0x3;
	s6 =	sadd.s32 $0x2000, s7  }
0xf: {  	v0 =	vimm.f32 $1.000000000e+00;
	s7 =	sadd.s32 $0xC000, s8;
	s8 =	smax.u32 s10, $0x1;
	s10 =	simm.s32 $0x1  }
.LBB2_1:
0x10: {  	[spmem:s9], [sflag:s5] =	dma.local [hbm:s1], $0x50  }
0x11: {  	_ =	swait.ge [sflag:s10], $0x50  }
0x12: {  	[sflag:s10] =	ssyncset.done $0x0  }
0x13: {  	[sflag:s10] =	ssyncadd.s32 $0xFFFFFFB0  }
0x14: {  	[tilespmem:s4], [sflag:$0x1] =	stream.linear.gather [hbm4b:s6+s4], $0x2800, $0x38;
	[tilespmem:$0x2B00] =	vst v63  }
0x15: {  	_ =	swait.ge [sflag:s10], $0x2800  }
0x16: {  	[sflag:s10] =	ssyncset.done $0x0  }
0x17: {  	[sflag:s10] =	ssyncadd.s32 $0xFFFFD800  }
0x18: {  	[tilespmem:$0x2800] =	vst v0  }
0x19: {  	[tilespmem:$0x2810] =	vst v0  }
0x1a: {  	[tilespmem:$0x2820] =	vst v0  }
0x1b: {  	[tilespmem:$0x2830] =	vst v0  }
0x1c: {  	[tilespmem:$0x2840] =	vst v0  }
0x1d: {  	[tilespmem:$0x2850] =	vst v0  }
0x1e: {  	[tilespmem:$0x2860] =	vst v0  }
0x1f: {  	[tilespmem:$0x2870] =	vst v0  }
0x20: {  	s16 =	simm.s32 $0x0;
	[bflag:$0x0] =	sbarrier.arrive $0xFFFF  }
0x21: {  	[spmem:s3] =	stream.indirect.scatter.add.f32 [tilespmem:s12], [sflag:$0x1], $0x1, s16, s11, $0xb8;
	[tilespmem:$0x2B00] =	vst v63  }
0x22: {  	_ =	swait.ge [sflag:s10], $0x80  }
0x23: {  	s16 =	simm.s32 $0x200;
	[sflag:s10] =	ssyncset.done $0x0  }
.LBB2_2:
0x24: {  	s17 =	sshra.s32 s16, $0x2;
	[sflag:s10] =	ssyncadd.s32 $0xFFFFFF80;
	p0 =	sne.s32 s16, $0x9E00  }
0x25: {  	[spmem:s3] =	stream.indirect.scatter.add.f32 [tilespmem:s12], [sflag:$0x1], $0x1, s17, s11, $0xb8;
	[tilespmem:$0x2B00] =	vst v63  }
.Ltmp0:
0x26: {  	_ = 	snop;
	(pc) =	sbr.rel @p0 .LBB2_2-.Ltmp0, $4  }
0x27: {  	_ = 	snop  }
0x28: {  	s16 =	sadd.s32 $0x200, s16  }
0x29: {  	_ =	swait.ge [sflag:s10], $0x80  }
0x2a: {  	[sflag:s10] =	ssyncset.done $0x0  }
0x2b: {  	s15 =	sadd.s32 $0x1, s15  }
0x2c: {  	[sflag:s10] =	ssyncadd.s32 $0xFFFFFF80;
	p0 =	sne.s32 s15, s8  }
.Ltmp1:
0x2d: {  	[bflag:$0x0] =	sbarrier.arrive $0xFFFF;
	(pc) =	sbr.rel @p0 .LBB2_1-.Ltmp1, $4  }
0x2e: {  	[hbm:s7@s13], [sflag:s5] =	dma.strided [spmem:s9@s14], $0x50, s10, $0x10   }
0x2f: {  	_ =	swait.ge [sflag:s10], $0x50  }
0x30: {  	[sflag:s10] =	ssyncset.done $0x0  }
0x31: {  	[sflag:s10] =	ssyncadd.s32 $0xFFFFFFB0  }
0x32: {  	_ =	sfence.sel $0x180000  }
0x33: {  	[bflag:$0x0] =	sbarrier.arrive $0xFFFF  }
0x34: {  	p0 =	sne.s32 s2, $0x0;
	_ =	strace $0x90000047  }
0x35: {  	s0 =	sadd.s32 @!p0 $0x100000, s0;
	[bflag:$0x2] =	sbarrier.arrive $0xFFFF  }
0x36: {  	[sflag:s0] =	ssyncadd.tile.s32 @!p0 $0x1;
	_ =	shalt  }
.Lfunc_end2:
_tile_overlayer_lowered:
.L_overlay_start_2:
0x37: {  	(tag) =	ssettag $0x2  }
0x38: {  	s0 =	rddreg [dreg:$0x0];
	s2 =	stileid.u32  }
0x39: {  	s1 =	rddreg [dreg:$0x1];
	p0 =	sne.s32 s2, $0x0  }
0x3a: {  	s3 =	rddreg [dreg:$0x2];
	[bflag:$0x3] =	sbarrier.arrive $0xFFFF;
	s2 =	simm.s32 @!p0 $0x1C01  }
0x3b: {  	[timem:s3], [sflag:s2] =	dma.local @!p0 [hbm:s0], s1  }
0x3c: {  	s0 =	simm.s32 @!p0 $0x1  }
0x3d: {  	_ =	swait.ge @!p0 [sflag:s0], s1  }
0x3e: {  	s1 =	ssub.s32 @!p0 $0x0, s1;
	[sflag:s0] =	ssyncset.done @!p0 $0x0  }
0x3f: {  	[sflag:s0] =	ssyncadd.s32 @!p0 s1  }
0x40: {  	[bflag:$0x3] =	sbarrier.arrive $0xFFFF  }
0x41: {  	_ =	shalt  }

</sc_bundles>
